<compile_context>
chip_gen: v7x
topology: tpu7x:2x2x1
jax: 0.10.2.dev20260603
libtpu: 0.0.44.dev20260713+nightly
codegen_flags: <defaults>
</compile_context>

<pallas_src>
import functools

import jax
import jax.numpy as jnp
from jax import lax
from jax.experimental import pallas as pl
from jax.experimental.pallas import tpu as pltpu
from jax.experimental.pallas import tpu_sc as plsc

N = 10000
E = 320000
D = 128
DH = D // 2
DE = 16
DDG = 8

NC = 2
NS = 16
NW = NC * NS
CH = 128
EPW = E // NW
NFULL_P = EPW // CH
TAIL_P = EPW - NFULL_P * CH
EPT = E // NS
NFULL_E = EPT // CH
TAIL_E = EPT - NFULL_E * CH
NPAD = 10240
RPT = NPAD // NS
ZR = 320
TAIL = N - (NS - 1) * RPT - ZR
NV = N - (NS - 1) * RPT


@functools.lru_cache(maxsize=None)
def _mesh():
    return plsc.VectorSubcoreMesh(
        core_axis_name="c", subcore_axis_name="s",
        num_cores=NC, num_subcores=NS)


def _leaky(v):
    return jnp.where(v >= 0, v, 0.01 * v)


def _deg_body(dst_hbm, ones_hbm, z8_hbm, out_dg,
              dsti, ones_buf, st8, acc_dg, sem0, sem1):
    c = lax.axis_index("c")
    s = lax.axis_index("s")
    base = (c * NS + s) * EPW

    pltpu.sync_copy(z8_hbm, st8)
    pltpu.sync_copy(st8, acc_dg.at[pl.ds(s * RPT, RPT)])
    pltpu.sync_copy(ones_hbm, ones_buf)
    pltpu.sync_copy(dst_hbm.at[pl.ds(base, EPW)], dsti)
    plsc.subcore_barrier()

    def body(i, carry):
        for b, sem in enumerate((sem0, sem1)):
            jj = 2 * i + b
            pltpu.async_copy(
                ones_buf, acc_dg.at[dsti.at[pl.ds(jj * CH, CH)]], sem,
                add=True)
        for b, sem in enumerate((sem0, sem1)):
            jj = 2 * i + b
            pltpu.make_async_copy(
                ones_buf, acc_dg.at[dsti.at[pl.ds(jj * CH, CH)]], sem).wait()
        return carry

    lax.fori_loop(0, NFULL_P // 2, body, 0)
    pltpu.sync_copy(ones_buf.at[pl.ds(0, TAIL_P)],
                    acc_dg.at[dsti.at[pl.ds(NFULL_P * CH, TAIL_P)]], add=True)
    plsc.subcore_barrier()

    pltpu.sync_copy(acc_dg.at[pl.ds(s * RPT, RPT)], st8)

    @pl.when(s < NS - 1)
    def _():
        pltpu.sync_copy(
            st8, out_dg.at[pl.ds(s * RPT, RPT), pl.ds(c * DDG, DDG)])

    @pl.when(s == NS - 1)
    def _():
        pltpu.sync_copy(
            st8.at[pl.ds(0, NV)],
            out_dg.at[pl.ds((NS - 1) * RPT, NV), pl.ds(c * DDG, DDG)])


@functools.lru_cache(maxsize=None)
def _deg_pass():
    return pl.kernel(
        _deg_body,
        out_type=jax.ShapeDtypeStruct((N, 2 * DDG), jnp.float32),
        mesh=_mesh(),
        scratch_types=[
            pltpu.VMEM((EPW,), jnp.int32),
            pltpu.VMEM((CH, DDG), jnp.float32),
            pltpu.VMEM((RPT, DDG), jnp.float32),
            pltpu.VMEM_SHARED((NPAD, DDG), jnp.float32),
            pltpu.SemaphoreType.DMA,
            pltpu.SemaphoreType.DMA,
        ],
        compiler_params=pltpu.CompilerParams(use_tc_tiling_on_sc=False),
    )


def _ea_body(ea_hbm, dst_hbm, z16_hbm, dep_hbm, out_ea,
             dsti, ea_buf0, ea_buf1, st16, acc_ea, sem0, sem1):
    del dep_hbm
    c = lax.axis_index("c")
    s = lax.axis_index("s")
    base = (c * NS + s) * EPW

    pltpu.sync_copy(z16_hbm, st16)
    pltpu.sync_copy(st16, acc_ea.at[pl.ds(s * RPT, RPT)])
    pltpu.sync_copy(dst_hbm.at[pl.ds(base, EPW)], dsti)
    plsc.subcore_barrier()

    pltpu.async_copy(ea_hbm.at[pl.ds(base, CH)], ea_buf0, sem0)
    pltpu.async_copy(ea_hbm.at[pl.ds(base + CH, CH)], ea_buf1, sem1)

    def body(i, carry):
        for b, (buf, sem) in enumerate(((ea_buf0, sem0), (ea_buf1, sem1))):
            jj = 2 * i + b
            pltpu.make_async_copy(
                ea_hbm.at[pl.ds(base + jj * CH, CH)], buf, sem).wait()
            pltpu.sync_copy(buf, acc_ea.at[dsti.at[pl.ds(jj * CH, CH)]],
                            add=True)

            @pl.when(jj + 2 < NFULL_P)
            def _():
                pltpu.async_copy(
                    ea_hbm.at[pl.ds(base + (jj + 2) * CH, CH)], buf, sem)
        return carry

    lax.fori_loop(0, NFULL_P // 2, body, 0)

    pltpu.sync_copy(ea_hbm.at[pl.ds(base + NFULL_P * CH, TAIL_P)],
                    ea_buf0.at[pl.ds(0, TAIL_P)])
    pltpu.sync_copy(ea_buf0.at[pl.ds(0, TAIL_P)],
                    acc_ea.at[dsti.at[pl.ds(NFULL_P * CH, TAIL_P)]], add=True)
    plsc.subcore_barrier()

    pltpu.sync_copy(acc_ea.at[pl.ds(s * RPT, RPT)], st16)

    @pl.when(s < NS - 1)
    def _():
        pltpu.sync_copy(
            st16, out_ea.at[pl.ds(s * RPT, RPT), pl.ds(c * DE, DE)])

    @pl.when(s == NS - 1)
    def _():
        pltpu.sync_copy(
            st16.at[pl.ds(0, NV)],
            out_ea.at[pl.ds((NS - 1) * RPT, NV), pl.ds(c * DE, DE)])


@functools.lru_cache(maxsize=None)
def _ea_pass():
    return pl.kernel(
        _ea_body,
        out_type=jax.ShapeDtypeStruct((N, 2 * DE), jnp.float32),
        mesh=_mesh(),
        scratch_types=[
            pltpu.VMEM((EPW,), jnp.int32),
            pltpu.VMEM((CH, DE), jnp.float32),
            pltpu.VMEM((CH, DE), jnp.float32),
            pltpu.VMEM((RPT, DE), jnp.float32),
            pltpu.VMEM_SHARED((NPAD, DE), jnp.float32),
            pltpu.SemaphoreType.DMA,
            pltpu.SemaphoreType.DMA,
        ],
        compiler_params=pltpu.CompilerParams(use_tc_tiling_on_sc=False),
    )


def _edge_body(t_hbm, src2_hbm, dst_hbm, zero_hbm, out_p,
               srci, dsti, rows0, rows1, st_buf, acc, sem0, sem1):
    c = lax.axis_index("c")
    s = lax.axis_index("s")

    pltpu.sync_copy(zero_hbm, st_buf)
    pltpu.sync_copy(st_buf, acc.at[pl.ds(s * RPT, ZR)])
    pltpu.sync_copy(st_buf, acc.at[pl.ds(s * RPT + ZR, ZR)])
    pltpu.sync_copy(src2_hbm.at[c, pl.ds(s * EPT, EPT)], srci)
    pltpu.sync_copy(dst_hbm.at[pl.ds(s * EPT, EPT)], dsti)
    plsc.subcore_barrier()

    pltpu.async_copy(t_hbm.at[srci.at[pl.ds(0, CH)]], rows0, sem0)
    pltpu.async_copy(t_hbm.at[srci.at[pl.ds(CH, CH)]], rows1, sem1)

    def body(i, carry):
        for b, (rows, sem) in enumerate(((rows0, sem0), (rows1, sem1))):
            jj = 2 * i + b
            pltpu.make_async_copy(
                t_hbm.at[srci.at[pl.ds(jj * CH, CH)]], rows, sem).wait()
            pltpu.sync_copy(rows, acc.at[dsti.at[pl.ds(jj * CH, CH)]],
                            add=True)

            @pl.when(jj + 2 < NFULL_E)
            def _():
                pltpu.async_copy(
                    t_hbm.at[srci.at[pl.ds((jj + 2) * CH, CH)]], rows, sem)
        return carry

    lax.fori_loop(0, NFULL_E // 2, body, 0)

    pltpu.async_copy(
        t_hbm.at[srci.at[pl.ds(NFULL_E * CH, TAIL_E)]],
        rows0.at[pl.ds(0, TAIL_E)], sem0)
    pltpu.make_async_copy(
        t_hbm.at[srci.at[pl.ds(NFULL_E * CH, TAIL_E)]],
        rows0.at[pl.ds(0, TAIL_E)], sem0).wait()
    pltpu.sync_copy(rows0.at[pl.ds(0, TAIL_E)],
                    acc.at[dsti.at[pl.ds(NFULL_E * CH, TAIL_E)]], add=True)
    plsc.subcore_barrier()

    pltpu.sync_copy(acc.at[pl.ds(s * RPT, ZR)], st_buf)
    pltpu.sync_copy(
        st_buf, out_p.at[pl.ds(s * RPT, ZR), pl.ds(c * DH, DH)])
    pltpu.sync_copy(acc.at[pl.ds(s * RPT + ZR, ZR)], st_buf)

    @pl.when(s < NS - 1)
    def _():
        pltpu.sync_copy(
            st_buf, out_p.at[pl.ds(s * RPT + ZR, ZR), pl.ds(c * DH, DH)])

    @pl.when(s == NS - 1)
    def _():
        pltpu.sync_copy(
            st_buf.at[pl.ds(0, TAIL)],
            out_p.at[pl.ds((NS - 1) * RPT + ZR, TAIL), pl.ds(c * DH, DH)])


@functools.lru_cache(maxsize=None)
def _edge_pass():
    return pl.kernel(
        _edge_body,
        out_type=jax.ShapeDtypeStruct((N, D), jnp.float32),
        mesh=_mesh(),
        scratch_types=[
            pltpu.VMEM((EPT,), jnp.int32),
            pltpu.VMEM((EPT,), jnp.int32),
            pltpu.VMEM((CH, DH), jnp.float32),
            pltpu.VMEM((CH, DH), jnp.float32),
            pltpu.VMEM((ZR, DH), jnp.float32),
            pltpu.VMEM_SHARED((NPAD, DH), jnp.float32),
            pltpu.SemaphoreType.DMA,
            pltpu.SemaphoreType.DMA,
        ],
        compiler_params=pltpu.CompilerParams(use_tc_tiling_on_sc=False),
    )


_BLK = 1000
_GRID = N // _BLK


def _r_from_dg(dg):
    deg = dg[:, 0:1] + dg[:, DDG:DDG + 1]
    return lax.rsqrt(jnp.maximum(deg, 1.0))


def _tc_pre_body(x_ref, w_ref, dg_ref, t_ref):
    r = _r_from_dg(dg_ref[...])
    t_ref[...] = jnp.dot(x_ref[...], w_ref[...],
                         preferred_element_type=jnp.float32) * r


def _tc_mid_body(p_ref, ea_ref, dg_ref, w_ref, we1_ref, b1_ref, we2_ref,
                 b2_ref, t_ref, base2_ref):
    r = _r_from_dg(dg_ref[...])
    ea = ea_ref[:, 0:DE] + ea_ref[:, DE:2 * DE]
    base1 = jnp.dot(ea, we1_ref[...],
                    preferred_element_type=jnp.float32) + b1_ref[...]
    h = _leaky(r * p_ref[...] + base1)
    t_ref[...] = jnp.dot(h, w_ref[...], preferred_element_type=jnp.float32) * r
    base2_ref[...] = jnp.dot(ea, we2_ref[...],
                             preferred_element_type=jnp.float32) + b2_ref[...]


def _tc_post_body(p_ref, base_ref, dg_ref, out_ref):
    r = _r_from_dg(dg_ref[...])
    out_ref[...] = _leaky(r * p_ref[...] + base_ref[...])


def _idx_body(ei_ref, out_ref):
    sv = ei_ref[0]
    out_ref[0] = 2 * sv
    out_ref[1] = 2 * sv + 1


_EBLK = E // 10

_tc_idx = pl.pallas_call(
    _idx_body,
    grid=(10,),
    in_specs=[pl.BlockSpec((2, _EBLK), lambda i: (0, i))],
    out_specs=pl.BlockSpec((2, _EBLK), lambda i: (0, i)),
    out_shape=jax.ShapeDtypeStruct((2, E), jnp.int32),
)


def _row_spec(width):
    return pl.BlockSpec((_BLK, width), lambda i: (i, 0))


def _full_spec(a, b):
    return pl.BlockSpec((a, b), lambda i: (0, 0))


_f32 = jnp.float32
_sds = jax.ShapeDtypeStruct

_tc_pre = pl.pallas_call(
    _tc_pre_body,
    grid=(_GRID,),
    in_specs=[_row_spec(D), _full_spec(D, D), _row_spec(2 * DDG)],
    out_specs=_row_spec(D),
    out_shape=_sds((N, D), _f32),
)

_tc_mid = pl.pallas_call(
    _tc_mid_body,
    grid=(_GRID,),
    in_specs=[_row_spec(D), _row_spec(2 * DE), _row_spec(2 * DDG),
              _full_spec(D, D), _full_spec(DE, D), _full_spec(1, D),
              _full_spec(DE, D), _full_spec(1, D)],
    out_specs=(_row_spec(D), _row_spec(D)),
    out_shape=(_sds((N, D), _f32), _sds((N, D), _f32)),
)

_tc_post = pl.pallas_call(
    _tc_post_body,
    grid=(_GRID,),
    in_specs=[_row_spec(D), _row_spec(D), _row_spec(2 * DDG)],
    out_specs=_row_spec(D),
    out_shape=_sds((N, D), _f32),
)


def kernel(x, edge_index, edge_attr, W1, We1, b1, W2, We2, b2):
    dst = edge_index[1]
    src2 = _tc_idx(edge_index)
    ones8 = jnp.ones((CH, DDG), _f32)
    z16 = jnp.zeros((RPT, DE), _f32)
    z8 = jnp.zeros((RPT, DDG), _f32)
    z_dh = jnp.zeros((ZR, DH), _f32)

    dg = _deg_pass()(dst, ones8, z8)
    t1 = _tc_pre(x, W1, dg)
    p1 = _edge_pass()(t1.reshape(2 * N, DH), src2, dst, z_dh)
    ea = _ea_pass()(edge_attr, dst, z16, p1)
    t2, base2 = _tc_mid(p1, ea, dg, W2, We1, b1.reshape(1, D),
                        We2, b2.reshape(1, D))
    p2 = _edge_pass()(t2.reshape(2 * N, DH), src2, dst, z_dh)
    return _tc_post(p2, base2, dg)

# --- scband reference (transcript-rebuilt; emitter-appended) ---
"""Pipeline reference for scband-gcn-edge-32624571580485 (READ-ONLY COPY).

The authoritative reference and input builder live on the scoring server;
editing this copy changes nothing except your own understanding.
"""

import jax, jax.numpy as jnp
import numpy as np

N = 10000
E = 320000
D = 128
DE = 16


def setup_inputs(seed: int = 0) -> dict:
    key = jax.random.key(seed)
    ks = jax.random.split(key, 9)
    x = jax.random.normal(ks[0], (N, D), dtype=jnp.float32)
    edge_index = jax.random.randint(ks[1], (2, E), 0, N, dtype=jnp.int32)
    edge_attr = jax.random.normal(ks[2], (E, DE), dtype=jnp.float32)
    W1 = jax.random.normal(ks[3], (D, D), dtype=jnp.float32) * 0.05
    We1 = jax.random.normal(ks[4], (DE, D), dtype=jnp.float32) * 0.05
    b1 = jnp.zeros((D,), dtype=jnp.float32)
    W2 = jax.random.normal(ks[5], (D, D), dtype=jnp.float32) * 0.05
    We2 = jax.random.normal(ks[6], (DE, D), dtype=jnp.float32) * 0.05
    b2 = jnp.zeros((D,), dtype=jnp.float32)
    return {"x": x, "edge_index": edge_index, "edge_attr": edge_attr,
            "W1": W1, "We1": We1, "b1": b1, "W2": W2, "We2": We2, "b2": b2}


def _gcn_edge_conv(x, edge_index, edge_attr, W, We, b):
    src = edge_index[0]
    dst = edge_index[1]
    deg = jax.ops.segment_sum(jnp.ones((E,), dtype=jnp.float32), dst, num_segments=N)
    deg = jnp.maximum(deg, 1.0)
    norm = jax.lax.rsqrt(deg[src] * deg[dst])
    msg = (x[src] @ W) * norm[:, None] + edge_attr @ We
    out = jax.ops.segment_sum(msg, dst, num_segments=N)
    return out + b


def reference(x, edge_index, edge_attr, W1, We1, b1, W2, We2, b2):
    h = jax.nn.leaky_relu(_gcn_edge_conv(x, edge_index, edge_attr, W1, We1, b1), negative_slope=0.01)
    h = jax.nn.leaky_relu(_gcn_edge_conv(h, edge_index, edge_attr, W2, We2, b2), negative_slope=0.01)
    return h

if __name__ == "__main__":
    import jax
    _d = setup_inputs()
    print(jax.jit(kernel)(*tuple(_d.values())))

</pallas_src>

<mosaic_0001>
#map = affine_map<(d0, d1) -> (0, 0)>
#map1 = affine_map<(d0, d1) -> (0)>
module attributes {stable_mosaic.version = 14 : i64} {
  func.func @_edge_body(%arg0: i32, %arg1: i32, %arg2: memref<20000x64xf32, #tpu.memory_space<hbm>>, %arg3: memref<2x320000xi32, #tpu.memory_space<hbm>>, %arg4: memref<320000xi32, #tpu.memory_space<hbm>>, %arg5: memref<320x64xf32, #tpu.memory_space<hbm>>, %arg6: memref<10000x128xf32, #tpu.memory_space<hbm>>, %arg7: memref<20000xi32, #tpu.memory_space<vmem>>, %arg8: memref<20000xi32, #tpu.memory_space<vmem>>, %arg9: memref<128x64xf32, #tpu.memory_space<vmem>>, %arg10: memref<128x64xf32, #tpu.memory_space<vmem>>, %arg11: memref<320x64xf32, #tpu.memory_space<vmem>>, %arg12: memref<10240x64xf32, #tpu.memory_space<vmem_shared>>, %arg13: memref<!tpu.dma_semaphore, #tpu.memory_space<semaphore_mem>>, %arg14: memref<!tpu.dma_semaphore, #tpu.memory_space<semaphore_mem>>) attributes {dimension_semantics = [#tpu.dimension_semantics<core_parallel>, #tpu.dimension_semantics<subcore_parallel>], iteration_bounds = array<i64: 2, 16>, scalar_prefetch = 0 : i64, scratch_operands = 8 : i64, tpu.core_type = #tpu.core_type<sc_vector_subcore>, window_params = [{transform_indices = #map}, {transform_indices = #map}, {transform_indices = #map1}, {transform_indices = #map}, {transform_indices = #map}]} {
    "tpu.region"() ({
      %run_scoped3A = tpu.sem_alloc : memref<!tpu.dma_semaphore, #tpu.memory_space<semaphore_mem>>
      tpu.enqueue_dma source(%arg5 : memref<320x64xf32, #tpu.memory_space<hbm>>) target(%arg11 : memref<320x64xf32, #tpu.memory_space<vmem>>) target_semaphore(%run_scoped3A : memref<!tpu.dma_semaphore, #tpu.memory_space<semaphore_mem>>)
      tpu.wait_dma2 semaphore(%run_scoped3A : memref<!tpu.dma_semaphore, #tpu.memory_space<semaphore_mem>>) src(%arg5 : memref<320x64xf32, #tpu.memory_space<hbm>>) dst(%arg11 : memref<320x64xf32, #tpu.memory_space<vmem>>)
      tpu.yield
    }) : () -> ()
    %mul3A = arith.constant 640 : i32
    %mul3A_0 = arith.muli %arg1, %mul3A : i32
    "tpu.region"() ({
      %run_scoped3A = tpu.sem_alloc : memref<!tpu.dma_semaphore, #tpu.memory_space<semaphore_mem>>
      %dma_start3A_54 = arith.constant 0 : i32
      %dma_start3A_55 = tpu.memref_slice %arg12[%mul3A_0, %dma_start3A_54] : memref<10240x64xf32, #tpu.memory_space<vmem_shared>> -> memref<320x64xf32, #tpu.memory_space<vmem_shared>>
      %dma_start3A_56 = arith.constant 0 : i32
      %dma_start3A_57 = tpu.memref_slice %arg12[%mul3A_0, %dma_start3A_56] : memref<10240x64xf32, #tpu.memory_space<vmem_shared>> -> memref<320x64xf32, #tpu.memory_space<vmem_shared>>
      tpu.enqueue_dma source(%arg11 : memref<320x64xf32, #tpu.memory_space<vmem>>) target(%dma_start3A_57 : memref<320x64xf32, #tpu.memory_space<vmem_shared>>) target_semaphore(%run_scoped3A : memref<!tpu.dma_semaphore, #tpu.memory_space<semaphore_mem>>)
      %dma_wait3A_58 = arith.constant 0 : i32
      %dma_wait3A_59 = tpu.memref_slice %arg12[%mul3A_0, %dma_wait3A_58] : memref<10240x64xf32, #tpu.memory_space<vmem_shared>> -> memref<320x64xf32, #tpu.memory_space<vmem_shared>>
      %dma_wait3A_60 = arith.constant 0 : i32
      %dma_wait3A_61 = tpu.memref_slice %arg12[%mul3A_0, %dma_wait3A_60] : memref<10240x64xf32, #tpu.memory_space<vmem_shared>> -> memref<320x64xf32, #tpu.memory_space<vmem_shared>>
      tpu.wait_dma2 semaphore(%run_scoped3A : memref<!tpu.dma_semaphore, #tpu.memory_space<semaphore_mem>>) src(%arg11 : memref<320x64xf32, #tpu.memory_space<vmem>>) dst(%dma_wait3A_61 : memref<320x64xf32, #tpu.memory_space<vmem_shared>>)
      tpu.yield
    }) : () -> ()
    %mul3A_1 = arith.constant 640 : i32
    %mul3A_2 = arith.muli %arg1, %mul3A_1 : i32
    %add3A = arith.constant 320 : i32
    %add3A_3 = arith.addi %mul3A_2, %add3A : i32
    "tpu.region"() ({
      %run_scoped3A = tpu.sem_alloc : memref<!tpu.dma_semaphore, #tpu.memory_space<semaphore_mem>>
      %dma_start3A_54 = arith.constant 0 : i32
      %dma_start3A_55 = tpu.memref_slice %arg12[%add3A_3, %dma_start3A_54] : memref<10240x64xf32, #tpu.memory_space<vmem_shared>> -> memref<320x64xf32, #tpu.memory_space<vmem_shared>>
      %dma_start3A_56 = arith.constant 0 : i32
      %dma_start3A_57 = tpu.memref_slice %arg12[%add3A_3, %dma_start3A_56] : memref<10240x64xf32, #tpu.memory_space<vmem_shared>> -> memref<320x64xf32, #tpu.memory_space<vmem_shared>>
      tpu.enqueue_dma source(%arg11 : memref<320x64xf32, #tpu.memory_space<vmem>>) target(%dma_start3A_57 : memref<320x64xf32, #tpu.memory_space<vmem_shared>>) target_semaphore(%run_scoped3A : memref<!tpu.dma_semaphore, #tpu.memory_space<semaphore_mem>>)
      %dma_wait3A_58 = arith.constant 0 : i32
      %dma_wait3A_59 = tpu.memref_slice %arg12[%add3A_3, %dma_wait3A_58] : memref<10240x64xf32, #tpu.memory_space<vmem_shared>> -> memref<320x64xf32, #tpu.memory_space<vmem_shared>>
      %dma_wait3A_60 = arith.constant 0 : i32
      %dma_wait3A_61 = tpu.memref_slice %arg12[%add3A_3, %dma_wait3A_60] : memref<10240x64xf32, #tpu.memory_space<vmem_shared>> -> memref<320x64xf32, #tpu.memory_space<vmem_shared>>
      tpu.wait_dma2 semaphore(%run_scoped3A : memref<!tpu.dma_semaphore, #tpu.memory_space<semaphore_mem>>) src(%arg11 : memref<320x64xf32, #tpu.memory_space<vmem>>) dst(%dma_wait3A_61 : memref<320x64xf32, #tpu.memory_space<vmem_shared>>)
      tpu.yield
    }) : () -> ()
    %mul3A_4 = arith.constant 20000 : i32
    %mul3A_5 = arith.muli %arg1, %mul3A_4 : i32
    "tpu.region"() ({
      %run_scoped3A = tpu.sem_alloc : memref<!tpu.dma_semaphore, #tpu.memory_space<semaphore_mem>>
      %dma_start3A_54 = tpu.memref_slice %arg3[%arg0, %mul3A_5] : memref<2x320000xi32, #tpu.memory_space<hbm>> -> memref<1x20000xi32, #tpu.memory_space<hbm>>
      %dma_start3A_55 = tpu.memref_squeeze %dma_start3A_54 : memref<1x20000xi32, #tpu.memory_space<hbm>> -> memref<20000xi32, #tpu.memory_space<hbm>>
      %dma_start3A_56 = tpu.memref_slice %arg3[%arg0, %mul3A_5] : memref<2x320000xi32, #tpu.memory_space<hbm>> -> memref<1x20000xi32, #tpu.memory_space<hbm>>
      %dma_start3A_57 = tpu.memref_squeeze %dma_start3A_56 : memref<1x20000xi32, #tpu.memory_space<hbm>> -> memref<20000xi32, #tpu.memory_space<hbm>>
      tpu.enqueue_dma source(%dma_start3A_57 : memref<20000xi32, #tpu.memory_space<hbm>>) target(%arg7 : memref<20000xi32, #tpu.memory_space<vmem>>) target_semaphore(%run_scoped3A : memref<!tpu.dma_semaphore, #tpu.memory_space<semaphore_mem>>)
      %dma_wait3A_58 = tpu.memref_slice %arg3[%arg0, %mul3A_5] : memref<2x320000xi32, #tpu.memory_space<hbm>> -> memref<1x20000xi32, #tpu.memory_space<hbm>>
      %dma_wait3A_59 = tpu.memref_squeeze %dma_wait3A_58 : memref<1x20000xi32, #tpu.memory_space<hbm>> -> memref<20000xi32, #tpu.memory_space<hbm>>
      %dma_wait3A_60 = tpu.memref_slice %arg3[%arg0, %mul3A_5] : memref<2x320000xi32, #tpu.memory_space<hbm>> -> memref<1x20000xi32, #tpu.memory_space<hbm>>
      %dma_wait3A_61 = tpu.memref_squeeze %dma_wait3A_60 : memref<1x20000xi32, #tpu.memory_space<hbm>> -> memref<20000xi32, #tpu.memory_space<hbm>>
      tpu.wait_dma2 semaphore(%run_scoped3A : memref<!tpu.dma_semaphore, #tpu.memory_space<semaphore_mem>>) src(%dma_wait3A_61 : memref<20000xi32, #tpu.memory_space<hbm>>) dst(%arg7 : memref<20000xi32, #tpu.memory_space<vmem>>)
      tpu.yield
    }) : () -> ()
    %mul3A_6 = arith.constant 20000 : i32
    %mul3A_7 = arith.muli %arg1, %mul3A_6 : i32
    "tpu.region"() ({
      %run_scoped3A = tpu.sem_alloc : memref<!tpu.dma_semaphore, #tpu.memory_space<semaphore_mem>>
      %dma_start3A_54 = tpu.memref_slice %arg4[%mul3A_7] : memref<320000xi32, #tpu.memory_space<hbm>> -> memref<20000xi32, #tpu.memory_space<hbm>>
      %dma_start3A_55 = tpu.memref_slice %arg4[%mul3A_7] : memref<320000xi32, #tpu.memory_space<hbm>> -> memref<20000xi32, #tpu.memory_space<hbm>>
      tpu.enqueue_dma source(%dma_start3A_55 : memref<20000xi32, #tpu.memory_space<hbm>>) target(%arg8 : memref<20000xi32, #tpu.memory_space<vmem>>) target_semaphore(%run_scoped3A : memref<!tpu.dma_semaphore, #tpu.memory_space<semaphore_mem>>)
      %dma_wait3A_56 = tpu.memref_slice %arg4[%mul3A_7] : memref<320000xi32, #tpu.memory_space<hbm>> -> memref<20000xi32, #tpu.memory_space<hbm>>
      %dma_wait3A_57 = tpu.memref_slice %arg4[%mul3A_7] : memref<320000xi32, #tpu.memory_space<hbm>> -> memref<20000xi32, #tpu.memory_space<hbm>>
      tpu.wait_dma2 semaphore(%run_scoped3A : memref<!tpu.dma_semaphore, #tpu.memory_space<semaphore_mem>>) src(%dma_wait3A_57 : memref<20000xi32, #tpu.memory_space<hbm>>) dst(%arg8 : memref<20000xi32, #tpu.memory_space<vmem>>)
      tpu.yield
    }) : () -> ()
    %barrier3A = arith.constant 0 : index
    tpu.barrier barrier_id(%barrier3A)
    %dma_start3A = arith.constant 0 : i32
    %dma_start3A_8 = tpu.memref_slice %arg7[%dma_start3A] : memref<20000xi32, #tpu.memory_space<vmem>> -> memref<128xi32, #tpu.memory_space<vmem>>
    %dma_start3A_9 = arith.constant 0 : i32
    %dma_start3A_10 = arith.constant 0 : i32
    %dma_start3A_11 = tpu.memref_slice %arg2[%dma_start3A_9, %dma_start3A_10] : memref<20000x64xf32, #tpu.memory_space<hbm>> -> memref<20000x64xf32, #tpu.memory_space<hbm>>
    tpu.enqueue_indirect_dma source(%dma_start3A_11 : memref<20000x64xf32, #tpu.memory_space<hbm>>) target(%arg9 : memref<128x64xf32, #tpu.memory_space<vmem>>) offsets(%dma_start3A_8 : memref<128xi32, #tpu.memory_space<vmem>>) semaphore(%arg13 : memref<!tpu.dma_semaphore, #tpu.memory_space<semaphore_mem>>)
    %dma_start3A_12 = arith.constant 128 : i32
    %dma_start3A_13 = tpu.memref_slice %arg7[%dma_start3A_12] : memref<20000xi32, #tpu.memory_space<vmem>> -> memref<128xi32, #tpu.memory_space<vmem>>
    %dma_start3A_14 = arith.constant 0 : i32
    %dma_start3A_15 = arith.constant 0 : i32
    %dma_start3A_16 = tpu.memref_slice %arg2[%dma_start3A_14, %dma_start3A_15] : memref<20000x64xf32, #tpu.memory_space<hbm>> -> memref<20000x64xf32, #tpu.memory_space<hbm>>
    tpu.enqueue_indirect_dma source(%dma_start3A_16 : memref<20000x64xf32, #tpu.memory_space<hbm>>) target(%arg10 : memref<128x64xf32, #tpu.memory_space<vmem>>) offsets(%dma_start3A_13 : memref<128xi32, #tpu.memory_space<vmem>>) semaphore(%arg14 : memref<!tpu.dma_semaphore, #tpu.memory_space<semaphore_mem>>)
    %scan3A = arith.constant 0 : i32
    %scan3A_17 = arith.constant 0 : i32
    %scan3A_18 = arith.constant 78 : i32
    %scan3A_19 = arith.addi %scan3A_17, %scan3A_18 : i32
    %scan3A_20 = arith.constant 1 : i32
    scf.for %scan3A_54 = %scan3A_17 to %scan3A_19 step %scan3A_20  : i32 {
      %mul3A_55 = arith.constant 2 : i32
      %mul3A_56 = arith.muli %mul3A_55, %scan3A_54 : i32
      %add3A_57 = arith.constant 0 : i32
      %add3A_58 = arith.addi %mul3A_56, %add3A_57 : i32
      %mul3A_59 = arith.constant 128 : i32
      %mul3A_60 = arith.muli %add3A_58, %mul3A_59 : i32
      %dma_wait3A_61 = tpu.memref_slice %arg7[%mul3A_60] : memref<20000xi32, #tpu.memory_space<vmem>> -> memref<128xi32, #tpu.memory_space<vmem>>
      %dma_wait3A_62 = arith.constant 0 : i32
      %dma_wait3A_63 = arith.constant 0 : i32
      %dma_wait3A_64 = tpu.memref_slice %arg2[%dma_wait3A_62, %dma_wait3A_63] : memref<20000x64xf32, #tpu.memory_space<hbm>> -> memref<20000x64xf32, #tpu.memory_space<hbm>>
      tpu.wait_indirect_dma semaphore(%arg13 : memref<!tpu.dma_semaphore, #tpu.memory_space<semaphore_mem>>) src(%dma_wait3A_64 : memref<20000x64xf32, #tpu.memory_space<hbm>>) dst(%arg9 : memref<128x64xf32, #tpu.memory_space<vmem>>)
      %mul3A_65 = arith.constant 128 : i32
      %mul3A_66 = arith.muli %add3A_58, %mul3A_65 : i32
      "tpu.region"() ({
        %run_scoped3A = tpu.sem_alloc : memref<!tpu.dma_semaphore, #tpu.memory_space<semaphore_mem>>
        %dma_start3A_93 = tpu.memref_slice %arg8[%mul3A_66] : memref<20000xi32, #tpu.memory_space<vmem>> -> memref<128xi32, #tpu.memory_space<vmem>>
        %dma_start3A_94 = arith.constant 0 : i32
        %dma_start3A_95 = arith.constant 0 : i32
        %dma_start3A_96 = tpu.memref_slice %arg12[%dma_start3A_94, %dma_start3A_95] : memref<10240x64xf32, #tpu.memory_space<vmem_shared>> -> memref<10240x64xf32, #tpu.memory_space<vmem_shared>>
        tpu.enqueue_indirect_dma source(%arg9 : memref<128x64xf32, #tpu.memory_space<vmem>>) target(%dma_start3A_96 : memref<10240x64xf32, #tpu.memory_space<vmem_shared>>) offsets(%dma_start3A_93 : memref<128xi32, #tpu.memory_space<vmem>>) semaphore(%run_scoped3A : memref<!tpu.dma_semaphore, #tpu.memory_space<semaphore_mem>>) {add = true}
        %dma_wait3A_97 = tpu.memref_slice %arg8[%mul3A_66] : memref<20000xi32, #tpu.memory_space<vmem>> -> memref<128xi32, #tpu.memory_space<vmem>>
        %dma_wait3A_98 = arith.constant 0 : i32
        %dma_wait3A_99 = arith.constant 0 : i32
        %dma_wait3A_100 = tpu.memref_slice %arg12[%dma_wait3A_98, %dma_wait3A_99] : memref<10240x64xf32, #tpu.memory_space<vmem_shared>> -> memref<10240x64xf32, #tpu.memory_space<vmem_shared>>
        tpu.wait_indirect_dma semaphore(%run_scoped3A : memref<!tpu.dma_semaphore, #tpu.memory_space<semaphore_mem>>) src(%arg9 : memref<128x64xf32, #tpu.memory_space<vmem>>) dst(%dma_wait3A_100 : memref<10240x64xf32, #tpu.memory_space<vmem_shared>>)
        tpu.yield
      }) : () -> ()
      %add3A_67 = arith.constant 2 : i32
      %add3A_68 = arith.addi %add3A_58, %add3A_67 : i32
      %lt3A_69 = arith.constant 156 : i32
      %lt3A_70 = arith.cmpi slt, %add3A_68, %lt3A_69 : i32
      %convert_element_type3A_71 = arith.extui %lt3A_70 : i1 to i32
      %cond3A_72 = arith.constant 0 : i32
      %cond3A_73 = arith.cmpi ne, %convert_element_type3A_71, %cond3A_72 : i32
      scf.if %cond3A_73 {
        %add3A_93 = arith.constant 2 : i32
        %add3A_94 = arith.addi %add3A_58, %add3A_93 : i32
        %mul3A_95 = arith.constant 128 : i32
        %mul3A_96 = arith.muli %add3A_94, %mul3A_95 : i32
        %dma_start3A_97 = tpu.memref_slice %arg7[%mul3A_96] : memref<20000xi32, #tpu.memory_space<vmem>> -> memref<128xi32, #tpu.memory_space<vmem>>
        %dma_start3A_98 = arith.constant 0 : i32
        %dma_start3A_99 = arith.constant 0 : i32
        %dma_start3A_100 = tpu.memref_slice %arg2[%dma_start3A_98, %dma_start3A_99] : memref<20000x64xf32, #tpu.memory_space<hbm>> -> memref<20000x64xf32, #tpu.memory_space<hbm>>
        tpu.enqueue_indirect_dma source(%dma_start3A_100 : memref<20000x64xf32, #tpu.memory_space<hbm>>) target(%arg9 : memref<128x64xf32, #tpu.memory_space<vmem>>) offsets(%dma_start3A_97 : memref<128xi32, #tpu.memory_space<vmem>>) semaphore(%arg13 : memref<!tpu.dma_semaphore, #tpu.memory_space<semaphore_mem>>)
      } else {
      }
      %mul3A_74 = arith.constant 2 : i32
      %mul3A_75 = arith.muli %mul3A_74, %scan3A_54 : i32
      %add3A_76 = arith.constant 1 : i32
      %add3A_77 = arith.addi %mul3A_75, %add3A_76 : i32
      %mul3A_78 = arith.constant 128 : i32
      %mul3A_79 = arith.muli %add3A_77, %mul3A_78 : i32
      %dma_wait3A_80 = tpu.memref_slice %arg7[%mul3A_79] : memref<20000xi32, #tpu.memory_space<vmem>> -> memref<128xi32, #tpu.memory_space<vmem>>
      %dma_wait3A_81 = arith.constant 0 : i32
      %dma_wait3A_82 = arith.constant 0 : i32
      %dma_wait3A_83 = tpu.memref_slice %arg2[%dma_wait3A_81, %dma_wait3A_82] : memref<20000x64xf32, #tpu.memory_space<hbm>> -> memref<20000x64xf32, #tpu.memory_space<hbm>>
      tpu.wait_indirect_dma semaphore(%arg14 : memref<!tpu.dma_semaphore, #tpu.memory_space<semaphore_mem>>) src(%dma_wait3A_83 : memref<20000x64xf32, #tpu.memory_space<hbm>>) dst(%arg10 : memref<128x64xf32, #tpu.memory_space<vmem>>)
      %mul3A_84 = arith.constant 128 : i32
      %mul3A_85 = arith.muli %add3A_77, %mul3A_84 : i32
      "tpu.region"() ({
        %run_scoped3A = tpu.sem_alloc : memref<!tpu.dma_semaphore, #tpu.memory_space<semaphore_mem>>
        %dma_start3A_93 = tpu.memref_slice %arg8[%mul3A_85] : memref<20000xi32, #tpu.memory_space<vmem>> -> memref<128xi32, #tpu.memory_space<vmem>>
        %dma_start3A_94 = arith.constant 0 : i32
        %dma_start3A_95 = arith.constant 0 : i32
        %dma_start3A_96 = tpu.memref_slice %arg12[%dma_start3A_94, %dma_start3A_95] : memref<10240x64xf32, #tpu.memory_space<vmem_shared>> -> memref<10240x64xf32, #tpu.memory_space<vmem_shared>>
        tpu.enqueue_indirect_dma source(%arg10 : memref<128x64xf32, #tpu.memory_space<vmem>>) target(%dma_start3A_96 : memref<10240x64xf32, #tpu.memory_space<vmem_shared>>) offsets(%dma_start3A_93 : memref<128xi32, #tpu.memory_space<vmem>>) semaphore(%run_scoped3A : memref<!tpu.dma_semaphore, #tpu.memory_space<semaphore_mem>>) {add = true}
        %dma_wait3A_97 = tpu.memref_slice %arg8[%mul3A_85] : memref<20000xi32, #tpu.memory_space<vmem>> -> memref<128xi32, #tpu.memory_space<vmem>>
        %dma_wait3A_98 = arith.constant 0 : i32
        %dma_wait3A_99 = arith.constant 0 : i32
        %dma_wait3A_100 = tpu.memref_slice %arg12[%dma_wait3A_98, %dma_wait3A_99] : memref<10240x64xf32, #tpu.memory_space<vmem_shared>> -> memref<10240x64xf32, #tpu.memory_space<vmem_shared>>
        tpu.wait_indirect_dma semaphore(%run_scoped3A : memref<!tpu.dma_semaphore, #tpu.memory_space<semaphore_mem>>) src(%arg10 : memref<128x64xf32, #tpu.memory_space<vmem>>) dst(%dma_wait3A_100 : memref<10240x64xf32, #tpu.memory_space<vmem_shared>>)
        tpu.yield
      }) : () -> ()
      %add3A_86 = arith.constant 2 : i32
      %add3A_87 = arith.addi %add3A_77, %add3A_86 : i32
      %lt3A_88 = arith.constant 156 : i32
      %lt3A_89 = arith.cmpi slt, %add3A_87, %lt3A_88 : i32
      %convert_element_type3A_90 = arith.extui %lt3A_89 : i1 to i32
      %cond3A_91 = arith.constant 0 : i32
      %cond3A_92 = arith.cmpi ne, %convert_element_type3A_90, %cond3A_91 : i32
      scf.if %cond3A_92 {
        %add3A_93 = arith.constant 2 : i32
        %add3A_94 = arith.addi %add3A_77, %add3A_93 : i32
        %mul3A_95 = arith.constant 128 : i32
        %mul3A_96 = arith.muli %add3A_94, %mul3A_95 : i32
        %dma_start3A_97 = tpu.memref_slice %arg7[%mul3A_96] : memref<20000xi32, #tpu.memory_space<vmem>> -> memref<128xi32, #tpu.memory_space<vmem>>
        %dma_start3A_98 = arith.constant 0 : i32
        %dma_start3A_99 = arith.constant 0 : i32
        %dma_start3A_100 = tpu.memref_slice %arg2[%dma_start3A_98, %dma_start3A_99] : memref<20000x64xf32, #tpu.memory_space<hbm>> -> memref<20000x64xf32, #tpu.memory_space<hbm>>
        tpu.enqueue_indirect_dma source(%dma_start3A_100 : memref<20000x64xf32, #tpu.memory_space<hbm>>) target(%arg10 : memref<128x64xf32, #tpu.memory_space<vmem>>) offsets(%dma_start3A_97 : memref<128xi32, #tpu.memory_space<vmem>>) semaphore(%arg14 : memref<!tpu.dma_semaphore, #tpu.memory_space<semaphore_mem>>)
      } else {
      }
    }
    %scan3A_21 = arith.constant 78 : i32
    %dma_start3A_22 = arith.constant 0 : i32
    %dma_start3A_23 = arith.constant 0 : i32
    %dma_start3A_24 = tpu.memref_slice %arg9[%dma_start3A_22, %dma_start3A_23] : memref<128x64xf32, #tpu.memory_space<vmem>> -> memref<32x64xf32, #tpu.memory_space<vmem>>
    %dma_start3A_25 = arith.constant 19968 : i32
    %dma_start3A_26 = tpu.memref_slice %arg7[%dma_start3A_25] : memref<20000xi32, #tpu.memory_space<vmem>> -> memref<32xi32, #tpu.memory_space<vmem>>
    %dma_start3A_27 = arith.constant 0 : i32
    %dma_start3A_28 = arith.constant 0 : i32
    %dma_start3A_29 = tpu.memref_slice %arg2[%dma_start3A_27, %dma_start3A_28] : memref<20000x64xf32, #tpu.memory_space<hbm>> -> memref<20000x64xf32, #tpu.memory_space<hbm>>
    tpu.enqueue_indirect_dma source(%dma_start3A_29 : memref<20000x64xf32, #tpu.memory_space<hbm>>) target(%dma_start3A_24 : memref<32x64xf32, #tpu.memory_space<vmem>>) offsets(%dma_start3A_26 : memref<32xi32, #tpu.memory_space<vmem>>) semaphore(%arg13 : memref<!tpu.dma_semaphore, #tpu.memory_space<semaphore_mem>>)
    %dma_wait3A = arith.constant 0 : i32
    %dma_wait3A_30 = arith.constant 0 : i32
    %dma_wait3A_31 = tpu.memref_slice %arg9[%dma_wait3A, %dma_wait3A_30] : memref<128x64xf32, #tpu.memory_space<vmem>> -> memref<32x64xf32, #tpu.memory_space<vmem>>
    %dma_wait3A_32 = arith.constant 19968 : i32
    %dma_wait3A_33 = tpu.memref_slice %arg7[%dma_wait3A_32] : memref<20000xi32, #tpu.memory_space<vmem>> -> memref<32xi32, #tpu.memory_space<vmem>>
    %dma_wait3A_34 = arith.constant 0 : i32
    %dma_wait3A_35 = arith.constant 0 : i32
    %dma_wait3A_36 = tpu.memref_slice %arg2[%dma_wait3A_34, %dma_wait3A_35] : memref<20000x64xf32, #tpu.memory_space<hbm>> -> memref<20000x64xf32, #tpu.memory_space<hbm>>
    tpu.wait_indirect_dma semaphore(%arg13 : memref<!tpu.dma_semaphore, #tpu.memory_space<semaphore_mem>>) src(%dma_wait3A_36 : memref<20000x64xf32, #tpu.memory_space<hbm>>) dst(%dma_wait3A_31 : memref<32x64xf32, #tpu.memory_space<vmem>>)
    "tpu.region"() ({
      %run_scoped3A = tpu.sem_alloc : memref<!tpu.dma_semaphore, #tpu.memory_space<semaphore_mem>>
      %dma_start3A_54 = arith.constant 0 : i32
      %dma_start3A_55 = arith.constant 0 : i32
      %dma_start3A_56 = tpu.memref_slice %arg9[%dma_start3A_54, %dma_start3A_55] : memref<128x64xf32, #tpu.memory_space<vmem>> -> memref<32x64xf32, #tpu.memory_space<vmem>>
      %dma_start3A_57 = arith.constant 19968 : i32
      %dma_start3A_58 = tpu.memref_slice %arg8[%dma_start3A_57] : memref<20000xi32, #tpu.memory_space<vmem>> -> memref<32xi32, #tpu.memory_space<vmem>>
      %dma_start3A_59 = arith.constant 0 : i32
      %dma_start3A_60 = arith.constant 0 : i32
      %dma_start3A_61 = tpu.memref_slice %arg12[%dma_start3A_59, %dma_start3A_60] : memref<10240x64xf32, #tpu.memory_space<vmem_shared>> -> memref<10240x64xf32, #tpu.memory_space<vmem_shared>>
      tpu.enqueue_indirect_dma source(%dma_start3A_56 : memref<32x64xf32, #tpu.memory_space<vmem>>) target(%dma_start3A_61 : memref<10240x64xf32, #tpu.memory_space<vmem_shared>>) offsets(%dma_start3A_58 : memref<32xi32, #tpu.memory_space<vmem>>) semaphore(%run_scoped3A : memref<!tpu.dma_semaphore, #tpu.memory_space<semaphore_mem>>) {add = true}
      %dma_wait3A_62 = arith.constant 0 : i32
      %dma_wait3A_63 = arith.constant 0 : i32
      %dma_wait3A_64 = tpu.memref_slice %arg9[%dma_wait3A_62, %dma_wait3A_63] : memref<128x64xf32, #tpu.memory_space<vmem>> -> memref<32x64xf32, #tpu.memory_space<vmem>>
      %dma_wait3A_65 = arith.constant 19968 : i32
      %dma_wait3A_66 = tpu.memref_slice %arg8[%dma_wait3A_65] : memref<20000xi32, #tpu.memory_space<vmem>> -> memref<32xi32, #tpu.memory_space<vmem>>
      %dma_wait3A_67 = arith.constant 0 : i32
      %dma_wait3A_68 = arith.constant 0 : i32
      %dma_wait3A_69 = tpu.memref_slice %arg12[%dma_wait3A_67, %dma_wait3A_68] : memref<10240x64xf32, #tpu.memory_space<vmem_shared>> -> memref<10240x64xf32, #tpu.memory_space<vmem_shared>>
      tpu.wait_indirect_dma semaphore(%run_scoped3A : memref<!tpu.dma_semaphore, #tpu.memory_space<semaphore_mem>>) src(%dma_wait3A_64 : memref<32x64xf32, #tpu.memory_space<vmem>>) dst(%dma_wait3A_69 : memref<10240x64xf32, #tpu.memory_space<vmem_shared>>)
      tpu.yield
    }) : () -> ()
    %barrier3A_37 = arith.constant 0 : index
    tpu.barrier barrier_id(%barrier3A_37)
    %mul3A_38 = arith.constant 640 : i32
    %mul3A_39 = arith.muli %arg1, %mul3A_38 : i32
    "tpu.region"() ({
      %run_scoped3A = tpu.sem_alloc : memref<!tpu.dma_semaphore, #tpu.memory_space<semaphore_mem>>
      %dma_start3A_54 = arith.constant 0 : i32
      %dma_start3A_55 = tpu.memref_slice %arg12[%mul3A_39, %dma_start3A_54] : memref<10240x64xf32, #tpu.memory_space<vmem_shared>> -> memref<320x64xf32, #tpu.memory_space<vmem_shared>>
      %dma_start3A_56 = arith.constant 0 : i32
      %dma_start3A_57 = tpu.memref_slice %arg12[%mul3A_39, %dma_start3A_56] : memref<10240x64xf32, #tpu.memory_space<vmem_shared>> -> memref<320x64xf32, #tpu.memory_space<vmem_shared>>
      tpu.enqueue_dma source(%dma_start3A_57 : memref<320x64xf32, #tpu.memory_space<vmem_shared>>) target(%arg11 : memref<320x64xf32, #tpu.memory_space<vmem>>) target_semaphore(%run_scoped3A : memref<!tpu.dma_semaphore, #tpu.memory_space<semaphore_mem>>)
      %dma_wait3A_58 = arith.constant 0 : i32
      %dma_wait3A_59 = tpu.memref_slice %arg12[%mul3A_39, %dma_wait3A_58] : memref<10240x64xf32, #tpu.memory_space<vmem_shared>> -> memref<320x64xf32, #tpu.memory_space<vmem_shared>>
      %dma_wait3A_60 = arith.constant 0 : i32
      %dma_wait3A_61 = tpu.memref_slice %arg12[%mul3A_39, %dma_wait3A_60] : memref<10240x64xf32, #tpu.memory_space<vmem_shared>> -> memref<320x64xf32, #tpu.memory_space<vmem_shared>>
      tpu.wait_dma2 semaphore(%run_scoped3A : memref<!tpu.dma_semaphore, #tpu.memory_space<semaphore_mem>>) src(%dma_wait3A_61 : memref<320x64xf32, #tpu.memory_space<vmem_shared>>) dst(%arg11 : memref<320x64xf32, #tpu.memory_space<vmem>>)
      tpu.yield
    }) : () -> ()
    %mul3A_40 = arith.constant 640 : i32
    %mul3A_41 = arith.muli %arg1, %mul3A_40 : i32
    %mul3A_42 = arith.constant 64 : i32
    %mul3A_43 = arith.muli %arg0, %mul3A_42 : i32
    "tpu.region"() ({
      %run_scoped3A = tpu.sem_alloc : memref<!tpu.dma_semaphore, #tpu.memory_space<semaphore_mem>>
      %dma_start3A_54 = tpu.memref_slice %arg6[%mul3A_41, %mul3A_43] : memref<10000x128xf32, #tpu.memory_space<hbm>> -> memref<320x64xf32, #tpu.memory_space<hbm>>
      %dma_start3A_55 = tpu.memref_slice %arg6[%mul3A_41, %mul3A_43] : memref<10000x128xf32, #tpu.memory_space<hbm>> -> memref<320x64xf32, #tpu.memory_space<hbm>>
      tpu.enqueue_dma source(%arg11 : memref<320x64xf32, #tpu.memory_space<vmem>>) target(%dma_start3A_55 : memref<320x64xf32, #tpu.memory_space<hbm>>) target_semaphore(%run_scoped3A : memref<!tpu.dma_semaphore, #tpu.memory_space<semaphore_mem>>)
      %dma_wait3A_56 = tpu.memref_slice %arg6[%mul3A_41, %mul3A_43] : memref<10000x128xf32, #tpu.memory_space<hbm>> -> memref<320x64xf32, #tpu.memory_space<hbm>>
      %dma_wait3A_57 = tpu.memref_slice %arg6[%mul3A_41, %mul3A_43] : memref<10000x128xf32, #tpu.memory_space<hbm>> -> memref<320x64xf32, #tpu.memory_space<hbm>>
      tpu.wait_dma2 semaphore(%run_scoped3A : memref<!tpu.dma_semaphore, #tpu.memory_space<semaphore_mem>>) src(%arg11 : memref<320x64xf32, #tpu.memory_space<vmem>>) dst(%dma_wait3A_57 : memref<320x64xf32, #tpu.memory_space<hbm>>)
      tpu.yield
    }) : () -> ()
    %mul3A_44 = arith.constant 640 : i32
    %mul3A_45 = arith.muli %arg1, %mul3A_44 : i32
    %add3A_46 = arith.constant 320 : i32
    %add3A_47 = arith.addi %mul3A_45, %add3A_46 : i32
    "tpu.region"() ({
      %run_scoped3A = tpu.sem_alloc : memref<!tpu.dma_semaphore, #tpu.memory_space<semaphore_mem>>
      %dma_start3A_54 = arith.constant 0 : i32
      %dma_start3A_55 = tpu.memref_slice %arg12[%add3A_47, %dma_start3A_54] : memref<10240x64xf32, #tpu.memory_space<vmem_shared>> -> memref<320x64xf32, #tpu.memory_space<vmem_shared>>
      %dma_start3A_56 = arith.constant 0 : i32
      %dma_start3A_57 = tpu.memref_slice %arg12[%add3A_47, %dma_start3A_56] : memref<10240x64xf32, #tpu.memory_space<vmem_shared>> -> memref<320x64xf32, #tpu.memory_space<vmem_shared>>
      tpu.enqueue_dma source(%dma_start3A_57 : memref<320x64xf32, #tpu.memory_space<vmem_shared>>) target(%arg11 : memref<320x64xf32, #tpu.memory_space<vmem>>) target_semaphore(%run_scoped3A : memref<!tpu.dma_semaphore, #tpu.memory_space<semaphore_mem>>)
      %dma_wait3A_58 = arith.constant 0 : i32
      %dma_wait3A_59 = tpu.memref_slice %arg12[%add3A_47, %dma_wait3A_58] : memref<10240x64xf32, #tpu.memory_space<vmem_shared>> -> memref<320x64xf32, #tpu.memory_space<vmem_shared>>
      %dma_wait3A_60 = arith.constant 0 : i32
      %dma_wait3A_61 = tpu.memref_slice %arg12[%add3A_47, %dma_wait3A_60] : memref<10240x64xf32, #tpu.memory_space<vmem_shared>> -> memref<320x64xf32, #tpu.memory_space<vmem_shared>>
      tpu.wait_dma2 semaphore(%run_scoped3A : memref<!tpu.dma_semaphore, #tpu.memory_space<semaphore_mem>>) src(%dma_wait3A_61 : memref<320x64xf32, #tpu.memory_space<vmem_shared>>) dst(%arg11 : memref<320x64xf32, #tpu.memory_space<vmem>>)
      tpu.yield
    }) : () -> ()
    %lt3A = arith.constant 15 : i32
    %lt3A_48 = arith.cmpi slt, %arg1, %lt3A : i32
    %convert_element_type3A = arith.extui %lt3A_48 : i1 to i32
    %cond3A = arith.constant 0 : i32
    %cond3A_49 = arith.cmpi ne, %convert_element_type3A, %cond3A : i32
    scf.if %cond3A_49 {
      %mul3A_54 = arith.constant 640 : i32
      %mul3A_55 = arith.muli %arg1, %mul3A_54 : i32
      %add3A_56 = arith.constant 320 : i32
      %add3A_57 = arith.addi %mul3A_55, %add3A_56 : i32
      %mul3A_58 = arith.constant 64 : i32
      %mul3A_59 = arith.muli %arg0, %mul3A_58 : i32
      "tpu.region"() ({
        %run_scoped3A = tpu.sem_alloc : memref<!tpu.dma_semaphore, #tpu.memory_space<semaphore_mem>>
        %dma_start3A_60 = tpu.memref_slice %arg6[%add3A_57, %mul3A_59] : memref<10000x128xf32, #tpu.memory_space<hbm>> -> memref<320x64xf32, #tpu.memory_space<hbm>>
        %dma_start3A_61 = tpu.memref_slice %arg6[%add3A_57, %mul3A_59] : memref<10000x128xf32, #tpu.memory_space<hbm>> -> memref<320x64xf32, #tpu.memory_space<hbm>>
        tpu.enqueue_dma source(%arg11 : memref<320x64xf32, #tpu.memory_space<vmem>>) target(%dma_start3A_61 : memref<320x64xf32, #tpu.memory_space<hbm>>) target_semaphore(%run_scoped3A : memref<!tpu.dma_semaphore, #tpu.memory_space<semaphore_mem>>)
        %dma_wait3A_62 = tpu.memref_slice %arg6[%add3A_57, %mul3A_59] : memref<10000x128xf32, #tpu.memory_space<hbm>> -> memref<320x64xf32, #tpu.memory_space<hbm>>
        %dma_wait3A_63 = tpu.memref_slice %arg6[%add3A_57, %mul3A_59] : memref<10000x128xf32, #tpu.memory_space<hbm>> -> memref<320x64xf32, #tpu.memory_space<hbm>>
        tpu.wait_dma2 semaphore(%run_scoped3A : memref<!tpu.dma_semaphore, #tpu.memory_space<semaphore_mem>>) src(%arg11 : memref<320x64xf32, #tpu.memory_space<vmem>>) dst(%dma_wait3A_63 : memref<320x64xf32, #tpu.memory_space<hbm>>)
        tpu.yield
      }) : () -> ()
    } else {
    }
    %eq3A = arith.constant 15 : i32
    %eq3A_50 = arith.cmpi eq, %arg1, %eq3A : i32
    %convert_element_type3A_51 = arith.extui %eq3A_50 : i1 to i32
    %cond3A_52 = arith.constant 0 : i32
    %cond3A_53 = arith.cmpi ne, %convert_element_type3A_51, %cond3A_52 : i32
    scf.if %cond3A_53 {
      %mul3A_54 = arith.constant 64 : i32
      %mul3A_55 = arith.muli %arg0, %mul3A_54 : i32
      "tpu.region"() ({
        %run_scoped3A = tpu.sem_alloc : memref<!tpu.dma_semaphore, #tpu.memory_space<semaphore_mem>>
        %dma_start3A_56 = arith.constant 0 : i32
        %dma_start3A_57 = arith.constant 0 : i32
        %dma_start3A_58 = tpu.memref_slice %arg11[%dma_start3A_56, %dma_start3A_57] : memref<320x64xf32, #tpu.memory_space<vmem>> -> memref<80x64xf32, #tpu.memory_space<vmem>>
        %dma_start3A_59 = arith.constant 9920 : i32
        %dma_start3A_60 = tpu.memref_slice %arg6[%dma_start3A_59, %mul3A_55] : memref<10000x128xf32, #tpu.memory_space<hbm>> -> memref<80x64xf32, #tpu.memory_space<hbm>>
        %dma_start3A_61 = arith.constant 9920 : i32
        %dma_start3A_62 = tpu.memref_slice %arg6[%dma_start3A_61, %mul3A_55] : memref<10000x128xf32, #tpu.memory_space<hbm>> -> memref<80x64xf32, #tpu.memory_space<hbm>>
        %dma_start3A_63 = arith.constant 0 : i32
        %dma_start3A_64 = arith.constant 0 : i32
        %dma_start3A_65 = tpu.memref_slice %arg11[%dma_start3A_63, %dma_start3A_64] : memref<320x64xf32, #tpu.memory_space<vmem>> -> memref<80x64xf32, #tpu.memory_space<vmem>>
        tpu.enqueue_dma source(%dma_start3A_65 : memref<80x64xf32, #tpu.memory_space<vmem>>) target(%dma_start3A_62 : memref<80x64xf32, #tpu.memory_space<hbm>>) target_semaphore(%run_scoped3A : memref<!tpu.dma_semaphore, #tpu.memory_space<semaphore_mem>>)
        %dma_wait3A_66 = arith.constant 0 : i32
        %dma_wait3A_67 = arith.constant 0 : i32
        %dma_wait3A_68 = tpu.memref_slice %arg11[%dma_wait3A_66, %dma_wait3A_67] : memref<320x64xf32, #tpu.memory_space<vmem>> -> memref<80x64xf32, #tpu.memory_space<vmem>>
        %dma_wait3A_69 = arith.constant 9920 : i32
        %dma_wait3A_70 = tpu.memref_slice %arg6[%dma_wait3A_69, %mul3A_55] : memref<10000x128xf32, #tpu.memory_space<hbm>> -> memref<80x64xf32, #tpu.memory_space<hbm>>
        %dma_wait3A_71 = arith.constant 9920 : i32
        %dma_wait3A_72 = tpu.memref_slice %arg6[%dma_wait3A_71, %mul3A_55] : memref<10000x128xf32, #tpu.memory_space<hbm>> -> memref<80x64xf32, #tpu.memory_space<hbm>>
        %dma_wait3A_73 = arith.constant 0 : i32
        %dma_wait3A_74 = arith.constant 0 : i32
        %dma_wait3A_75 = tpu.memref_slice %arg11[%dma_wait3A_73, %dma_wait3A_74] : memref<320x64xf32, #tpu.memory_space<vmem>> -> memref<80x64xf32, #tpu.memory_space<vmem>>
        tpu.wait_dma2 semaphore(%run_scoped3A : memref<!tpu.dma_semaphore, #tpu.memory_space<semaphore_mem>>) src(%dma_wait3A_75 : memref<80x64xf32, #tpu.memory_space<vmem>>) dst(%dma_wait3A_72 : memref<80x64xf32, #tpu.memory_space<hbm>>)
        tpu.yield
      }) : () -> ()
    } else {
    }
    return
  }
}

#map = affine_map<(d0, d1) -> (0, 0)>
#map1 = affine_map<(d0, d1) -> (0)>
module attributes {stable_mosaic.version = 14 : i64} {
  func.func @_ea_body(%arg0: i32, %arg1: i32, %arg2: memref<320000x16xf32, #tpu.memory_space<hbm>>, %arg3: memref<320000xi32, #tpu.memory_space<hbm>>, %arg4: memref<640x16xf32, #tpu.memory_space<hbm>>, %arg5: memref<10000x128xf32, #tpu.memory_space<hbm>>, %arg6: memref<10000x32xf32, #tpu.memory_space<hbm>>, %arg7: memref<10000xi32, #tpu.memory_space<vmem>>, %arg8: memref<128x16xf32, #tpu.memory_space<vmem>>, %arg9: memref<128x16xf32, #tpu.memory_space<vmem>>, %arg10: memref<640x16xf32, #tpu.memory_space<vmem>>, %arg11: memref<10240x16xf32, #tpu.memory_space<vmem_shared>>, %arg12: memref<!tpu.dma_semaphore, #tpu.memory_space<semaphore_mem>>, %arg13: memref<!tpu.dma_semaphore, #tpu.memory_space<semaphore_mem>>) attributes {dimension_semantics = [#tpu.dimension_semantics<core_parallel>, #tpu.dimension_semantics<subcore_parallel>], iteration_bounds = array<i64: 2, 16>, scalar_prefetch = 0 : i64, scratch_operands = 7 : i64, tpu.core_type = #tpu.core_type<sc_vector_subcore>, window_params = [{transform_indices = #map}, {transform_indices = #map1}, {transform_indices = #map}, {transform_indices = #map}, {transform_indices = #map}]} {
    %mul3A = arith.constant 16 : i32
    %mul3A_0 = arith.muli %arg0, %mul3A : i32
    %add3A = arith.addi %mul3A_0, %arg1 : i32
    %mul3A_1 = arith.constant 10000 : i32
    %mul3A_2 = arith.muli %add3A, %mul3A_1 : i32
    "tpu.region"() ({
      %run_scoped3A = tpu.sem_alloc : memref<!tpu.dma_semaphore, #tpu.memory_space<semaphore_mem>>
      tpu.enqueue_dma source(%arg4 : memref<640x16xf32, #tpu.memory_space<hbm>>) target(%arg10 : memref<640x16xf32, #tpu.memory_space<vmem>>) target_semaphore(%run_scoped3A : memref<!tpu.dma_semaphore, #tpu.memory_space<semaphore_mem>>)
      tpu.wait_dma2 semaphore(%run_scoped3A : memref<!tpu.dma_semaphore, #tpu.memory_space<semaphore_mem>>) src(%arg4 : memref<640x16xf32, #tpu.memory_space<hbm>>) dst(%arg10 : memref<640x16xf32, #tpu.memory_space<vmem>>)
      tpu.yield
    }) : () -> ()
    %mul3A_3 = arith.constant 640 : i32
    %mul3A_4 = arith.muli %arg1, %mul3A_3 : i32
    "tpu.region"() ({
      %run_scoped3A = tpu.sem_alloc : memref<!tpu.dma_semaphore, #tpu.memory_space<semaphore_mem>>
      %dma_start3A_30 = arith.constant 0 : i32
      %dma_start3A_31 = tpu.memref_slice %arg11[%mul3A_4, %dma_start3A_30] : memref<10240x16xf32, #tpu.memory_space<vmem_shared>> -> memref<640x16xf32, #tpu.memory_space<vmem_shared>>
      %dma_start3A_32 = arith.constant 0 : i32
      %dma_start3A_33 = tpu.memref_slice %arg11[%mul3A_4, %dma_start3A_32] : memref<10240x16xf32, #tpu.memory_space<vmem_shared>> -> memref<640x16xf32, #tpu.memory_space<vmem_shared>>
      tpu.enqueue_dma source(%arg10 : memref<640x16xf32, #tpu.memory_space<vmem>>) target(%dma_start3A_33 : memref<640x16xf32, #tpu.memory_space<vmem_shared>>) target_semaphore(%run_scoped3A : memref<!tpu.dma_semaphore, #tpu.memory_space<semaphore_mem>>)
      %dma_wait3A = arith.constant 0 : i32
      %dma_wait3A_34 = tpu.memref_slice %arg11[%mul3A_4, %dma_wait3A] : memref<10240x16xf32, #tpu.memory_space<vmem_shared>> -> memref<640x16xf32, #tpu.memory_space<vmem_shared>>
      %dma_wait3A_35 = arith.constant 0 : i32
      %dma_wait3A_36 = tpu.memref_slice %arg11[%mul3A_4, %dma_wait3A_35] : memref<10240x16xf32, #tpu.memory_space<vmem_shared>> -> memref<640x16xf32, #tpu.memory_space<vmem_shared>>
      tpu.wait_dma2 semaphore(%run_scoped3A : memref<!tpu.dma_semaphore, #tpu.memory_space<semaphore_mem>>) src(%arg10 : memref<640x16xf32, #tpu.memory_space<vmem>>) dst(%dma_wait3A_36 : memref<640x16xf32, #tpu.memory_space<vmem_shared>>)
      tpu.yield
    }) : () -> ()
    "tpu.region"() ({
      %run_scoped3A = tpu.sem_alloc : memref<!tpu.dma_semaphore, #tpu.memory_space<semaphore_mem>>
      %dma_start3A_30 = tpu.memref_slice %arg3[%mul3A_2] : memref<320000xi32, #tpu.memory_space<hbm>> -> memref<10000xi32, #tpu.memory_space<hbm>>
      %dma_start3A_31 = tpu.memref_slice %arg3[%mul3A_2] : memref<320000xi32, #tpu.memory_space<hbm>> -> memref<10000xi32, #tpu.memory_space<hbm>>
      tpu.enqueue_dma source(%dma_start3A_31 : memref<10000xi32, #tpu.memory_space<hbm>>) target(%arg7 : memref<10000xi32, #tpu.memory_space<vmem>>) target_semaphore(%run_scoped3A : memref<!tpu.dma_semaphore, #tpu.memory_space<semaphore_mem>>)
      %dma_wait3A = tpu.memref_slice %arg3[%mul3A_2] : memref<320000xi32, #tpu.memory_space<hbm>> -> memref<10000xi32, #tpu.memory_space<hbm>>
      %dma_wait3A_32 = tpu.memref_slice %arg3[%mul3A_2] : memref<320000xi32, #tpu.memory_space<hbm>> -> memref<10000xi32, #tpu.memory_space<hbm>>
      tpu.wait_dma2 semaphore(%run_scoped3A : memref<!tpu.dma_semaphore, #tpu.memory_space<semaphore_mem>>) src(%dma_wait3A_32 : memref<10000xi32, #tpu.memory_space<hbm>>) dst(%arg7 : memref<10000xi32, #tpu.memory_space<vmem>>)
      tpu.yield
    }) : () -> ()
    %barrier3A = arith.constant 0 : index
    tpu.barrier barrier_id(%barrier3A)
    %dma_start3A = arith.constant 0 : i32
    %dma_start3A_5 = tpu.memref_slice %arg2[%mul3A_2, %dma_start3A] : memref<320000x16xf32, #tpu.memory_space<hbm>> -> memref<128x16xf32, #tpu.memory_space<hbm>>
    %dma_start3A_6 = arith.constant 0 : i32
    %dma_start3A_7 = tpu.memref_slice %arg2[%mul3A_2, %dma_start3A_6] : memref<320000x16xf32, #tpu.memory_space<hbm>> -> memref<128x16xf32, #tpu.memory_space<hbm>>
    tpu.enqueue_dma source(%dma_start3A_7 : memref<128x16xf32, #tpu.memory_space<hbm>>) target(%arg8 : memref<128x16xf32, #tpu.memory_space<vmem>>) target_semaphore(%arg12 : memref<!tpu.dma_semaphore, #tpu.memory_space<semaphore_mem>>)
    %add3A_8 = arith.constant 128 : i32
    %add3A_9 = arith.addi %mul3A_2, %add3A_8 : i32
    %dma_start3A_10 = arith.constant 0 : i32
    %dma_start3A_11 = tpu.memref_slice %arg2[%add3A_9, %dma_start3A_10] : memref<320000x16xf32, #tpu.memory_space<hbm>> -> memref<128x16xf32, #tpu.memory_space<hbm>>
    %dma_start3A_12 = arith.constant 0 : i32
    %dma_start3A_13 = tpu.memref_slice %arg2[%add3A_9, %dma_start3A_12] : memref<320000x16xf32, #tpu.memory_space<hbm>> -> memref<128x16xf32, #tpu.memory_space<hbm>>
    tpu.enqueue_dma source(%dma_start3A_13 : memref<128x16xf32, #tpu.memory_space<hbm>>) target(%arg9 : memref<128x16xf32, #tpu.memory_space<vmem>>) target_semaphore(%arg13 : memref<!tpu.dma_semaphore, #tpu.memory_space<semaphore_mem>>)
    %scan3A = arith.constant 0 : i32
    %scan3A_14 = arith.constant 0 : i32
    %scan3A_15 = arith.constant 39 : i32
    %scan3A_16 = arith.addi %scan3A_14, %scan3A_15 : i32
    %scan3A_17 = arith.constant 1 : i32
    scf.for %scan3A_30 = %scan3A_14 to %scan3A_16 step %scan3A_17  : i32 {
      %mul3A_31 = arith.constant 2 : i32
      %mul3A_32 = arith.muli %mul3A_31, %scan3A_30 : i32
      %add3A_33 = arith.constant 0 : i32
      %add3A_34 = arith.addi %mul3A_32, %add3A_33 : i32
      %mul3A_35 = arith.constant 128 : i32
      %mul3A_36 = arith.muli %add3A_34, %mul3A_35 : i32
      %add3A_37 = arith.addi %mul3A_2, %mul3A_36 : i32
      %dma_wait3A = arith.constant 0 : i32
      %dma_wait3A_38 = tpu.memref_slice %arg2[%add3A_37, %dma_wait3A] : memref<320000x16xf32, #tpu.memory_space<hbm>> -> memref<128x16xf32, #tpu.memory_space<hbm>>
      %dma_wait3A_39 = arith.constant 0 : i32
      %dma_wait3A_40 = tpu.memref_slice %arg2[%add3A_37, %dma_wait3A_39] : memref<320000x16xf32, #tpu.memory_space<hbm>> -> memref<128x16xf32, #tpu.memory_space<hbm>>
      tpu.wait_dma2 semaphore(%arg12 : memref<!tpu.dma_semaphore, #tpu.memory_space<semaphore_mem>>) src(%dma_wait3A_40 : memref<128x16xf32, #tpu.memory_space<hbm>>) dst(%arg8 : memref<128x16xf32, #tpu.memory_space<vmem>>)
      %mul3A_41 = arith.constant 128 : i32
      %mul3A_42 = arith.muli %add3A_34, %mul3A_41 : i32
      "tpu.region"() ({
        %run_scoped3A = tpu.sem_alloc : memref<!tpu.dma_semaphore, #tpu.memory_space<semaphore_mem>>
        %dma_start3A_70 = tpu.memref_slice %arg7[%mul3A_42] : memref<10000xi32, #tpu.memory_space<vmem>> -> memref<128xi32, #tpu.memory_space<vmem>>
        %dma_start3A_71 = arith.constant 0 : i32
        %dma_start3A_72 = arith.constant 0 : i32
        %dma_start3A_73 = tpu.memref_slice %arg11[%dma_start3A_71, %dma_start3A_72] : memref<10240x16xf32, #tpu.memory_space<vmem_shared>> -> memref<10240x16xf32, #tpu.memory_space<vmem_shared>>
        tpu.enqueue_indirect_dma source(%arg8 : memref<128x16xf32, #tpu.memory_space<vmem>>) target(%dma_start3A_73 : memref<10240x16xf32, #tpu.memory_space<vmem_shared>>) offsets(%dma_start3A_70 : memref<128xi32, #tpu.memory_space<vmem>>) semaphore(%run_scoped3A : memref<!tpu.dma_semaphore, #tpu.memory_space<semaphore_mem>>) {add = true}
        %dma_wait3A_74 = tpu.memref_slice %arg7[%mul3A_42] : memref<10000xi32, #tpu.memory_space<vmem>> -> memref<128xi32, #tpu.memory_space<vmem>>
        %dma_wait3A_75 = arith.constant 0 : i32
        %dma_wait3A_76 = arith.constant 0 : i32
        %dma_wait3A_77 = tpu.memref_slice %arg11[%dma_wait3A_75, %dma_wait3A_76] : memref<10240x16xf32, #tpu.memory_space<vmem_shared>> -> memref<10240x16xf32, #tpu.memory_space<vmem_shared>>
        tpu.wait_indirect_dma semaphore(%run_scoped3A : memref<!tpu.dma_semaphore, #tpu.memory_space<semaphore_mem>>) src(%arg8 : memref<128x16xf32, #tpu.memory_space<vmem>>) dst(%dma_wait3A_77 : memref<10240x16xf32, #tpu.memory_space<vmem_shared>>)
        tpu.yield
      }) : () -> ()
      %add3A_43 = arith.constant 2 : i32
      %add3A_44 = arith.addi %add3A_34, %add3A_43 : i32
      %lt3A_45 = arith.constant 78 : i32
      %lt3A_46 = arith.cmpi slt, %add3A_44, %lt3A_45 : i32
      %convert_element_type3A_47 = arith.extui %lt3A_46 : i1 to i32
      %cond3A_48 = arith.constant 0 : i32
      %cond3A_49 = arith.cmpi ne, %convert_element_type3A_47, %cond3A_48 : i32
      scf.if %cond3A_49 {
        %add3A_70 = arith.constant 2 : i32
        %add3A_71 = arith.addi %add3A_34, %add3A_70 : i32
        %mul3A_72 = arith.constant 128 : i32
        %mul3A_73 = arith.muli %add3A_71, %mul3A_72 : i32
        %add3A_74 = arith.addi %mul3A_2, %mul3A_73 : i32
        %dma_start3A_75 = arith.constant 0 : i32
        %dma_start3A_76 = tpu.memref_slice %arg2[%add3A_74, %dma_start3A_75] : memref<320000x16xf32, #tpu.memory_space<hbm>> -> memref<128x16xf32, #tpu.memory_space<hbm>>
        %dma_start3A_77 = arith.constant 0 : i32
        %dma_start3A_78 = tpu.memref_slice %arg2[%add3A_74, %dma_start3A_77] : memref<320000x16xf32, #tpu.memory_space<hbm>> -> memref<128x16xf32, #tpu.memory_space<hbm>>
        tpu.enqueue_dma source(%dma_start3A_78 : memref<128x16xf32, #tpu.memory_space<hbm>>) target(%arg8 : memref<128x16xf32, #tpu.memory_space<vmem>>) target_semaphore(%arg12 : memref<!tpu.dma_semaphore, #tpu.memory_space<semaphore_mem>>)
      } else {
      }
      %mul3A_50 = arith.constant 2 : i32
      %mul3A_51 = arith.muli %mul3A_50, %scan3A_30 : i32
      %add3A_52 = arith.constant 1 : i32
      %add3A_53 = arith.addi %mul3A_51, %add3A_52 : i32
      %mul3A_54 = arith.constant 128 : i32
      %mul3A_55 = arith.muli %add3A_53, %mul3A_54 : i32
      %add3A_56 = arith.addi %mul3A_2, %mul3A_55 : i32
      %dma_wait3A_57 = arith.constant 0 : i32
      %dma_wait3A_58 = tpu.memref_slice %arg2[%add3A_56, %dma_wait3A_57] : memref<320000x16xf32, #tpu.memory_space<hbm>> -> memref<128x16xf32, #tpu.memory_space<hbm>>
      %dma_wait3A_59 = arith.constant 0 : i32
      %dma_wait3A_60 = tpu.memref_slice %arg2[%add3A_56, %dma_wait3A_59] : memref<320000x16xf32, #tpu.memory_space<hbm>> -> memref<128x16xf32, #tpu.memory_space<hbm>>
      tpu.wait_dma2 semaphore(%arg13 : memref<!tpu.dma_semaphore, #tpu.memory_space<semaphore_mem>>) src(%dma_wait3A_60 : memref<128x16xf32, #tpu.memory_space<hbm>>) dst(%arg9 : memref<128x16xf32, #tpu.memory_space<vmem>>)
      %mul3A_61 = arith.constant 128 : i32
      %mul3A_62 = arith.muli %add3A_53, %mul3A_61 : i32
      "tpu.region"() ({
        %run_scoped3A = tpu.sem_alloc : memref<!tpu.dma_semaphore, #tpu.memory_space<semaphore_mem>>
        %dma_start3A_70 = tpu.memref_slice %arg7[%mul3A_62] : memref<10000xi32, #tpu.memory_space<vmem>> -> memref<128xi32, #tpu.memory_space<vmem>>
        %dma_start3A_71 = arith.constant 0 : i32
        %dma_start3A_72 = arith.constant 0 : i32
        %dma_start3A_73 = tpu.memref_slice %arg11[%dma_start3A_71, %dma_start3A_72] : memref<10240x16xf32, #tpu.memory_space<vmem_shared>> -> memref<10240x16xf32, #tpu.memory_space<vmem_shared>>
        tpu.enqueue_indirect_dma source(%arg9 : memref<128x16xf32, #tpu.memory_space<vmem>>) target(%dma_start3A_73 : memref<10240x16xf32, #tpu.memory_space<vmem_shared>>) offsets(%dma_start3A_70 : memref<128xi32, #tpu.memory_space<vmem>>) semaphore(%run_scoped3A : memref<!tpu.dma_semaphore, #tpu.memory_space<semaphore_mem>>) {add = true}
        %dma_wait3A_74 = tpu.memref_slice %arg7[%mul3A_62] : memref<10000xi32, #tpu.memory_space<vmem>> -> memref<128xi32, #tpu.memory_space<vmem>>
        %dma_wait3A_75 = arith.constant 0 : i32
        %dma_wait3A_76 = arith.constant 0 : i32
        %dma_wait3A_77 = tpu.memref_slice %arg11[%dma_wait3A_75, %dma_wait3A_76] : memref<10240x16xf32, #tpu.memory_space<vmem_shared>> -> memref<10240x16xf32, #tpu.memory_space<vmem_shared>>
        tpu.wait_indirect_dma semaphore(%run_scoped3A : memref<!tpu.dma_semaphore, #tpu.memory_space<semaphore_mem>>) src(%arg9 : memref<128x16xf32, #tpu.memory_space<vmem>>) dst(%dma_wait3A_77 : memref<10240x16xf32, #tpu.memory_space<vmem_shared>>)
        tpu.yield
      }) : () -> ()
      %add3A_63 = arith.constant 2 : i32
      %add3A_64 = arith.addi %add3A_53, %add3A_63 : i32
      %lt3A_65 = arith.constant 78 : i32
      %lt3A_66 = arith.cmpi slt, %add3A_64, %lt3A_65 : i32
      %convert_element_type3A_67 = arith.extui %lt3A_66 : i1 to i32
      %cond3A_68 = arith.constant 0 : i32
      %cond3A_69 = arith.cmpi ne, %convert_element_type3A_67, %cond3A_68 : i32
      scf.if %cond3A_69 {
        %add3A_70 = arith.constant 2 : i32
        %add3A_71 = arith.addi %add3A_53, %add3A_70 : i32
        %mul3A_72 = arith.constant 128 : i32
        %mul3A_73 = arith.muli %add3A_71, %mul3A_72 : i32
        %add3A_74 = arith.addi %mul3A_2, %mul3A_73 : i32
        %dma_start3A_75 = arith.constant 0 : i32
        %dma_start3A_76 = tpu.memref_slice %arg2[%add3A_74, %dma_start3A_75] : memref<320000x16xf32, #tpu.memory_space<hbm>> -> memref<128x16xf32, #tpu.memory_space<hbm>>
        %dma_start3A_77 = arith.constant 0 : i32
        %dma_start3A_78 = tpu.memref_slice %arg2[%add3A_74, %dma_start3A_77] : memref<320000x16xf32, #tpu.memory_space<hbm>> -> memref<128x16xf32, #tpu.memory_space<hbm>>
        tpu.enqueue_dma source(%dma_start3A_78 : memref<128x16xf32, #tpu.memory_space<hbm>>) target(%arg9 : memref<128x16xf32, #tpu.memory_space<vmem>>) target_semaphore(%arg13 : memref<!tpu.dma_semaphore, #tpu.memory_space<semaphore_mem>>)
      } else {
      }
    }
    %scan3A_18 = arith.constant 39 : i32
    %add3A_19 = arith.constant 9984 : i32
    %add3A_20 = arith.addi %mul3A_2, %add3A_19 : i32
    "tpu.region"() ({
      %run_scoped3A = tpu.sem_alloc : memref<!tpu.dma_semaphore, #tpu.memory_space<semaphore_mem>>
      %dma_start3A_30 = arith.constant 0 : i32
      %dma_start3A_31 = arith.constant 0 : i32
      %dma_start3A_32 = tpu.memref_slice %arg8[%dma_start3A_30, %dma_start3A_31] : memref<128x16xf32, #tpu.memory_space<vmem>> -> memref<16x16xf32, #tpu.memory_space<vmem>>
      %dma_start3A_33 = arith.constant 0 : i32
      %dma_start3A_34 = tpu.memref_slice %arg2[%add3A_20, %dma_start3A_33] : memref<320000x16xf32, #tpu.memory_space<hbm>> -> memref<16x16xf32, #tpu.memory_space<hbm>>
      %dma_start3A_35 = arith.constant 0 : i32
      %dma_start3A_36 = arith.constant 0 : i32
      %dma_start3A_37 = tpu.memref_slice %arg8[%dma_start3A_35, %dma_start3A_36] : memref<128x16xf32, #tpu.memory_space<vmem>> -> memref<16x16xf32, #tpu.memory_space<vmem>>
      %dma_start3A_38 = arith.constant 0 : i32
      %dma_start3A_39 = tpu.memref_slice %arg2[%add3A_20, %dma_start3A_38] : memref<320000x16xf32, #tpu.memory_space<hbm>> -> memref<16x16xf32, #tpu.memory_space<hbm>>
      tpu.enqueue_dma source(%dma_start3A_39 : memref<16x16xf32, #tpu.memory_space<hbm>>) target(%dma_start3A_37 : memref<16x16xf32, #tpu.memory_space<vmem>>) target_semaphore(%run_scoped3A : memref<!tpu.dma_semaphore, #tpu.memory_space<semaphore_mem>>)
      %dma_wait3A = arith.constant 0 : i32
      %dma_wait3A_40 = arith.constant 0 : i32
      %dma_wait3A_41 = tpu.memref_slice %arg8[%dma_wait3A, %dma_wait3A_40] : memref<128x16xf32, #tpu.memory_space<vmem>> -> memref<16x16xf32, #tpu.memory_space<vmem>>
      %dma_wait3A_42 = arith.constant 0 : i32
      %dma_wait3A_43 = tpu.memref_slice %arg2[%add3A_20, %dma_wait3A_42] : memref<320000x16xf32, #tpu.memory_space<hbm>> -> memref<16x16xf32, #tpu.memory_space<hbm>>
      %dma_wait3A_44 = arith.constant 0 : i32
      %dma_wait3A_45 = arith.constant 0 : i32
      %dma_wait3A_46 = tpu.memref_slice %arg8[%dma_wait3A_44, %dma_wait3A_45] : memref<128x16xf32, #tpu.memory_space<vmem>> -> memref<16x16xf32, #tpu.memory_space<vmem>>
      %dma_wait3A_47 = arith.constant 0 : i32
      %dma_wait3A_48 = tpu.memref_slice %arg2[%add3A_20, %dma_wait3A_47] : memref<320000x16xf32, #tpu.memory_space<hbm>> -> memref<16x16xf32, #tpu.memory_space<hbm>>
      tpu.wait_dma2 semaphore(%run_scoped3A : memref<!tpu.dma_semaphore, #tpu.memory_space<semaphore_mem>>) src(%dma_wait3A_48 : memref<16x16xf32, #tpu.memory_space<hbm>>) dst(%dma_wait3A_46 : memref<16x16xf32, #tpu.memory_space<vmem>>)
      tpu.yield
    }) : () -> ()
    "tpu.region"() ({
      %run_scoped3A = tpu.sem_alloc : memref<!tpu.dma_semaphore, #tpu.memory_space<semaphore_mem>>
      %dma_start3A_30 = arith.constant 0 : i32
      %dma_start3A_31 = arith.constant 0 : i32
      %dma_start3A_32 = tpu.memref_slice %arg8[%dma_start3A_30, %dma_start3A_31] : memref<128x16xf32, #tpu.memory_space<vmem>> -> memref<16x16xf32, #tpu.memory_space<vmem>>
      %dma_start3A_33 = arith.constant 9984 : i32
      %dma_start3A_34 = tpu.memref_slice %arg7[%dma_start3A_33] : memref<10000xi32, #tpu.memory_space<vmem>> -> memref<16xi32, #tpu.memory_space<vmem>>
      %dma_start3A_35 = arith.constant 0 : i32
      %dma_start3A_36 = arith.constant 0 : i32
      %dma_start3A_37 = tpu.memref_slice %arg11[%dma_start3A_35, %dma_start3A_36] : memref<10240x16xf32, #tpu.memory_space<vmem_shared>> -> memref<10240x16xf32, #tpu.memory_space<vmem_shared>>
      tpu.enqueue_indirect_dma source(%dma_start3A_32 : memref<16x16xf32, #tpu.memory_space<vmem>>) target(%dma_start3A_37 : memref<10240x16xf32, #tpu.memory_space<vmem_shared>>) offsets(%dma_start3A_34 : memref<16xi32, #tpu.memory_space<vmem>>) semaphore(%run_scoped3A : memref<!tpu.dma_semaphore, #tpu.memory_space<semaphore_mem>>) {add = true}
      %dma_wait3A = arith.constant 0 : i32
      %dma_wait3A_38 = arith.constant 0 : i32
      %dma_wait3A_39 = tpu.memref_slice %arg8[%dma_wait3A, %dma_wait3A_38] : memref<128x16xf32, #tpu.memory_space<vmem>> -> memref<16x16xf32, #tpu.memory_space<vmem>>
      %dma_wait3A_40 = arith.constant 9984 : i32
      %dma_wait3A_41 = tpu.memref_slice %arg7[%dma_wait3A_40] : memref<10000xi32, #tpu.memory_space<vmem>> -> memref<16xi32, #tpu.memory_space<vmem>>
      %dma_wait3A_42 = arith.constant 0 : i32
      %dma_wait3A_43 = arith.constant 0 : i32
      %dma_wait3A_44 = tpu.memref_slice %arg11[%dma_wait3A_42, %dma_wait3A_43] : memref<10240x16xf32, #tpu.memory_space<vmem_shared>> -> memref<10240x16xf32, #tpu.memory_space<vmem_shared>>
      tpu.wait_indirect_dma semaphore(%run_scoped3A : memref<!tpu.dma_semaphore, #tpu.memory_space<semaphore_mem>>) src(%dma_wait3A_39 : memref<16x16xf32, #tpu.memory_space<vmem>>) dst(%dma_wait3A_44 : memref<10240x16xf32, #tpu.memory_space<vmem_shared>>)
      tpu.yield
    }) : () -> ()
    %barrier3A_21 = arith.constant 0 : index
    tpu.barrier barrier_id(%barrier3A_21)
    %mul3A_22 = arith.constant 640 : i32
    %mul3A_23 = arith.muli %arg1, %mul3A_22 : i32
    "tpu.region"() ({
      %run_scoped3A = tpu.sem_alloc : memref<!tpu.dma_semaphore, #tpu.memory_space<semaphore_mem>>
      %dma_start3A_30 = arith.constant 0 : i32
      %dma_start3A_31 = tpu.memref_slice %arg11[%mul3A_23, %dma_start3A_30] : memref<10240x16xf32, #tpu.memory_space<vmem_shared>> -> memref<640x16xf32, #tpu.memory_space<vmem_shared>>
      %dma_start3A_32 = arith.constant 0 : i32
      %dma_start3A_33 = tpu.memref_slice %arg11[%mul3A_23, %dma_start3A_32] : memref<10240x16xf32, #tpu.memory_space<vmem_shared>> -> memref<640x16xf32, #tpu.memory_space<vmem_shared>>
      tpu.enqueue_dma source(%dma_start3A_33 : memref<640x16xf32, #tpu.memory_space<vmem_shared>>) target(%arg10 : memref<640x16xf32, #tpu.memory_space<vmem>>) target_semaphore(%run_scoped3A : memref<!tpu.dma_semaphore, #tpu.memory_space<semaphore_mem>>)
      %dma_wait3A = arith.constant 0 : i32
      %dma_wait3A_34 = tpu.memref_slice %arg11[%mul3A_23, %dma_wait3A] : memref<10240x16xf32, #tpu.memory_space<vmem_shared>> -> memref<640x16xf32, #tpu.memory_space<vmem_shared>>
      %dma_wait3A_35 = arith.constant 0 : i32
      %dma_wait3A_36 = tpu.memref_slice %arg11[%mul3A_23, %dma_wait3A_35] : memref<10240x16xf32, #tpu.memory_space<vmem_shared>> -> memref<640x16xf32, #tpu.memory_space<vmem_shared>>
      tpu.wait_dma2 semaphore(%run_scoped3A : memref<!tpu.dma_semaphore, #tpu.memory_space<semaphore_mem>>) src(%dma_wait3A_36 : memref<640x16xf32, #tpu.memory_space<vmem_shared>>) dst(%arg10 : memref<640x16xf32, #tpu.memory_space<vmem>>)
      tpu.yield
    }) : () -> ()
    %lt3A = arith.constant 15 : i32
    %lt3A_24 = arith.cmpi slt, %arg1, %lt3A : i32
    %convert_element_type3A = arith.extui %lt3A_24 : i1 to i32
    %cond3A = arith.constant 0 : i32
    %cond3A_25 = arith.cmpi ne, %convert_element_type3A, %cond3A : i32
    scf.if %cond3A_25 {
      %mul3A_30 = arith.constant 640 : i32
      %mul3A_31 = arith.muli %arg1, %mul3A_30 : i32
      %mul3A_32 = arith.constant 16 : i32
      %mul3A_33 = arith.muli %arg0, %mul3A_32 : i32
      "tpu.region"() ({
        %run_scoped3A = tpu.sem_alloc : memref<!tpu.dma_semaphore, #tpu.memory_space<semaphore_mem>>
        %dma_start3A_34 = tpu.memref_slice %arg6[%mul3A_31, %mul3A_33] : memref<10000x32xf32, #tpu.memory_space<hbm>> -> memref<640x16xf32, #tpu.memory_space<hbm>>
        %dma_start3A_35 = tpu.memref_slice %arg6[%mul3A_31, %mul3A_33] : memref<10000x32xf32, #tpu.memory_space<hbm>> -> memref<640x16xf32, #tpu.memory_space<hbm>>
        tpu.enqueue_dma source(%arg10 : memref<640x16xf32, #tpu.memory_space<vmem>>) target(%dma_start3A_35 : memref<640x16xf32, #tpu.memory_space<hbm>>) target_semaphore(%run_scoped3A : memref<!tpu.dma_semaphore, #tpu.memory_space<semaphore_mem>>)
        %dma_wait3A = tpu.memref_slice %arg6[%mul3A_31, %mul3A_33] : memref<10000x32xf32, #tpu.memory_space<hbm>> -> memref<640x16xf32, #tpu.memory_space<hbm>>
        %dma_wait3A_36 = tpu.memref_slice %arg6[%mul3A_31, %mul3A_33] : memref<10000x32xf32, #tpu.memory_space<hbm>> -> memref<640x16xf32, #tpu.memory_space<hbm>>
        tpu.wait_dma2 semaphore(%run_scoped3A : memref<!tpu.dma_semaphore, #tpu.memory_space<semaphore_mem>>) src(%arg10 : memref<640x16xf32, #tpu.memory_space<vmem>>) dst(%dma_wait3A_36 : memref<640x16xf32, #tpu.memory_space<hbm>>)
        tpu.yield
      }) : () -> ()
    } else {
    }
    %eq3A = arith.constant 15 : i32
    %eq3A_26 = arith.cmpi eq, %arg1, %eq3A : i32
    %convert_element_type3A_27 = arith.extui %eq3A_26 : i1 to i32
    %cond3A_28 = arith.constant 0 : i32
    %cond3A_29 = arith.cmpi ne, %convert_element_type3A_27, %cond3A_28 : i32
    scf.if %cond3A_29 {
      %mul3A_30 = arith.constant 16 : i32
      %mul3A_31 = arith.muli %arg0, %mul3A_30 : i32
      "tpu.region"() ({
        %run_scoped3A = tpu.sem_alloc : memref<!tpu.dma_semaphore, #tpu.memory_space<semaphore_mem>>
        %dma_start3A_32 = arith.constant 0 : i32
        %dma_start3A_33 = arith.constant 0 : i32
        %dma_start3A_34 = tpu.memref_slice %arg10[%dma_start3A_32, %dma_start3A_33] : memref<640x16xf32, #tpu.memory_space<vmem>> -> memref<400x16xf32, #tpu.memory_space<vmem>>
        %dma_start3A_35 = arith.constant 9600 : i32
        %dma_start3A_36 = tpu.memref_slice %arg6[%dma_start3A_35, %mul3A_31] : memref<10000x32xf32, #tpu.memory_space<hbm>> -> memref<400x16xf32, #tpu.memory_space<hbm>>
        %dma_start3A_37 = arith.constant 9600 : i32
        %dma_start3A_38 = tpu.memref_slice %arg6[%dma_start3A_37, %mul3A_31] : memref<10000x32xf32, #tpu.memory_space<hbm>> -> memref<400x16xf32, #tpu.memory_space<hbm>>
        %dma_start3A_39 = arith.constant 0 : i32
        %dma_start3A_40 = arith.constant 0 : i32
        %dma_start3A_41 = tpu.memref_slice %arg10[%dma_start3A_39, %dma_start3A_40] : memref<640x16xf32, #tpu.memory_space<vmem>> -> memref<400x16xf32, #tpu.memory_space<vmem>>
        tpu.enqueue_dma source(%dma_start3A_41 : memref<400x16xf32, #tpu.memory_space<vmem>>) target(%dma_start3A_38 : memref<400x16xf32, #tpu.memory_space<hbm>>) target_semaphore(%run_scoped3A : memref<!tpu.dma_semaphore, #tpu.memory_space<semaphore_mem>>)
        %dma_wait3A = arith.constant 0 : i32
        %dma_wait3A_42 = arith.constant 0 : i32
        %dma_wait3A_43 = tpu.memref_slice %arg10[%dma_wait3A, %dma_wait3A_42] : memref<640x16xf32, #tpu.memory_space<vmem>> -> memref<400x16xf32, #tpu.memory_space<vmem>>
        %dma_wait3A_44 = arith.constant 9600 : i32
        %dma_wait3A_45 = tpu.memref_slice %arg6[%dma_wait3A_44, %mul3A_31] : memref<10000x32xf32, #tpu.memory_space<hbm>> -> memref<400x16xf32, #tpu.memory_space<hbm>>
        %dma_wait3A_46 = arith.constant 9600 : i32
        %dma_wait3A_47 = tpu.memref_slice %arg6[%dma_wait3A_46, %mul3A_31] : memref<10000x32xf32, #tpu.memory_space<hbm>> -> memref<400x16xf32, #tpu.memory_space<hbm>>
        %dma_wait3A_48 = arith.constant 0 : i32
        %dma_wait3A_49 = arith.constant 0 : i32
        %dma_wait3A_50 = tpu.memref_slice %arg10[%dma_wait3A_48, %dma_wait3A_49] : memref<640x16xf32, #tpu.memory_space<vmem>> -> memref<400x16xf32, #tpu.memory_space<vmem>>
        tpu.wait_dma2 semaphore(%run_scoped3A : memref<!tpu.dma_semaphore, #tpu.memory_space<semaphore_mem>>) src(%dma_wait3A_50 : memref<400x16xf32, #tpu.memory_space<vmem>>) dst(%dma_wait3A_47 : memref<400x16xf32, #tpu.memory_space<hbm>>)
        tpu.yield
      }) : () -> ()
    } else {
    }
    return
  }
}

#map = affine_map<(d0, d1) -> (0)>
#map1 = affine_map<(d0, d1) -> (0, 0)>
module attributes {stable_mosaic.version = 14 : i64} {
  func.func @_deg_body(%arg0: i32, %arg1: i32, %arg2: memref<320000xi32, #tpu.memory_space<hbm>>, %arg3: memref<128x8xf32, #tpu.memory_space<hbm>>, %arg4: memref<640x8xf32, #tpu.memory_space<hbm>>, %arg5: memref<10000x16xf32, #tpu.memory_space<hbm>>, %arg6: memref<10000xi32, #tpu.memory_space<vmem>>, %arg7: memref<128x8xf32, #tpu.memory_space<vmem>>, %arg8: memref<640x8xf32, #tpu.memory_space<vmem>>, %arg9: memref<10240x8xf32, #tpu.memory_space<vmem_shared>>, %arg10: memref<!tpu.dma_semaphore, #tpu.memory_space<semaphore_mem>>, %arg11: memref<!tpu.dma_semaphore, #tpu.memory_space<semaphore_mem>>) attributes {dimension_semantics = [#tpu.dimension_semantics<core_parallel>, #tpu.dimension_semantics<subcore_parallel>], iteration_bounds = array<i64: 2, 16>, scalar_prefetch = 0 : i64, scratch_operands = 6 : i64, tpu.core_type = #tpu.core_type<sc_vector_subcore>, window_params = [{transform_indices = #map}, {transform_indices = #map1}, {transform_indices = #map1}, {transform_indices = #map1}]} {
    %mul3A = arith.constant 16 : i32
    %mul3A_0 = arith.muli %arg0, %mul3A : i32
    %add3A = arith.addi %mul3A_0, %arg1 : i32
    %mul3A_1 = arith.constant 10000 : i32
    %mul3A_2 = arith.muli %add3A, %mul3A_1 : i32
    "tpu.region"() ({
      %run_scoped3A = tpu.sem_alloc : memref<!tpu.dma_semaphore, #tpu.memory_space<semaphore_mem>>
      tpu.enqueue_dma source(%arg4 : memref<640x8xf32, #tpu.memory_space<hbm>>) target(%arg8 : memref<640x8xf32, #tpu.memory_space<vmem>>) target_semaphore(%run_scoped3A : memref<!tpu.dma_semaphore, #tpu.memory_space<semaphore_mem>>)
      tpu.wait_dma2 semaphore(%run_scoped3A : memref<!tpu.dma_semaphore, #tpu.memory_space<semaphore_mem>>) src(%arg4 : memref<640x8xf32, #tpu.memory_space<hbm>>) dst(%arg8 : memref<640x8xf32, #tpu.memory_space<vmem>>)
      tpu.yield
    }) : () -> ()
    %mul3A_3 = arith.constant 640 : i32
    %mul3A_4 = arith.muli %arg1, %mul3A_3 : i32
    "tpu.region"() ({
      %run_scoped3A = tpu.sem_alloc : memref<!tpu.dma_semaphore, #tpu.memory_space<semaphore_mem>>
      %dma_start3A = arith.constant 0 : i32
      %dma_start3A_19 = tpu.memref_slice %arg9[%mul3A_4, %dma_start3A] : memref<10240x8xf32, #tpu.memory_space<vmem_shared>> -> memref<640x8xf32, #tpu.memory_space<vmem_shared>>
      %dma_start3A_20 = arith.constant 0 : i32
      %dma_start3A_21 = tpu.memref_slice %arg9[%mul3A_4, %dma_start3A_20] : memref<10240x8xf32, #tpu.memory_space<vmem_shared>> -> memref<640x8xf32, #tpu.memory_space<vmem_shared>>
      tpu.enqueue_dma source(%arg8 : memref<640x8xf32, #tpu.memory_space<vmem>>) target(%dma_start3A_21 : memref<640x8xf32, #tpu.memory_space<vmem_shared>>) target_semaphore(%run_scoped3A : memref<!tpu.dma_semaphore, #tpu.memory_space<semaphore_mem>>)
      %dma_wait3A = arith.constant 0 : i32
      %dma_wait3A_22 = tpu.memref_slice %arg9[%mul3A_4, %dma_wait3A] : memref<10240x8xf32, #tpu.memory_space<vmem_shared>> -> memref<640x8xf32, #tpu.memory_space<vmem_shared>>
      %dma_wait3A_23 = arith.constant 0 : i32
      %dma_wait3A_24 = tpu.memref_slice %arg9[%mul3A_4, %dma_wait3A_23] : memref<10240x8xf32, #tpu.memory_space<vmem_shared>> -> memref<640x8xf32, #tpu.memory_space<vmem_shared>>
      tpu.wait_dma2 semaphore(%run_scoped3A : memref<!tpu.dma_semaphore, #tpu.memory_space<semaphore_mem>>) src(%arg8 : memref<640x8xf32, #tpu.memory_space<vmem>>) dst(%dma_wait3A_24 : memref<640x8xf32, #tpu.memory_space<vmem_shared>>)
      tpu.yield
    }) : () -> ()
    "tpu.region"() ({
      %run_scoped3A = tpu.sem_alloc : memref<!tpu.dma_semaphore, #tpu.memory_space<semaphore_mem>>
      tpu.enqueue_dma source(%arg3 : memref<128x8xf32, #tpu.memory_space<hbm>>) target(%arg7 : memref<128x8xf32, #tpu.memory_space<vmem>>) target_semaphore(%run_scoped3A : memref<!tpu.dma_semaphore, #tpu.memory_space<semaphore_mem>>)
      tpu.wait_dma2 semaphore(%run_scoped3A : memref<!tpu.dma_semaphore, #tpu.memory_space<semaphore_mem>>) src(%arg3 : memref<128x8xf32, #tpu.memory_space<hbm>>) dst(%arg7 : memref<128x8xf32, #tpu.memory_space<vmem>>)
      tpu.yield
    }) : () -> ()
    "tpu.region"() ({
      %run_scoped3A = tpu.sem_alloc : memref<!tpu.dma_semaphore, #tpu.memory_space<semaphore_mem>>
      %dma_start3A = tpu.memref_slice %arg2[%mul3A_2] : memref<320000xi32, #tpu.memory_space<hbm>> -> memref<10000xi32, #tpu.memory_space<hbm>>
      %dma_start3A_19 = tpu.memref_slice %arg2[%mul3A_2] : memref<320000xi32, #tpu.memory_space<hbm>> -> memref<10000xi32, #tpu.memory_space<hbm>>
      tpu.enqueue_dma source(%dma_start3A_19 : memref<10000xi32, #tpu.memory_space<hbm>>) target(%arg6 : memref<10000xi32, #tpu.memory_space<vmem>>) target_semaphore(%run_scoped3A : memref<!tpu.dma_semaphore, #tpu.memory_space<semaphore_mem>>)
      %dma_wait3A = tpu.memref_slice %arg2[%mul3A_2] : memref<320000xi32, #tpu.memory_space<hbm>> -> memref<10000xi32, #tpu.memory_space<hbm>>
      %dma_wait3A_20 = tpu.memref_slice %arg2[%mul3A_2] : memref<320000xi32, #tpu.memory_space<hbm>> -> memref<10000xi32, #tpu.memory_space<hbm>>
      tpu.wait_dma2 semaphore(%run_scoped3A : memref<!tpu.dma_semaphore, #tpu.memory_space<semaphore_mem>>) src(%dma_wait3A_20 : memref<10000xi32, #tpu.memory_space<hbm>>) dst(%arg6 : memref<10000xi32, #tpu.memory_space<vmem>>)
      tpu.yield
    }) : () -> ()
    %barrier3A = arith.constant 0 : index
    tpu.barrier barrier_id(%barrier3A)
    %scan3A = arith.constant 0 : i32
    %scan3A_5 = arith.constant 0 : i32
    %scan3A_6 = arith.constant 39 : i32
    %scan3A_7 = arith.addi %scan3A_5, %scan3A_6 : i32
    %scan3A_8 = arith.constant 1 : i32
    scf.for %scan3A_19 = %scan3A_5 to %scan3A_7 step %scan3A_8  : i32 {
      %mul3A_20 = arith.constant 2 : i32
      %mul3A_21 = arith.muli %mul3A_20, %scan3A_19 : i32
      %add3A_22 = arith.constant 0 : i32
      %add3A_23 = arith.addi %mul3A_21, %add3A_22 : i32
      %mul3A_24 = arith.constant 128 : i32
      %mul3A_25 = arith.muli %add3A_23, %mul3A_24 : i32
      %dma_start3A = tpu.memref_slice %arg6[%mul3A_25] : memref<10000xi32, #tpu.memory_space<vmem>> -> memref<128xi32, #tpu.memory_space<vmem>>
      %dma_start3A_26 = arith.constant 0 : i32
      %dma_start3A_27 = arith.constant 0 : i32
      %dma_start3A_28 = tpu.memref_slice %arg9[%dma_start3A_26, %dma_start3A_27] : memref<10240x8xf32, #tpu.memory_space<vmem_shared>> -> memref<10240x8xf32, #tpu.memory_space<vmem_shared>>
      tpu.enqueue_indirect_dma source(%arg7 : memref<128x8xf32, #tpu.memory_space<vmem>>) target(%dma_start3A_28 : memref<10240x8xf32, #tpu.memory_space<vmem_shared>>) offsets(%dma_start3A : memref<128xi32, #tpu.memory_space<vmem>>) semaphore(%arg10 : memref<!tpu.dma_semaphore, #tpu.memory_space<semaphore_mem>>) {add = true}
      %mul3A_29 = arith.constant 2 : i32
      %mul3A_30 = arith.muli %mul3A_29, %scan3A_19 : i32
      %add3A_31 = arith.constant 1 : i32
      %add3A_32 = arith.addi %mul3A_30, %add3A_31 : i32
      %mul3A_33 = arith.constant 128 : i32
      %mul3A_34 = arith.muli %add3A_32, %mul3A_33 : i32
      %dma_start3A_35 = tpu.memref_slice %arg6[%mul3A_34] : memref<10000xi32, #tpu.memory_space<vmem>> -> memref<128xi32, #tpu.memory_space<vmem>>
      %dma_start3A_36 = arith.constant 0 : i32
      %dma_start3A_37 = arith.constant 0 : i32
      %dma_start3A_38 = tpu.memref_slice %arg9[%dma_start3A_36, %dma_start3A_37] : memref<10240x8xf32, #tpu.memory_space<vmem_shared>> -> memref<10240x8xf32, #tpu.memory_space<vmem_shared>>
      tpu.enqueue_indirect_dma source(%arg7 : memref<128x8xf32, #tpu.memory_space<vmem>>) target(%dma_start3A_38 : memref<10240x8xf32, #tpu.memory_space<vmem_shared>>) offsets(%dma_start3A_35 : memref<128xi32, #tpu.memory_space<vmem>>) semaphore(%arg11 : memref<!tpu.dma_semaphore, #tpu.memory_space<semaphore_mem>>) {add = true}
      %mul3A_39 = arith.constant 2 : i32
      %mul3A_40 = arith.muli %mul3A_39, %scan3A_19 : i32
      %add3A_41 = arith.constant 0 : i32
      %add3A_42 = arith.addi %mul3A_40, %add3A_41 : i32
      %mul3A_43 = arith.constant 128 : i32
      %mul3A_44 = arith.muli %add3A_42, %mul3A_43 : i32
      %dma_wait3A = tpu.memref_slice %arg6[%mul3A_44] : memref<10000xi32, #tpu.memory_space<vmem>> -> memref<128xi32, #tpu.memory_space<vmem>>
      %dma_wait3A_45 = arith.constant 0 : i32
      %dma_wait3A_46 = arith.constant 0 : i32
      %dma_wait3A_47 = tpu.memref_slice %arg9[%dma_wait3A_45, %dma_wait3A_46] : memref<10240x8xf32, #tpu.memory_space<vmem_shared>> -> memref<10240x8xf32, #tpu.memory_space<vmem_shared>>
      tpu.wait_indirect_dma semaphore(%arg10 : memref<!tpu.dma_semaphore, #tpu.memory_space<semaphore_mem>>) src(%arg7 : memref<128x8xf32, #tpu.memory_space<vmem>>) dst(%dma_wait3A_47 : memref<10240x8xf32, #tpu.memory_space<vmem_shared>>)
      %mul3A_48 = arith.constant 2 : i32
      %mul3A_49 = arith.muli %mul3A_48, %scan3A_19 : i32
      %add3A_50 = arith.constant 1 : i32
      %add3A_51 = arith.addi %mul3A_49, %add3A_50 : i32
      %mul3A_52 = arith.constant 128 : i32
      %mul3A_53 = arith.muli %add3A_51, %mul3A_52 : i32
      %dma_wait3A_54 = tpu.memref_slice %arg6[%mul3A_53] : memref<10000xi32, #tpu.memory_space<vmem>> -> memref<128xi32, #tpu.memory_space<vmem>>
      %dma_wait3A_55 = arith.constant 0 : i32
      %dma_wait3A_56 = arith.constant 0 : i32
      %dma_wait3A_57 = tpu.memref_slice %arg9[%dma_wait3A_55, %dma_wait3A_56] : memref<10240x8xf32, #tpu.memory_space<vmem_shared>> -> memref<10240x8xf32, #tpu.memory_space<vmem_shared>>
      tpu.wait_indirect_dma semaphore(%arg11 : memref<!tpu.dma_semaphore, #tpu.memory_space<semaphore_mem>>) src(%arg7 : memref<128x8xf32, #tpu.memory_space<vmem>>) dst(%dma_wait3A_57 : memref<10240x8xf32, #tpu.memory_space<vmem_shared>>)
    }
    %scan3A_9 = arith.constant 39 : i32
    "tpu.region"() ({
      %run_scoped3A = tpu.sem_alloc : memref<!tpu.dma_semaphore, #tpu.memory_space<semaphore_mem>>
      %dma_start3A = arith.constant 0 : i32
      %dma_start3A_19 = arith.constant 0 : i32
      %dma_start3A_20 = tpu.memref_slice %arg7[%dma_start3A, %dma_start3A_19] : memref<128x8xf32, #tpu.memory_space<vmem>> -> memref<16x8xf32, #tpu.memory_space<vmem>>
      %dma_start3A_21 = arith.constant 9984 : i32
      %dma_start3A_22 = tpu.memref_slice %arg6[%dma_start3A_21] : memref<10000xi32, #tpu.memory_space<vmem>> -> memref<16xi32, #tpu.memory_space<vmem>>
      %dma_start3A_23 = arith.constant 0 : i32
      %dma_start3A_24 = arith.constant 0 : i32
      %dma_start3A_25 = tpu.memref_slice %arg9[%dma_start3A_23, %dma_start3A_24] : memref<10240x8xf32, #tpu.memory_space<vmem_shared>> -> memref<10240x8xf32, #tpu.memory_space<vmem_shared>>
      tpu.enqueue_indirect_dma source(%dma_start3A_20 : memref<16x8xf32, #tpu.memory_space<vmem>>) target(%dma_start3A_25 : memref<10240x8xf32, #tpu.memory_space<vmem_shared>>) offsets(%dma_start3A_22 : memref<16xi32, #tpu.memory_space<vmem>>) semaphore(%run_scoped3A : memref<!tpu.dma_semaphore, #tpu.memory_space<semaphore_mem>>) {add = true}
      %dma_wait3A = arith.constant 0 : i32
      %dma_wait3A_26 = arith.constant 0 : i32
      %dma_wait3A_27 = tpu.memref_slice %arg7[%dma_wait3A, %dma_wait3A_26] : memref<128x8xf32, #tpu.memory_space<vmem>> -> memref<16x8xf32, #tpu.memory_space<vmem>>
      %dma_wait3A_28 = arith.constant 9984 : i32
      %dma_wait3A_29 = tpu.memref_slice %arg6[%dma_wait3A_28] : memref<10000xi32, #tpu.memory_space<vmem>> -> memref<16xi32, #tpu.memory_space<vmem>>
      %dma_wait3A_30 = arith.constant 0 : i32
      %dma_wait3A_31 = arith.constant 0 : i32
      %dma_wait3A_32 = tpu.memref_slice %arg9[%dma_wait3A_30, %dma_wait3A_31] : memref<10240x8xf32, #tpu.memory_space<vmem_shared>> -> memref<10240x8xf32, #tpu.memory_space<vmem_shared>>
      tpu.wait_indirect_dma semaphore(%run_scoped3A : memref<!tpu.dma_semaphore, #tpu.memory_space<semaphore_mem>>) src(%dma_wait3A_27 : memref<16x8xf32, #tpu.memory_space<vmem>>) dst(%dma_wait3A_32 : memref<10240x8xf32, #tpu.memory_space<vmem_shared>>)
      tpu.yield
    }) : () -> ()
    %barrier3A_10 = arith.constant 0 : index
    tpu.barrier barrier_id(%barrier3A_10)
    %mul3A_11 = arith.constant 640 : i32
    %mul3A_12 = arith.muli %arg1, %mul3A_11 : i32
    "tpu.region"() ({
      %run_scoped3A = tpu.sem_alloc : memref<!tpu.dma_semaphore, #tpu.memory_space<semaphore_mem>>
      %dma_start3A = arith.constant 0 : i32
      %dma_start3A_19 = tpu.memref_slice %arg9[%mul3A_12, %dma_start3A] : memref<10240x8xf32, #tpu.memory_space<vmem_shared>> -> memref<640x8xf32, #tpu.memory_space<vmem_shared>>
      %dma_start3A_20 = arith.constant 0 : i32
      %dma_start3A_21 = tpu.memref_slice %arg9[%mul3A_12, %dma_start3A_20] : memref<10240x8xf32, #tpu.memory_space<vmem_shared>> -> memref<640x8xf32, #tpu.memory_space<vmem_shared>>
      tpu.enqueue_dma source(%dma_start3A_21 : memref<640x8xf32, #tpu.memory_space<vmem_shared>>) target(%arg8 : memref<640x8xf32, #tpu.memory_space<vmem>>) target_semaphore(%run_scoped3A : memref<!tpu.dma_semaphore, #tpu.memory_space<semaphore_mem>>)
      %dma_wait3A = arith.constant 0 : i32
      %dma_wait3A_22 = tpu.memref_slice %arg9[%mul3A_12, %dma_wait3A] : memref<10240x8xf32, #tpu.memory_space<vmem_shared>> -> memref<640x8xf32, #tpu.memory_space<vmem_shared>>
      %dma_wait3A_23 = arith.constant 0 : i32
      %dma_wait3A_24 = tpu.memref_slice %arg9[%mul3A_12, %dma_wait3A_23] : memref<10240x8xf32, #tpu.memory_space<vmem_shared>> -> memref<640x8xf32, #tpu.memory_space<vmem_shared>>
      tpu.wait_dma2 semaphore(%run_scoped3A : memref<!tpu.dma_semaphore, #tpu.memory_space<semaphore_mem>>) src(%dma_wait3A_24 : memref<640x8xf32, #tpu.memory_space<vmem_shared>>) dst(%arg8 : memref<640x8xf32, #tpu.memory_space<vmem>>)
      tpu.yield
    }) : () -> ()
    %lt3A = arith.constant 15 : i32
    %lt3A_13 = arith.cmpi slt, %arg1, %lt3A : i32
    %convert_element_type3A = arith.extui %lt3A_13 : i1 to i32
    %cond3A = arith.constant 0 : i32
    %cond3A_14 = arith.cmpi ne, %convert_element_type3A, %cond3A : i32
    scf.if %cond3A_14 {
      %mul3A_19 = arith.constant 640 : i32
      %mul3A_20 = arith.muli %arg1, %mul3A_19 : i32
      %mul3A_21 = arith.constant 8 : i32
      %mul3A_22 = arith.muli %arg0, %mul3A_21 : i32
      "tpu.region"() ({
        %run_scoped3A = tpu.sem_alloc : memref<!tpu.dma_semaphore, #tpu.memory_space<semaphore_mem>>
        %dma_start3A = tpu.memref_slice %arg5[%mul3A_20, %mul3A_22] : memref<10000x16xf32, #tpu.memory_space<hbm>> -> memref<640x8xf32, #tpu.memory_space<hbm>>
        %dma_start3A_23 = tpu.memref_slice %arg5[%mul3A_20, %mul3A_22] : memref<10000x16xf32, #tpu.memory_space<hbm>> -> memref<640x8xf32, #tpu.memory_space<hbm>>
        tpu.enqueue_dma source(%arg8 : memref<640x8xf32, #tpu.memory_space<vmem>>) target(%dma_start3A_23 : memref<640x8xf32, #tpu.memory_space<hbm>>) target_semaphore(%run_scoped3A : memref<!tpu.dma_semaphore, #tpu.memory_space<semaphore_mem>>)
        %dma_wait3A = tpu.memref_slice %arg5[%mul3A_20, %mul3A_22] : memref<10000x16xf32, #tpu.memory_space<hbm>> -> memref<640x8xf32, #tpu.memory_space<hbm>>
        %dma_wait3A_24 = tpu.memref_slice %arg5[%mul3A_20, %mul3A_22] : memref<10000x16xf32, #tpu.memory_space<hbm>> -> memref<640x8xf32, #tpu.memory_space<hbm>>
        tpu.wait_dma2 semaphore(%run_scoped3A : memref<!tpu.dma_semaphore, #tpu.memory_space<semaphore_mem>>) src(%arg8 : memref<640x8xf32, #tpu.memory_space<vmem>>) dst(%dma_wait3A_24 : memref<640x8xf32, #tpu.memory_space<hbm>>)
        tpu.yield
      }) : () -> ()
    } else {
    }
    %eq3A = arith.constant 15 : i32
    %eq3A_15 = arith.cmpi eq, %arg1, %eq3A : i32
    %convert_element_type3A_16 = arith.extui %eq3A_15 : i1 to i32
    %cond3A_17 = arith.constant 0 : i32
    %cond3A_18 = arith.cmpi ne, %convert_element_type3A_16, %cond3A_17 : i32
    scf.if %cond3A_18 {
      %mul3A_19 = arith.constant 8 : i32
      %mul3A_20 = arith.muli %arg0, %mul3A_19 : i32
      "tpu.region"() ({
        %run_scoped3A = tpu.sem_alloc : memref<!tpu.dma_semaphore, #tpu.memory_space<semaphore_mem>>
        %dma_start3A = arith.constant 0 : i32
        %dma_start3A_21 = arith.constant 0 : i32
        %dma_start3A_22 = tpu.memref_slice %arg8[%dma_start3A, %dma_start3A_21] : memref<640x8xf32, #tpu.memory_space<vmem>> -> memref<400x8xf32, #tpu.memory_space<vmem>>
        %dma_start3A_23 = arith.constant 9600 : i32
        %dma_start3A_24 = tpu.memref_slice %arg5[%dma_start3A_23, %mul3A_20] : memref<10000x16xf32, #tpu.memory_space<hbm>> -> memref<400x8xf32, #tpu.memory_space<hbm>>
        %dma_start3A_25 = arith.constant 9600 : i32
        %dma_start3A_26 = tpu.memref_slice %arg5[%dma_start3A_25, %mul3A_20] : memref<10000x16xf32, #tpu.memory_space<hbm>> -> memref<400x8xf32, #tpu.memory_space<hbm>>
        %dma_start3A_27 = arith.constant 0 : i32
        %dma_start3A_28 = arith.constant 0 : i32
        %dma_start3A_29 = tpu.memref_slice %arg8[%dma_start3A_27, %dma_start3A_28] : memref<640x8xf32, #tpu.memory_space<vmem>> -> memref<400x8xf32, #tpu.memory_space<vmem>>
        tpu.enqueue_dma source(%dma_start3A_29 : memref<400x8xf32, #tpu.memory_space<vmem>>) target(%dma_start3A_26 : memref<400x8xf32, #tpu.memory_space<hbm>>) target_semaphore(%run_scoped3A : memref<!tpu.dma_semaphore, #tpu.memory_space<semaphore_mem>>)
        %dma_wait3A = arith.constant 0 : i32
        %dma_wait3A_30 = arith.constant 0 : i32
        %dma_wait3A_31 = tpu.memref_slice %arg8[%dma_wait3A, %dma_wait3A_30] : memref<640x8xf32, #tpu.memory_space<vmem>> -> memref<400x8xf32, #tpu.memory_space<vmem>>
        %dma_wait3A_32 = arith.constant 9600 : i32
        %dma_wait3A_33 = tpu.memref_slice %arg5[%dma_wait3A_32, %mul3A_20] : memref<10000x16xf32, #tpu.memory_space<hbm>> -> memref<400x8xf32, #tpu.memory_space<hbm>>
        %dma_wait3A_34 = arith.constant 9600 : i32
        %dma_wait3A_35 = tpu.memref_slice %arg5[%dma_wait3A_34, %mul3A_20] : memref<10000x16xf32, #tpu.memory_space<hbm>> -> memref<400x8xf32, #tpu.memory_space<hbm>>
        %dma_wait3A_36 = arith.constant 0 : i32
        %dma_wait3A_37 = arith.constant 0 : i32
        %dma_wait3A_38 = tpu.memref_slice %arg8[%dma_wait3A_36, %dma_wait3A_37] : memref<640x8xf32, #tpu.memory_space<vmem>> -> memref<400x8xf32, #tpu.memory_space<vmem>>
        tpu.wait_dma2 semaphore(%run_scoped3A : memref<!tpu.dma_semaphore, #tpu.memory_space<semaphore_mem>>) src(%dma_wait3A_38 : memref<400x8xf32, #tpu.memory_space<vmem>>) dst(%dma_wait3A_35 : memref<400x8xf32, #tpu.memory_space<hbm>>)
        tpu.yield
      }) : () -> ()
    } else {
    }
    return
  }
}

#map = affine_map<(d0, d1) -> (0, 0)>
#map1 = affine_map<(d0, d1) -> (0)>
module attributes {stable_mosaic.version = 14 : i64} {
  func.func @_edge_body(%arg0: i32, %arg1: i32, %arg2: memref<20000x64xf32, #tpu.memory_space<hbm>>, %arg3: memref<2x320000xi32, #tpu.memory_space<hbm>>, %arg4: memref<320000xi32, #tpu.memory_space<hbm>>, %arg5: memref<320x64xf32, #tpu.memory_space<hbm>>, %arg6: memref<10000x128xf32, #tpu.memory_space<hbm>>, %arg7: memref<20000xi32, #tpu.memory_space<vmem>>, %arg8: memref<20000xi32, #tpu.memory_space<vmem>>, %arg9: memref<128x64xf32, #tpu.memory_space<vmem>>, %arg10: memref<128x64xf32, #tpu.memory_space<vmem>>, %arg11: memref<320x64xf32, #tpu.memory_space<vmem>>, %arg12: memref<10240x64xf32, #tpu.memory_space<vmem_shared>>, %arg13: memref<!tpu.dma_semaphore, #tpu.memory_space<semaphore_mem>>, %arg14: memref<!tpu.dma_semaphore, #tpu.memory_space<semaphore_mem>>) attributes {dimension_semantics = [#tpu.dimension_semantics<core_parallel>, #tpu.dimension_semantics<subcore_parallel>], iteration_bounds = array<i64: 2, 16>, scalar_prefetch = 0 : i64, scratch_operands = 8 : i64, tpu.core_type = #tpu.core_type<sc_vector_subcore>, window_params = [{transform_indices = #map}, {transform_indices = #map}, {transform_indices = #map1}, {transform_indices = #map}, {transform_indices = #map}]} {
    "tpu.region"() ({
      %run_scoped3A = tpu.sem_alloc : memref<!tpu.dma_semaphore, #tpu.memory_space<semaphore_mem>>
      tpu.enqueue_dma source(%arg5 : memref<320x64xf32, #tpu.memory_space<hbm>>) target(%arg11 : memref<320x64xf32, #tpu.memory_space<vmem>>) target_semaphore(%run_scoped3A : memref<!tpu.dma_semaphore, #tpu.memory_space<semaphore_mem>>)
      tpu.wait_dma2 semaphore(%run_scoped3A : memref<!tpu.dma_semaphore, #tpu.memory_space<semaphore_mem>>) src(%arg5 : memref<320x64xf32, #tpu.memory_space<hbm>>) dst(%arg11 : memref<320x64xf32, #tpu.memory_space<vmem>>)
      tpu.yield
    }) : () -> ()
    %mul3A = arith.constant 640 : i32
    %mul3A_0 = arith.muli %arg1, %mul3A : i32
    "tpu.region"() ({
      %run_scoped3A = tpu.sem_alloc : memref<!tpu.dma_semaphore, #tpu.memory_space<semaphore_mem>>
      %dma_start3A_54 = arith.constant 0 : i32
      %dma_start3A_55 = tpu.memref_slice %arg12[%mul3A_0, %dma_start3A_54] : memref<10240x64xf32, #tpu.memory_space<vmem_shared>> -> memref<320x64xf32, #tpu.memory_space<vmem_shared>>
      %dma_start3A_56 = arith.constant 0 : i32
      %dma_start3A_57 = tpu.memref_slice %arg12[%mul3A_0, %dma_start3A_56] : memref<10240x64xf32, #tpu.memory_space<vmem_shared>> -> memref<320x64xf32, #tpu.memory_space<vmem_shared>>
      tpu.enqueue_dma source(%arg11 : memref<320x64xf32, #tpu.memory_space<vmem>>) target(%dma_start3A_57 : memref<320x64xf32, #tpu.memory_space<vmem_shared>>) target_semaphore(%run_scoped3A : memref<!tpu.dma_semaphore, #tpu.memory_space<semaphore_mem>>)
      %dma_wait3A_58 = arith.constant 0 : i32
      %dma_wait3A_59 = tpu.memref_slice %arg12[%mul3A_0, %dma_wait3A_58] : memref<10240x64xf32, #tpu.memory_space<vmem_shared>> -> memref<320x64xf32, #tpu.memory_space<vmem_shared>>
      %dma_wait3A_60 = arith.constant 0 : i32
      %dma_wait3A_61 = tpu.memref_slice %arg12[%mul3A_0, %dma_wait3A_60] : memref<10240x64xf32, #tpu.memory_space<vmem_shared>> -> memref<320x64xf32, #tpu.memory_space<vmem_shared>>
      tpu.wait_dma2 semaphore(%run_scoped3A : memref<!tpu.dma_semaphore, #tpu.memory_space<semaphore_mem>>) src(%arg11 : memref<320x64xf32, #tpu.memory_space<vmem>>) dst(%dma_wait3A_61 : memref<320x64xf32, #tpu.memory_space<vmem_shared>>)
      tpu.yield
    }) : () -> ()
    %mul3A_1 = arith.constant 640 : i32
    %mul3A_2 = arith.muli %arg1, %mul3A_1 : i32
    %add3A = arith.constant 320 : i32
    %add3A_3 = arith.addi %mul3A_2, %add3A : i32
    "tpu.region"() ({
      %run_scoped3A = tpu.sem_alloc : memref<!tpu.dma_semaphore, #tpu.memory_space<semaphore_mem>>
      %dma_start3A_54 = arith.constant 0 : i32
      %dma_start3A_55 = tpu.memref_slice %arg12[%add3A_3, %dma_start3A_54] : memref<10240x64xf32, #tpu.memory_space<vmem_shared>> -> memref<320x64xf32, #tpu.memory_space<vmem_shared>>
      %dma_start3A_56 = arith.constant 0 : i32
      %dma_start3A_57 = tpu.memref_slice %arg12[%add3A_3, %dma_start3A_56] : memref<10240x64xf32, #tpu.memory_space<vmem_shared>> -> memref<320x64xf32, #tpu.memory_space<vmem_shared>>
      tpu.enqueue_dma source(%arg11 : memref<320x64xf32, #tpu.memory_space<vmem>>) target(%dma_start3A_57 : memref<320x64xf32, #tpu.memory_space<vmem_shared>>) target_semaphore(%run_scoped3A : memref<!tpu.dma_semaphore, #tpu.memory_space<semaphore_mem>>)
      %dma_wait3A_58 = arith.constant 0 : i32
      %dma_wait3A_59 = tpu.memref_slice %arg12[%add3A_3, %dma_wait3A_58] : memref<10240x64xf32, #tpu.memory_space<vmem_shared>> -> memref<320x64xf32, #tpu.memory_space<vmem_shared>>
      %dma_wait3A_60 = arith.constant 0 : i32
      %dma_wait3A_61 = tpu.memref_slice %arg12[%add3A_3, %dma_wait3A_60] : memref<10240x64xf32, #tpu.memory_space<vmem_shared>> -> memref<320x64xf32, #tpu.memory_space<vmem_shared>>
      tpu.wait_dma2 semaphore(%run_scoped3A : memref<!tpu.dma_semaphore, #tpu.memory_space<semaphore_mem>>) src(%arg11 : memref<320x64xf32, #tpu.memory_space<vmem>>) dst(%dma_wait3A_61 : memref<320x64xf32, #tpu.memory_space<vmem_shared>>)
      tpu.yield
    }) : () -> ()
    %mul3A_4 = arith.constant 20000 : i32
    %mul3A_5 = arith.muli %arg1, %mul3A_4 : i32
    "tpu.region"() ({
      %run_scoped3A = tpu.sem_alloc : memref<!tpu.dma_semaphore, #tpu.memory_space<semaphore_mem>>
      %dma_start3A_54 = tpu.memref_slice %arg3[%arg0, %mul3A_5] : memref<2x320000xi32, #tpu.memory_space<hbm>> -> memref<1x20000xi32, #tpu.memory_space<hbm>>
      %dma_start3A_55 = tpu.memref_squeeze %dma_start3A_54 : memref<1x20000xi32, #tpu.memory_space<hbm>> -> memref<20000xi32, #tpu.memory_space<hbm>>
      %dma_start3A_56 = tpu.memref_slice %arg3[%arg0, %mul3A_5] : memref<2x320000xi32, #tpu.memory_space<hbm>> -> memref<1x20000xi32, #tpu.memory_space<hbm>>
      %dma_start3A_57 = tpu.memref_squeeze %dma_start3A_56 : memref<1x20000xi32, #tpu.memory_space<hbm>> -> memref<20000xi32, #tpu.memory_space<hbm>>
      tpu.enqueue_dma source(%dma_start3A_57 : memref<20000xi32, #tpu.memory_space<hbm>>) target(%arg7 : memref<20000xi32, #tpu.memory_space<vmem>>) target_semaphore(%run_scoped3A : memref<!tpu.dma_semaphore, #tpu.memory_space<semaphore_mem>>)
      %dma_wait3A_58 = tpu.memref_slice %arg3[%arg0, %mul3A_5] : memref<2x320000xi32, #tpu.memory_space<hbm>> -> memref<1x20000xi32, #tpu.memory_space<hbm>>
      %dma_wait3A_59 = tpu.memref_squeeze %dma_wait3A_58 : memref<1x20000xi32, #tpu.memory_space<hbm>> -> memref<20000xi32, #tpu.memory_space<hbm>>
      %dma_wait3A_60 = tpu.memref_slice %arg3[%arg0, %mul3A_5] : memref<2x320000xi32, #tpu.memory_space<hbm>> -> memref<1x20000xi32, #tpu.memory_space<hbm>>
      %dma_wait3A_61 = tpu.memref_squeeze %dma_wait3A_60 : memref<1x20000xi32, #tpu.memory_space<hbm>> -> memref<20000xi32, #tpu.memory_space<hbm>>
      tpu.wait_dma2 semaphore(%run_scoped3A : memref<!tpu.dma_semaphore, #tpu.memory_space<semaphore_mem>>) src(%dma_wait3A_61 : memref<20000xi32, #tpu.memory_space<hbm>>) dst(%arg7 : memref<20000xi32, #tpu.memory_space<vmem>>)
      tpu.yield
    }) : () -> ()
    %mul3A_6 = arith.constant 20000 : i32
    %mul3A_7 = arith.muli %arg1, %mul3A_6 : i32
    "tpu.region"() ({
      %run_scoped3A = tpu.sem_alloc : memref<!tpu.dma_semaphore, #tpu.memory_space<semaphore_mem>>
      %dma_start3A_54 = tpu.memref_slice %arg4[%mul3A_7] : memref<320000xi32, #tpu.memory_space<hbm>> -> memref<20000xi32, #tpu.memory_space<hbm>>
      %dma_start3A_55 = tpu.memref_slice %arg4[%mul3A_7] : memref<320000xi32, #tpu.memory_space<hbm>> -> memref<20000xi32, #tpu.memory_space<hbm>>
      tpu.enqueue_dma source(%dma_start3A_55 : memref<20000xi32, #tpu.memory_space<hbm>>) target(%arg8 : memref<20000xi32, #tpu.memory_space<vmem>>) target_semaphore(%run_scoped3A : memref<!tpu.dma_semaphore, #tpu.memory_space<semaphore_mem>>)
      %dma_wait3A_56 = tpu.memref_slice %arg4[%mul3A_7] : memref<320000xi32, #tpu.memory_space<hbm>> -> memref<20000xi32, #tpu.memory_space<hbm>>
      %dma_wait3A_57 = tpu.memref_slice %arg4[%mul3A_7] : memref<320000xi32, #tpu.memory_space<hbm>> -> memref<20000xi32, #tpu.memory_space<hbm>>
      tpu.wait_dma2 semaphore(%run_scoped3A : memref<!tpu.dma_semaphore, #tpu.memory_space<semaphore_mem>>) src(%dma_wait3A_57 : memref<20000xi32, #tpu.memory_space<hbm>>) dst(%arg8 : memref<20000xi32, #tpu.memory_space<vmem>>)
      tpu.yield
    }) : () -> ()
    %barrier3A = arith.constant 0 : index
    tpu.barrier barrier_id(%barrier3A)
    %dma_start3A = arith.constant 0 : i32
    %dma_start3A_8 = tpu.memref_slice %arg7[%dma_start3A] : memref<20000xi32, #tpu.memory_space<vmem>> -> memref<128xi32, #tpu.memory_space<vmem>>
    %dma_start3A_9 = arith.constant 0 : i32
    %dma_start3A_10 = arith.constant 0 : i32
    %dma_start3A_11 = tpu.memref_slice %arg2[%dma_start3A_9, %dma_start3A_10] : memref<20000x64xf32, #tpu.memory_space<hbm>> -> memref<20000x64xf32, #tpu.memory_space<hbm>>
    tpu.enqueue_indirect_dma source(%dma_start3A_11 : memref<20000x64xf32, #tpu.memory_space<hbm>>) target(%arg9 : memref<128x64xf32, #tpu.memory_space<vmem>>) offsets(%dma_start3A_8 : memref<128xi32, #tpu.memory_space<vmem>>) semaphore(%arg13 : memref<!tpu.dma_semaphore, #tpu.memory_space<semaphore_mem>>)
    %dma_start3A_12 = arith.constant 128 : i32
    %dma_start3A_13 = tpu.memref_slice %arg7[%dma_start3A_12] : memref<20000xi32, #tpu.memory_space<vmem>> -> memref<128xi32, #tpu.memory_space<vmem>>
    %dma_start3A_14 = arith.constant 0 : i32
    %dma_start3A_15 = arith.constant 0 : i32
    %dma_start3A_16 = tpu.memref_slice %arg2[%dma_start3A_14, %dma_start3A_15] : memref<20000x64xf32, #tpu.memory_space<hbm>> -> memref<20000x64xf32, #tpu.memory_space<hbm>>
    tpu.enqueue_indirect_dma source(%dma_start3A_16 : memref<20000x64xf32, #tpu.memory_space<hbm>>) target(%arg10 : memref<128x64xf32, #tpu.memory_space<vmem>>) offsets(%dma_start3A_13 : memref<128xi32, #tpu.memory_space<vmem>>) semaphore(%arg14 : memref<!tpu.dma_semaphore, #tpu.memory_space<semaphore_mem>>)
    %scan3A = arith.constant 0 : i32
    %scan3A_17 = arith.constant 0 : i32
    %scan3A_18 = arith.constant 78 : i32
    %scan3A_19 = arith.addi %scan3A_17, %scan3A_18 : i32
    %scan3A_20 = arith.constant 1 : i32
    scf.for %scan3A_54 = %scan3A_17 to %scan3A_19 step %scan3A_20  : i32 {
      %mul3A_55 = arith.constant 2 : i32
      %mul3A_56 = arith.muli %mul3A_55, %scan3A_54 : i32
      %add3A_57 = arith.constant 0 : i32
      %add3A_58 = arith.addi %mul3A_56, %add3A_57 : i32
      %mul3A_59 = arith.constant 128 : i32
      %mul3A_60 = arith.muli %add3A_58, %mul3A_59 : i32
      %dma_wait3A_61 = tpu.memref_slice %arg7[%mul3A_60] : memref<20000xi32, #tpu.memory_space<vmem>> -> memref<128xi32, #tpu.memory_space<vmem>>
      %dma_wait3A_62 = arith.constant 0 : i32
      %dma_wait3A_63 = arith.constant 0 : i32
      %dma_wait3A_64 = tpu.memref_slice %arg2[%dma_wait3A_62, %dma_wait3A_63] : memref<20000x64xf32, #tpu.memory_space<hbm>> -> memref<20000x64xf32, #tpu.memory_space<hbm>>
      tpu.wait_indirect_dma semaphore(%arg13 : memref<!tpu.dma_semaphore, #tpu.memory_space<semaphore_mem>>) src(%dma_wait3A_64 : memref<20000x64xf32, #tpu.memory_space<hbm>>) dst(%arg9 : memref<128x64xf32, #tpu.memory_space<vmem>>)
      %mul3A_65 = arith.constant 128 : i32
      %mul3A_66 = arith.muli %add3A_58, %mul3A_65 : i32
      "tpu.region"() ({
        %run_scoped3A = tpu.sem_alloc : memref<!tpu.dma_semaphore, #tpu.memory_space<semaphore_mem>>
        %dma_start3A_93 = tpu.memref_slice %arg8[%mul3A_66] : memref<20000xi32, #tpu.memory_space<vmem>> -> memref<128xi32, #tpu.memory_space<vmem>>
        %dma_start3A_94 = arith.constant 0 : i32
        %dma_start3A_95 = arith.constant 0 : i32
        %dma_start3A_96 = tpu.memref_slice %arg12[%dma_start3A_94, %dma_start3A_95] : memref<10240x64xf32, #tpu.memory_space<vmem_shared>> -> memref<10240x64xf32, #tpu.memory_space<vmem_shared>>
        tpu.enqueue_indirect_dma source(%arg9 : memref<128x64xf32, #tpu.memory_space<vmem>>) target(%dma_start3A_96 : memref<10240x64xf32, #tpu.memory_space<vmem_shared>>) offsets(%dma_start3A_93 : memref<128xi32, #tpu.memory_space<vmem>>) semaphore(%run_scoped3A : memref<!tpu.dma_semaphore, #tpu.memory_space<semaphore_mem>>) {add = true}
        %dma_wait3A_97 = tpu.memref_slice %arg8[%mul3A_66] : memref<20000xi32, #tpu.memory_space<vmem>> -> memref<128xi32, #tpu.memory_space<vmem>>
        %dma_wait3A_98 = arith.constant 0 : i32
        %dma_wait3A_99 = arith.constant 0 : i32
        %dma_wait3A_100 = tpu.memref_slice %arg12[%dma_wait3A_98, %dma_wait3A_99] : memref<10240x64xf32, #tpu.memory_space<vmem_shared>> -> memref<10240x64xf32, #tpu.memory_space<vmem_shared>>
        tpu.wait_indirect_dma semaphore(%run_scoped3A : memref<!tpu.dma_semaphore, #tpu.memory_space<semaphore_mem>>) src(%arg9 : memref<128x64xf32, #tpu.memory_space<vmem>>) dst(%dma_wait3A_100 : memref<10240x64xf32, #tpu.memory_space<vmem_shared>>)
        tpu.yield
      }) : () -> ()
      %add3A_67 = arith.constant 2 : i32
      %add3A_68 = arith.addi %add3A_58, %add3A_67 : i32
      %lt3A_69 = arith.constant 156 : i32
      %lt3A_70 = arith.cmpi slt, %add3A_68, %lt3A_69 : i32
      %convert_element_type3A_71 = arith.extui %lt3A_70 : i1 to i32
      %cond3A_72 = arith.constant 0 : i32
      %cond3A_73 = arith.cmpi ne, %convert_element_type3A_71, %cond3A_72 : i32
      scf.if %cond3A_73 {
        %add3A_93 = arith.constant 2 : i32
        %add3A_94 = arith.addi %add3A_58, %add3A_93 : i32
        %mul3A_95 = arith.constant 128 : i32
        %mul3A_96 = arith.muli %add3A_94, %mul3A_95 : i32
        %dma_start3A_97 = tpu.memref_slice %arg7[%mul3A_96] : memref<20000xi32, #tpu.memory_space<vmem>> -> memref<128xi32, #tpu.memory_space<vmem>>
        %dma_start3A_98 = arith.constant 0 : i32
        %dma_start3A_99 = arith.constant 0 : i32
        %dma_start3A_100 = tpu.memref_slice %arg2[%dma_start3A_98, %dma_start3A_99] : memref<20000x64xf32, #tpu.memory_space<hbm>> -> memref<20000x64xf32, #tpu.memory_space<hbm>>
        tpu.enqueue_indirect_dma source(%dma_start3A_100 : memref<20000x64xf32, #tpu.memory_space<hbm>>) target(%arg9 : memref<128x64xf32, #tpu.memory_space<vmem>>) offsets(%dma_start3A_97 : memref<128xi32, #tpu.memory_space<vmem>>) semaphore(%arg13 : memref<!tpu.dma_semaphore, #tpu.memory_space<semaphore_mem>>)
      } else {
      }
      %mul3A_74 = arith.constant 2 : i32
      %mul3A_75 = arith.muli %mul3A_74, %scan3A_54 : i32
      %add3A_76 = arith.constant 1 : i32
      %add3A_77 = arith.addi %mul3A_75, %add3A_76 : i32
      %mul3A_78 = arith.constant 128 : i32
      %mul3A_79 = arith.muli %add3A_77, %mul3A_78 : i32
      %dma_wait3A_80 = tpu.memref_slice %arg7[%mul3A_79] : memref<20000xi32, #tpu.memory_space<vmem>> -> memref<128xi32, #tpu.memory_space<vmem>>
      %dma_wait3A_81 = arith.constant 0 : i32
      %dma_wait3A_82 = arith.constant 0 : i32
      %dma_wait3A_83 = tpu.memref_slice %arg2[%dma_wait3A_81, %dma_wait3A_82] : memref<20000x64xf32, #tpu.memory_space<hbm>> -> memref<20000x64xf32, #tpu.memory_space<hbm>>
      tpu.wait_indirect_dma semaphore(%arg14 : memref<!tpu.dma_semaphore, #tpu.memory_space<semaphore_mem>>) src(%dma_wait3A_83 : memref<20000x64xf32, #tpu.memory_space<hbm>>) dst(%arg10 : memref<128x64xf32, #tpu.memory_space<vmem>>)
      %mul3A_84 = arith.constant 128 : i32
      %mul3A_85 = arith.muli %add3A_77, %mul3A_84 : i32
      "tpu.region"() ({
        %run_scoped3A = tpu.sem_alloc : memref<!tpu.dma_semaphore, #tpu.memory_space<semaphore_mem>>
        %dma_start3A_93 = tpu.memref_slice %arg8[%mul3A_85] : memref<20000xi32, #tpu.memory_space<vmem>> -> memref<128xi32, #tpu.memory_space<vmem>>
        %dma_start3A_94 = arith.constant 0 : i32
        %dma_start3A_95 = arith.constant 0 : i32
        %dma_start3A_96 = tpu.memref_slice %arg12[%dma_start3A_94, %dma_start3A_95] : memref<10240x64xf32, #tpu.memory_space<vmem_shared>> -> memref<10240x64xf32, #tpu.memory_space<vmem_shared>>
        tpu.enqueue_indirect_dma source(%arg10 : memref<128x64xf32, #tpu.memory_space<vmem>>) target(%dma_start3A_96 : memref<10240x64xf32, #tpu.memory_space<vmem_shared>>) offsets(%dma_start3A_93 : memref<128xi32, #tpu.memory_space<vmem>>) semaphore(%run_scoped3A : memref<!tpu.dma_semaphore, #tpu.memory_space<semaphore_mem>>) {add = true}
        %dma_wait3A_97 = tpu.memref_slice %arg8[%mul3A_85] : memref<20000xi32, #tpu.memory_space<vmem>> -> memref<128xi32, #tpu.memory_space<vmem>>
        %dma_wait3A_98 = arith.constant 0 : i32
        %dma_wait3A_99 = arith.constant 0 : i32
        %dma_wait3A_100 = tpu.memref_slice %arg12[%dma_wait3A_98, %dma_wait3A_99] : memref<10240x64xf32, #tpu.memory_space<vmem_shared>> -> memref<10240x64xf32, #tpu.memory_space<vmem_shared>>
        tpu.wait_indirect_dma semaphore(%run_scoped3A : memref<!tpu.dma_semaphore, #tpu.memory_space<semaphore_mem>>) src(%arg10 : memref<128x64xf32, #tpu.memory_space<vmem>>) dst(%dma_wait3A_100 : memref<10240x64xf32, #tpu.memory_space<vmem_shared>>)
        tpu.yield
      }) : () -> ()
      %add3A_86 = arith.constant 2 : i32
      %add3A_87 = arith.addi %add3A_77, %add3A_86 : i32
      %lt3A_88 = arith.constant 156 : i32
      %lt3A_89 = arith.cmpi slt, %add3A_87, %lt3A_88 : i32
      %convert_element_type3A_90 = arith.extui %lt3A_89 : i1 to i32
      %cond3A_91 = arith.constant 0 : i32
      %cond3A_92 = arith.cmpi ne, %convert_element_type3A_90, %cond3A_91 : i32
      scf.if %cond3A_92 {
        %add3A_93 = arith.constant 2 : i32
        %add3A_94 = arith.addi %add3A_77, %add3A_93 : i32
        %mul3A_95 = arith.constant 128 : i32
        %mul3A_96 = arith.muli %add3A_94, %mul3A_95 : i32
        %dma_start3A_97 = tpu.memref_slice %arg7[%mul3A_96] : memref<20000xi32, #tpu.memory_space<vmem>> -> memref<128xi32, #tpu.memory_space<vmem>>
        %dma_start3A_98 = arith.constant 0 : i32
        %dma_start3A_99 = arith.constant 0 : i32
        %dma_start3A_100 = tpu.memref_slice %arg2[%dma_start3A_98, %dma_start3A_99] : memref<20000x64xf32, #tpu.memory_space<hbm>> -> memref<20000x64xf32, #tpu.memory_space<hbm>>
        tpu.enqueue_indirect_dma source(%dma_start3A_100 : memref<20000x64xf32, #tpu.memory_space<hbm>>) target(%arg10 : memref<128x64xf32, #tpu.memory_space<vmem>>) offsets(%dma_start3A_97 : memref<128xi32, #tpu.memory_space<vmem>>) semaphore(%arg14 : memref<!tpu.dma_semaphore, #tpu.memory_space<semaphore_mem>>)
      } else {
      }
    }
    %scan3A_21 = arith.constant 78 : i32
    %dma_start3A_22 = arith.constant 0 : i32
    %dma_start3A_23 = arith.constant 0 : i32
    %dma_start3A_24 = tpu.memref_slice %arg9[%dma_start3A_22, %dma_start3A_23] : memref<128x64xf32, #tpu.memory_space<vmem>> -> memref<32x64xf32, #tpu.memory_space<vmem>>
    %dma_start3A_25 = arith.constant 19968 : i32
    %dma_start3A_26 = tpu.memref_slice %arg7[%dma_start3A_25] : memref<20000xi32, #tpu.memory_space<vmem>> -> memref<32xi32, #tpu.memory_space<vmem>>
    %dma_start3A_27 = arith.constant 0 : i32
    %dma_start3A_28 = arith.constant 0 : i32
    %dma_start3A_29 = tpu.memref_slice %arg2[%dma_start3A_27, %dma_start3A_28] : memref<20000x64xf32, #tpu.memory_space<hbm>> -> memref<20000x64xf32, #tpu.memory_space<hbm>>
    tpu.enqueue_indirect_dma source(%dma_start3A_29 : memref<20000x64xf32, #tpu.memory_space<hbm>>) target(%dma_start3A_24 : memref<32x64xf32, #tpu.memory_space<vmem>>) offsets(%dma_start3A_26 : memref<32xi32, #tpu.memory_space<vmem>>) semaphore(%arg13 : memref<!tpu.dma_semaphore, #tpu.memory_space<semaphore_mem>>)
    %dma_wait3A = arith.constant 0 : i32
    %dma_wait3A_30 = arith.constant 0 : i32
    %dma_wait3A_31 = tpu.memref_slice %arg9[%dma_wait3A, %dma_wait3A_30] : memref<128x64xf32, #tpu.memory_space<vmem>> -> memref<32x64xf32, #tpu.memory_space<vmem>>
    %dma_wait3A_32 = arith.constant 19968 : i32
    %dma_wait3A_33 = tpu.memref_slice %arg7[%dma_wait3A_32] : memref<20000xi32, #tpu.memory_space<vmem>> -> memref<32xi32, #tpu.memory_space<vmem>>
    %dma_wait3A_34 = arith.constant 0 : i32
    %dma_wait3A_35 = arith.constant 0 : i32
    %dma_wait3A_36 = tpu.memref_slice %arg2[%dma_wait3A_34, %dma_wait3A_35] : memref<20000x64xf32, #tpu.memory_space<hbm>> -> memref<20000x64xf32, #tpu.memory_space<hbm>>
    tpu.wait_indirect_dma semaphore(%arg13 : memref<!tpu.dma_semaphore, #tpu.memory_space<semaphore_mem>>) src(%dma_wait3A_36 : memref<20000x64xf32, #tpu.memory_space<hbm>>) dst(%dma_wait3A_31 : memref<32x64xf32, #tpu.memory_space<vmem>>)
    "tpu.region"() ({
      %run_scoped3A = tpu.sem_alloc : memref<!tpu.dma_semaphore, #tpu.memory_space<semaphore_mem>>
      %dma_start3A_54 = arith.constant 0 : i32
      %dma_start3A_55 = arith.constant 0 : i32
      %dma_start3A_56 = tpu.memref_slice %arg9[%dma_start3A_54, %dma_start3A_55] : memref<128x64xf32, #tpu.memory_space<vmem>> -> memref<32x64xf32, #tpu.memory_space<vmem>>
      %dma_start3A_57 = arith.constant 19968 : i32
      %dma_start3A_58 = tpu.memref_slice %arg8[%dma_start3A_57] : memref<20000xi32, #tpu.memory_space<vmem>> -> memref<32xi32, #tpu.memory_space<vmem>>
      %dma_start3A_59 = arith.constant 0 : i32
      %dma_start3A_60 = arith.constant 0 : i32
      %dma_start3A_61 = tpu.memref_slice %arg12[%dma_start3A_59, %dma_start3A_60] : memref<10240x64xf32, #tpu.memory_space<vmem_shared>> -> memref<10240x64xf32, #tpu.memory_space<vmem_shared>>
      tpu.enqueue_indirect_dma source(%dma_start3A_56 : memref<32x64xf32, #tpu.memory_space<vmem>>) target(%dma_start3A_61 : memref<10240x64xf32, #tpu.memory_space<vmem_shared>>) offsets(%dma_start3A_58 : memref<32xi32, #tpu.memory_space<vmem>>) semaphore(%run_scoped3A : memref<!tpu.dma_semaphore, #tpu.memory_space<semaphore_mem>>) {add = true}
      %dma_wait3A_62 = arith.constant 0 : i32
      %dma_wait3A_63 = arith.constant 0 : i32
      %dma_wait3A_64 = tpu.memref_slice %arg9[%dma_wait3A_62, %dma_wait3A_63] : memref<128x64xf32, #tpu.memory_space<vmem>> -> memref<32x64xf32, #tpu.memory_space<vmem>>
      %dma_wait3A_65 = arith.constant 19968 : i32
      %dma_wait3A_66 = tpu.memref_slice %arg8[%dma_wait3A_65] : memref<20000xi32, #tpu.memory_space<vmem>> -> memref<32xi32, #tpu.memory_space<vmem>>
      %dma_wait3A_67 = arith.constant 0 : i32
      %dma_wait3A_68 = arith.constant 0 : i32
      %dma_wait3A_69 = tpu.memref_slice %arg12[%dma_wait3A_67, %dma_wait3A_68] : memref<10240x64xf32, #tpu.memory_space<vmem_shared>> -> memref<10240x64xf32, #tpu.memory_space<vmem_shared>>
      tpu.wait_indirect_dma semaphore(%run_scoped3A : memref<!tpu.dma_semaphore, #tpu.memory_space<semaphore_mem>>) src(%dma_wait3A_64 : memref<32x64xf32, #tpu.memory_space<vmem>>) dst(%dma_wait3A_69 : memref<10240x64xf32, #tpu.memory_space<vmem_shared>>)
      tpu.yield
    }) : () -> ()
    %barrier3A_37 = arith.constant 0 : index
    tpu.barrier barrier_id(%barrier3A_37)
    %mul3A_38 = arith.constant 640 : i32
    %mul3A_39 = arith.muli %arg1, %mul3A_38 : i32
    "tpu.region"() ({
      %run_scoped3A = tpu.sem_alloc : memref<!tpu.dma_semaphore, #tpu.memory_space<semaphore_mem>>
      %dma_start3A_54 = arith.constant 0 : i32
      %dma_start3A_55 = tpu.memref_slice %arg12[%mul3A_39, %dma_start3A_54] : memref<10240x64xf32, #tpu.memory_space<vmem_shared>> -> memref<320x64xf32, #tpu.memory_space<vmem_shared>>
      %dma_start3A_56 = arith.constant 0 : i32
      %dma_start3A_57 = tpu.memref_slice %arg12[%mul3A_39, %dma_start3A_56] : memref<10240x64xf32, #tpu.memory_space<vmem_shared>> -> memref<320x64xf32, #tpu.memory_space<vmem_shared>>
      tpu.enqueue_dma source(%dma_start3A_57 : memref<320x64xf32, #tpu.memory_space<vmem_shared>>) target(%arg11 : memref<320x64xf32, #tpu.memory_space<vmem>>) target_semaphore(%run_scoped3A : memref<!tpu.dma_semaphore, #tpu.memory_space<semaphore_mem>>)
      %dma_wait3A_58 = arith.constant 0 : i32
      %dma_wait3A_59 = tpu.memref_slice %arg12[%mul3A_39, %dma_wait3A_58] : memref<10240x64xf32, #tpu.memory_space<vmem_shared>> -> memref<320x64xf32, #tpu.memory_space<vmem_shared>>
      %dma_wait3A_60 = arith.constant 0 : i32
      %dma_wait3A_61 = tpu.memref_slice %arg12[%mul3A_39, %dma_wait3A_60] : memref<10240x64xf32, #tpu.memory_space<vmem_shared>> -> memref<320x64xf32, #tpu.memory_space<vmem_shared>>
      tpu.wait_dma2 semaphore(%run_scoped3A : memref<!tpu.dma_semaphore, #tpu.memory_space<semaphore_mem>>) src(%dma_wait3A_61 : memref<320x64xf32, #tpu.memory_space<vmem_shared>>) dst(%arg11 : memref<320x64xf32, #tpu.memory_space<vmem>>)
      tpu.yield
    }) : () -> ()
    %mul3A_40 = arith.constant 640 : i32
    %mul3A_41 = arith.muli %arg1, %mul3A_40 : i32
    %mul3A_42 = arith.constant 64 : i32
    %mul3A_43 = arith.muli %arg0, %mul3A_42 : i32
    "tpu.region"() ({
      %run_scoped3A = tpu.sem_alloc : memref<!tpu.dma_semaphore, #tpu.memory_space<semaphore_mem>>
      %dma_start3A_54 = tpu.memref_slice %arg6[%mul3A_41, %mul3A_43] : memref<10000x128xf32, #tpu.memory_space<hbm>> -> memref<320x64xf32, #tpu.memory_space<hbm>>
      %dma_start3A_55 = tpu.memref_slice %arg6[%mul3A_41, %mul3A_43] : memref<10000x128xf32, #tpu.memory_space<hbm>> -> memref<320x64xf32, #tpu.memory_space<hbm>>
      tpu.enqueue_dma source(%arg11 : memref<320x64xf32, #tpu.memory_space<vmem>>) target(%dma_start3A_55 : memref<320x64xf32, #tpu.memory_space<hbm>>) target_semaphore(%run_scoped3A : memref<!tpu.dma_semaphore, #tpu.memory_space<semaphore_mem>>)
      %dma_wait3A_56 = tpu.memref_slice %arg6[%mul3A_41, %mul3A_43] : memref<10000x128xf32, #tpu.memory_space<hbm>> -> memref<320x64xf32, #tpu.memory_space<hbm>>
      %dma_wait3A_57 = tpu.memref_slice %arg6[%mul3A_41, %mul3A_43] : memref<10000x128xf32, #tpu.memory_space<hbm>> -> memref<320x64xf32, #tpu.memory_space<hbm>>
      tpu.wait_dma2 semaphore(%run_scoped3A : memref<!tpu.dma_semaphore, #tpu.memory_space<semaphore_mem>>) src(%arg11 : memref<320x64xf32, #tpu.memory_space<vmem>>) dst(%dma_wait3A_57 : memref<320x64xf32, #tpu.memory_space<hbm>>)
      tpu.yield
    }) : () -> ()
    %mul3A_44 = arith.constant 640 : i32
    %mul3A_45 = arith.muli %arg1, %mul3A_44 : i32
    %add3A_46 = arith.constant 320 : i32
    %add3A_47 = arith.addi %mul3A_45, %add3A_46 : i32
    "tpu.region"() ({
      %run_scoped3A = tpu.sem_alloc : memref<!tpu.dma_semaphore, #tpu.memory_space<semaphore_mem>>
      %dma_start3A_54 = arith.constant 0 : i32
      %dma_start3A_55 = tpu.memref_slice %arg12[%add3A_47, %dma_start3A_54] : memref<10240x64xf32, #tpu.memory_space<vmem_shared>> -> memref<320x64xf32, #tpu.memory_space<vmem_shared>>
      %dma_start3A_56 = arith.constant 0 : i32
      %dma_start3A_57 = tpu.memref_slice %arg12[%add3A_47, %dma_start3A_56] : memref<10240x64xf32, #tpu.memory_space<vmem_shared>> -> memref<320x64xf32, #tpu.memory_space<vmem_shared>>
      tpu.enqueue_dma source(%dma_start3A_57 : memref<320x64xf32, #tpu.memory_space<vmem_shared>>) target(%arg11 : memref<320x64xf32, #tpu.memory_space<vmem>>) target_semaphore(%run_scoped3A : memref<!tpu.dma_semaphore, #tpu.memory_space<semaphore_mem>>)
      %dma_wait3A_58 = arith.constant 0 : i32
      %dma_wait3A_59 = tpu.memref_slice %arg12[%add3A_47, %dma_wait3A_58] : memref<10240x64xf32, #tpu.memory_space<vmem_shared>> -> memref<320x64xf32, #tpu.memory_space<vmem_shared>>
      %dma_wait3A_60 = arith.constant 0 : i32
      %dma_wait3A_61 = tpu.memref_slice %arg12[%add3A_47, %dma_wait3A_60] : memref<10240x64xf32, #tpu.memory_space<vmem_shared>> -> memref<320x64xf32, #tpu.memory_space<vmem_shared>>
      tpu.wait_dma2 semaphore(%run_scoped3A : memref<!tpu.dma_semaphore, #tpu.memory_space<semaphore_mem>>) src(%dma_wait3A_61 : memref<320x64xf32, #tpu.memory_space<vmem_shared>>) dst(%arg11 : memref<320x64xf32, #tpu.memory_space<vmem>>)
      tpu.yield
    }) : () -> ()
    %lt3A = arith.constant 15 : i32
    %lt3A_48 = arith.cmpi slt, %arg1, %lt3A : i32
    %convert_element_type3A = arith.extui %lt3A_48 : i1 to i32
    %cond3A = arith.constant 0 : i32
    %cond3A_49 = arith.cmpi ne, %convert_element_type3A, %cond3A : i32
    scf.if %cond3A_49 {
      %mul3A_54 = arith.constant 640 : i32
      %mul3A_55 = arith.muli %arg1, %mul3A_54 : i32
      %add3A_56 = arith.constant 320 : i32
      %add3A_57 = arith.addi %mul3A_55, %add3A_56 : i32
      %mul3A_58 = arith.constant 64 : i32
      %mul3A_59 = arith.muli %arg0, %mul3A_58 : i32
      "tpu.region"() ({
        %run_scoped3A = tpu.sem_alloc : memref<!tpu.dma_semaphore, #tpu.memory_space<semaphore_mem>>
        %dma_start3A_60 = tpu.memref_slice %arg6[%add3A_57, %mul3A_59] : memref<10000x128xf32, #tpu.memory_space<hbm>> -> memref<320x64xf32, #tpu.memory_space<hbm>>
        %dma_start3A_61 = tpu.memref_slice %arg6[%add3A_57, %mul3A_59] : memref<10000x128xf32, #tpu.memory_space<hbm>> -> memref<320x64xf32, #tpu.memory_space<hbm>>
        tpu.enqueue_dma source(%arg11 : memref<320x64xf32, #tpu.memory_space<vmem>>) target(%dma_start3A_61 : memref<320x64xf32, #tpu.memory_space<hbm>>) target_semaphore(%run_scoped3A : memref<!tpu.dma_semaphore, #tpu.memory_space<semaphore_mem>>)
        %dma_wait3A_62 = tpu.memref_slice %arg6[%add3A_57, %mul3A_59] : memref<10000x128xf32, #tpu.memory_space<hbm>> -> memref<320x64xf32, #tpu.memory_space<hbm>>
        %dma_wait3A_63 = tpu.memref_slice %arg6[%add3A_57, %mul3A_59] : memref<10000x128xf32, #tpu.memory_space<hbm>> -> memref<320x64xf32, #tpu.memory_space<hbm>>
        tpu.wait_dma2 semaphore(%run_scoped3A : memref<!tpu.dma_semaphore, #tpu.memory_space<semaphore_mem>>) src(%arg11 : memref<320x64xf32, #tpu.memory_space<vmem>>) dst(%dma_wait3A_63 : memref<320x64xf32, #tpu.memory_space<hbm>>)
        tpu.yield
      }) : () -> ()
    } else {
    }
    %eq3A = arith.constant 15 : i32
    %eq3A_50 = arith.cmpi eq, %arg1, %eq3A : i32
    %convert_element_type3A_51 = arith.extui %eq3A_50 : i1 to i32
    %cond3A_52 = arith.constant 0 : i32
    %cond3A_53 = arith.cmpi ne, %convert_element_type3A_51, %cond3A_52 : i32
    scf.if %cond3A_53 {
      %mul3A_54 = arith.constant 64 : i32
      %mul3A_55 = arith.muli %arg0, %mul3A_54 : i32
      "tpu.region"() ({
        %run_scoped3A = tpu.sem_alloc : memref<!tpu.dma_semaphore, #tpu.memory_space<semaphore_mem>>
        %dma_start3A_56 = arith.constant 0 : i32
        %dma_start3A_57 = arith.constant 0 : i32
        %dma_start3A_58 = tpu.memref_slice %arg11[%dma_start3A_56, %dma_start3A_57] : memref<320x64xf32, #tpu.memory_space<vmem>> -> memref<80x64xf32, #tpu.memory_space<vmem>>
        %dma_start3A_59 = arith.constant 9920 : i32
        %dma_start3A_60 = tpu.memref_slice %arg6[%dma_start3A_59, %mul3A_55] : memref<10000x128xf32, #tpu.memory_space<hbm>> -> memref<80x64xf32, #tpu.memory_space<hbm>>
        %dma_start3A_61 = arith.constant 9920 : i32
        %dma_start3A_62 = tpu.memref_slice %arg6[%dma_start3A_61, %mul3A_55] : memref<10000x128xf32, #tpu.memory_space<hbm>> -> memref<80x64xf32, #tpu.memory_space<hbm>>
        %dma_start3A_63 = arith.constant 0 : i32
        %dma_start3A_64 = arith.constant 0 : i32
        %dma_start3A_65 = tpu.memref_slice %arg11[%dma_start3A_63, %dma_start3A_64] : memref<320x64xf32, #tpu.memory_space<vmem>> -> memref<80x64xf32, #tpu.memory_space<vmem>>
        tpu.enqueue_dma source(%dma_start3A_65 : memref<80x64xf32, #tpu.memory_space<vmem>>) target(%dma_start3A_62 : memref<80x64xf32, #tpu.memory_space<hbm>>) target_semaphore(%run_scoped3A : memref<!tpu.dma_semaphore, #tpu.memory_space<semaphore_mem>>)
        %dma_wait3A_66 = arith.constant 0 : i32
        %dma_wait3A_67 = arith.constant 0 : i32
        %dma_wait3A_68 = tpu.memref_slice %arg11[%dma_wait3A_66, %dma_wait3A_67] : memref<320x64xf32, #tpu.memory_space<vmem>> -> memref<80x64xf32, #tpu.memory_space<vmem>>
        %dma_wait3A_69 = arith.constant 9920 : i32
        %dma_wait3A_70 = tpu.memref_slice %arg6[%dma_wait3A_69, %mul3A_55] : memref<10000x128xf32, #tpu.memory_space<hbm>> -> memref<80x64xf32, #tpu.memory_space<hbm>>
        %dma_wait3A_71 = arith.constant 9920 : i32
        %dma_wait3A_72 = tpu.memref_slice %arg6[%dma_wait3A_71, %mul3A_55] : memref<10000x128xf32, #tpu.memory_space<hbm>> -> memref<80x64xf32, #tpu.memory_space<hbm>>
        %dma_wait3A_73 = arith.constant 0 : i32
        %dma_wait3A_74 = arith.constant 0 : i32
        %dma_wait3A_75 = tpu.memref_slice %arg11[%dma_wait3A_73, %dma_wait3A_74] : memref<320x64xf32, #tpu.memory_space<vmem>> -> memref<80x64xf32, #tpu.memory_space<vmem>>
        tpu.wait_dma2 semaphore(%run_scoped3A : memref<!tpu.dma_semaphore, #tpu.memory_space<semaphore_mem>>) src(%dma_wait3A_75 : memref<80x64xf32, #tpu.memory_space<vmem>>) dst(%dma_wait3A_72 : memref<80x64xf32, #tpu.memory_space<hbm>>)
        tpu.yield
      }) : () -> ()
    } else {
    }
    return
  }
}

module attributes {stable_mosaic.version = 14 : i64} {
  func.func @_idx_body(%arg0: i32, %arg1: memref<2x32000xi32, #tpu.memory_space<vmem>>, %arg2: memref<2x32000xi32, #tpu.memory_space<vmem>>) attributes {dimension_semantics = [#tpu.dimension_semantics<arbitrary>], iteration_bounds = array<i64: 10>, scalar_prefetch = 0 : i64, scratch_operands = 0 : i64, tpu.core_type = #tpu.core_type<tc>, window_params = [{transform_indices = @transform_0, window_bounds = array<i64: 2, 32000>}, {transform_indices = @transform_1, window_bounds = array<i64: 2, 32000>}]} {
    %get3A = arith.constant 0 : index
    %get3A_0 = arith.constant 0 : index
    %get3A_1 = vector.load %arg1[%get3A, %get3A_0] : memref<2x32000xi32, #tpu.memory_space<vmem>>, vector<1x32000xi32>
    %get3A_2 = vector.shape_cast %get3A_1 : vector<1x32000xi32> to vector<32000xi32>
    %mul3A = arith.constant 2 : i32
    %mul3A_3 = vector.broadcast %mul3A : i32 to vector<32000xi32>
    %mul3A_4 = arith.muli %mul3A_3, %get3A_2 : vector<32000xi32>
    %swap3A = arith.constant 0 : index
    %swap3A_5 = arith.constant 0 : index
    %swap3A_6 = vector.load %arg2[%swap3A, %swap3A_5] : memref<2x32000xi32, #tpu.memory_space<vmem>>, vector<1x32000xi32>
    %swap3A_7 = vector.shape_cast %swap3A_6 : vector<1x32000xi32> to vector<32000xi32>
    %swap3A_8 = vector.shape_cast %mul3A_4 : vector<32000xi32> to vector<1x32000xi32>
    tpu.vector_store %arg2[%swap3A, %swap3A_5], %swap3A_8 {strides = array<i32>} : memref<2x32000xi32, #tpu.memory_space<vmem>>, vector<1x32000xi32>,
    %mul3A_9 = arith.constant 2 : i32
    %mul3A_10 = vector.broadcast %mul3A_9 : i32 to vector<32000xi32>
    %mul3A_11 = arith.muli %mul3A_10, %get3A_2 : vector<32000xi32>
    %add3A = arith.constant 1 : i32
    %add3A_12 = vector.broadcast %add3A : i32 to vector<32000xi32>
    %add3A_13 = arith.addi %mul3A_11, %add3A_12 : vector<32000xi32>
    %swap3A_14 = arith.constant 1 : index
    %swap3A_15 = arith.constant 0 : index
    %swap3A_16 = vector.load %arg2[%swap3A_14, %swap3A_15] : memref<2x32000xi32, #tpu.memory_space<vmem>>, vector<1x32000xi32>
    %swap3A_17 = vector.shape_cast %swap3A_16 : vector<1x32000xi32> to vector<32000xi32>
    %swap3A_18 = vector.shape_cast %add3A_13 : vector<32000xi32> to vector<1x32000xi32>
    tpu.vector_store %arg2[%swap3A_14, %swap3A_15], %swap3A_18 {strides = array<i32>} : memref<2x32000xi32, #tpu.memory_space<vmem>>, vector<1x32000xi32>,
    return
  }
  func.func @transform_0(%arg0: i32) -> (i32, i32) {
    %c0_i32 = arith.constant 0 : i32
    %c0_i32_0 = arith.constant 0 : i32
    return %c0_i32, %arg0 : i32, i32
  }
  func.func @transform_1(%arg0: i32) -> (i32, i32) {
    %c0_i32 = arith.constant 0 : i32
    %c0_i32_0 = arith.constant 0 : i32
    return %c0_i32, %arg0 : i32, i32
  }
}

module attributes {stable_mosaic.version = 14 : i64} {
  func.func @_tc_pre_body(%arg0: i32, %arg1: memref<1000x128xf32, #tpu.memory_space<vmem>>, %arg2: memref<128x128xf32, #tpu.memory_space<vmem>>, %arg3: memref<1000x16xf32, #tpu.memory_space<vmem>>, %arg4: memref<1000x128xf32, #tpu.memory_space<vmem>>) attributes {dimension_semantics = [#tpu.dimension_semantics<arbitrary>], iteration_bounds = array<i64: 10>, scalar_prefetch = 0 : i64, scratch_operands = 0 : i64, tpu.core_type = #tpu.core_type<tc>, window_params = [{transform_indices = @transform_0, window_bounds = array<i64: 1000, 128>}, {pipeline_mode = #tpu.pipeline_mode<synchronous>, transform_indices = @transform_1, window_bounds = array<i64: 128, 128>}, {transform_indices = @transform_2, window_bounds = array<i64: 1000, 16>}, {transform_indices = @transform_3, window_bounds = array<i64: 1000, 128>}]} {
    %get3A = arith.constant 0 : index
    %get3A_0 = arith.constant 0 : index
    %get3A_1 = vector.load %arg3[%get3A, %get3A_0] : memref<1000x16xf32, #tpu.memory_space<vmem>>, vector<1000x16xf32>
    %slice3A = vector.extract_strided_slice %get3A_1 {offsets = [0, 0], sizes = [1000, 1], strides = [1, 1]} : vector<1000x16xf32> to vector<1000x1xf32>
    %slice3A_2 = vector.extract_strided_slice %get3A_1 {offsets = [0, 8], sizes = [1000, 1], strides = [1, 1]} : vector<1000x16xf32> to vector<1000x1xf32>
    %add3A = arith.addf %slice3A, %slice3A_2 : vector<1000x1xf32>
    %max3A = arith.constant 1.000000e+00 : f32
    %max3A_3 = vector.broadcast %max3A : f32 to vector<1000x1xf32>
    %max3A_4 = arith.maximumf %add3A, %max3A_3 : vector<1000x1xf32>
    %rsqrt3A = math.rsqrt %max3A_4 : vector<1000x1xf32>
    %get3A_5 = arith.constant 0 : index
    %get3A_6 = arith.constant 0 : index
    %get3A_7 = vector.load %arg1[%get3A_5, %get3A_6] : memref<1000x128xf32, #tpu.memory_space<vmem>>, vector<1000x128xf32>
    %get3A_8 = arith.constant 0 : index
    %get3A_9 = arith.constant 0 : index
    %get3A_10 = vector.load %arg2[%get3A_8, %get3A_9] : memref<128x128xf32, #tpu.memory_space<vmem>>, vector<128x128xf32>
    %dot_general3A = arith.constant dense<0.000000e+00> : vector<1000x128xf32>
    %dot_general3A_11 = tpu.matmul %get3A_7, %get3A_10, %dot_general3A {dimension_numbers = #tpu.dot_dimension_numbers<[1], [0], [0], [1], [0, 0, 1, 1], [], []>, transpose_lhs_hint = false} : vector<1000x128xf32>, vector<128x128xf32>, vector<1000x128xf32> -> vector<1000x128xf32>
    %mul3A = vector.broadcast %rsqrt3A : vector<1000x1xf32> to vector<1000x128xf32>
    %mul3A_12 = arith.mulf %dot_general3A_11, %mul3A : vector<1000x128xf32>
    %swap3A = arith.constant 0 : index
    %swap3A_13 = arith.constant 0 : index
    %swap3A_14 = vector.load %arg4[%swap3A, %swap3A_13] : memref<1000x128xf32, #tpu.memory_space<vmem>>, vector<1000x128xf32>
    tpu.vector_store %arg4[%swap3A, %swap3A_13], %mul3A_12 {strides = array<i32>} : memref<1000x128xf32, #tpu.memory_space<vmem>>, vector<1000x128xf32>,
    return
  }
  func.func @transform_0(%arg0: i32) -> (i32, i32) {
    %c0_i32 = arith.constant 0 : i32
    %c0_i32_0 = arith.constant 0 : i32
    return %arg0, %c0_i32 : i32, i32
  }
  func.func @transform_1(%arg0: i32) -> (i32, i32) {
    %c0_i32 = arith.constant 0 : i32
    %c0_i32_0 = arith.constant 0 : i32
    %c0_i32_1 = arith.constant 0 : i32
    return %c0_i32, %c0_i32_0 : i32, i32
  }
  func.func @transform_2(%arg0: i32) -> (i32, i32) {
    %c0_i32 = arith.constant 0 : i32
    %c0_i32_0 = arith.constant 0 : i32
    return %arg0, %c0_i32 : i32, i32
  }
  func.func @transform_3(%arg0: i32) -> (i32, i32) {
    %c0_i32 = arith.constant 0 : i32
    %c0_i32_0 = arith.constant 0 : i32
    return %arg0, %c0_i32 : i32, i32
  }
}

module attributes {stable_mosaic.version = 14 : i64} {
  func.func @_tc_mid_body(%arg0: i32, %arg1: memref<1000x128xf32, #tpu.memory_space<vmem>>, %arg2: memref<1000x32xf32, #tpu.memory_space<vmem>>, %arg3: memref<1000x16xf32, #tpu.memory_space<vmem>>, %arg4: memref<128x128xf32, #tpu.memory_space<vmem>>, %arg5: memref<16x128xf32, #tpu.memory_space<vmem>>, %arg6: memref<1x128xf32, #tpu.memory_space<vmem>>, %arg7: memref<16x128xf32, #tpu.memory_space<vmem>>, %arg8: memref<1x128xf32, #tpu.memory_space<vmem>>, %arg9: memref<1000x128xf32, #tpu.memory_space<vmem>>, %arg10: memref<1000x128xf32, #tpu.memory_space<vmem>>) attributes {dimension_semantics = [#tpu.dimension_semantics<arbitrary>], iteration_bounds = array<i64: 10>, scalar_prefetch = 0 : i64, scratch_operands = 0 : i64, tpu.core_type = #tpu.core_type<tc>, window_params = [{transform_indices = @transform_0, window_bounds = array<i64: 1000, 128>}, {transform_indices = @transform_1, window_bounds = array<i64: 1000, 32>}, {transform_indices = @transform_2, window_bounds = array<i64: 1000, 16>}, {pipeline_mode = #tpu.pipeline_mode<synchronous>, transform_indices = @transform_3, window_bounds = array<i64: 128, 128>}, {pipeline_mode = #tpu.pipeline_mode<synchronous>, transform_indices = @transform_4, window_bounds = array<i64: 16, 128>}, {pipeline_mode = #tpu.pipeline_mode<synchronous>, transform_indices = @transform_5, window_bounds = array<i64: 1, 128>}, {pipeline_mode = #tpu.pipeline_mode<synchronous>, transform_indices = @transform_6, window_bounds = array<i64: 16, 128>}, {pipeline_mode = #tpu.pipeline_mode<synchronous>, transform_indices = @transform_7, window_bounds = array<i64: 1, 128>}, {transform_indices = @transform_8, window_bounds = array<i64: 1000, 128>}, {transform_indices = @transform_9, window_bounds = array<i64: 1000, 128>}]} {
    %get3A = arith.constant 0 : index
    %get3A_0 = arith.constant 0 : index
    %get3A_1 = vector.load %arg3[%get3A, %get3A_0] : memref<1000x16xf32, #tpu.memory_space<vmem>>, vector<1000x16xf32>
    %slice3A = vector.extract_strided_slice %get3A_1 {offsets = [0, 0], sizes = [1000, 1], strides = [1, 1]} : vector<1000x16xf32> to vector<1000x1xf32>
    %slice3A_2 = vector.extract_strided_slice %get3A_1 {offsets = [0, 8], sizes = [1000, 1], strides = [1, 1]} : vector<1000x16xf32> to vector<1000x1xf32>
    %add3A = arith.addf %slice3A, %slice3A_2 : vector<1000x1xf32>
    %max3A = arith.constant 1.000000e+00 : f32
    %max3A_3 = vector.broadcast %max3A : f32 to vector<1000x1xf32>
    %max3A_4 = arith.maximumf %add3A, %max3A_3 : vector<1000x1xf32>
    %rsqrt3A = math.rsqrt %max3A_4 : vector<1000x1xf32>
    %get3A_5 = arith.constant 0 : index
    %get3A_6 = arith.constant 0 : index
    %get3A_7 = vector.load %arg2[%get3A_5, %get3A_6] : memref<1000x32xf32, #tpu.memory_space<vmem>>, vector<1000x16xf32>
    %get3A_8 = arith.constant 0 : index
    %get3A_9 = arith.constant 16 : index
    %get3A_10 = vector.load %arg2[%get3A_8, %get3A_9] : memref<1000x32xf32, #tpu.memory_space<vmem>>, vector<1000x16xf32>
    %add3A_11 = arith.addf %get3A_7, %get3A_10 : vector<1000x16xf32>
    %get3A_12 = arith.constant 0 : index
    %get3A_13 = arith.constant 0 : index
    %get3A_14 = vector.load %arg5[%get3A_12, %get3A_13] : memref<16x128xf32, #tpu.memory_space<vmem>>, vector<16x128xf32>
    %dot_general3A = arith.constant dense<0.000000e+00> : vector<1000x128xf32>
    %dot_general3A_15 = tpu.matmul %add3A_11, %get3A_14, %dot_general3A {dimension_numbers = #tpu.dot_dimension_numbers<[1], [0], [0], [1], [0, 0, 1, 1], [], []>, transpose_lhs_hint = false} : vector<1000x16xf32>, vector<16x128xf32>, vector<1000x128xf32> -> vector<1000x128xf32>
    %get3A_16 = arith.constant 0 : index
    %get3A_17 = arith.constant 0 : index
    %get3A_18 = vector.load %arg6[%get3A_16, %get3A_17] : memref<1x128xf32, #tpu.memory_space<vmem>>, vector<1x128xf32>
    %add3A_19 = vector.broadcast %get3A_18 : vector<1x128xf32> to vector<1000x128xf32>
    %add3A_20 = arith.addf %dot_general3A_15, %add3A_19 : vector<1000x128xf32>
    %get3A_21 = arith.constant 0 : index
    %get3A_22 = arith.constant 0 : index
    %get3A_23 = vector.load %arg1[%get3A_21, %get3A_22] : memref<1000x128xf32, #tpu.memory_space<vmem>>, vector<1000x128xf32>
    %mul3A = vector.broadcast %rsqrt3A : vector<1000x1xf32> to vector<1000x128xf32>
    %mul3A_24 = arith.mulf %mul3A, %get3A_23 : vector<1000x128xf32>
    %add3A_25 = arith.addf %mul3A_24, %add3A_20 : vector<1000x128xf32>
    %ge3A = arith.constant 0.000000e+00 : f32
    %ge3A_26 = vector.broadcast %ge3A : f32 to vector<1000x128xf32>
    %ge3A_27 = arith.cmpf oge, %add3A_25, %ge3A_26 : vector<1000x128xf32>
    %mul3A_28 = arith.constant 0.00999999977 : f32
    %mul3A_29 = vector.broadcast %mul3A_28 : f32 to vector<1000x128xf32>
    %mul3A_30 = arith.mulf %mul3A_29, %add3A_25 : vector<1000x128xf32>
    %select_n3A = arith.select %ge3A_27, %add3A_25, %mul3A_30 : vector<1000x128xi1>, vector<1000x128xf32>
    %get3A_31 = arith.constant 0 : index
    %get3A_32 = arith.constant 0 : index
    %get3A_33 = vector.load %arg4[%get3A_31, %get3A_32] : memref<128x128xf32, #tpu.memory_space<vmem>>, vector<128x128xf32>
    %dot_general3A_34 = arith.constant dense<0.000000e+00> : vector<1000x128xf32>
    %dot_general3A_35 = tpu.matmul %select_n3A, %get3A_33, %dot_general3A_34 {dimension_numbers = #tpu.dot_dimension_numbers<[1], [0], [0], [1], [0, 0, 1, 1], [], []>, transpose_lhs_hint = false} : vector<1000x128xf32>, vector<128x128xf32>, vector<1000x128xf32> -> vector<1000x128xf32>
    %mul3A_36 = vector.broadcast %rsqrt3A : vector<1000x1xf32> to vector<1000x128xf32>
    %mul3A_37 = arith.mulf %dot_general3A_35, %mul3A_36 : vector<1000x128xf32>
    %swap3A = arith.constant 0 : index
    %swap3A_38 = arith.constant 0 : index
    %swap3A_39 = vector.load %arg9[%swap3A, %swap3A_38] : memref<1000x128xf32, #tpu.memory_space<vmem>>, vector<1000x128xf32>
    tpu.vector_store %arg9[%swap3A, %swap3A_38], %mul3A_37 {strides = array<i32>} : memref<1000x128xf32, #tpu.memory_space<vmem>>, vector<1000x128xf32>,
    %get3A_40 = arith.constant 0 : index
    %get3A_41 = arith.constant 0 : index
    %get3A_42 = vector.load %arg7[%get3A_40, %get3A_41] : memref<16x128xf32, #tpu.memory_space<vmem>>, vector<16x128xf32>
    %dot_general3A_43 = arith.constant dense<0.000000e+00> : vector<1000x128xf32>
    %dot_general3A_44 = tpu.matmul %add3A_11, %get3A_42, %dot_general3A_43 {dimension_numbers = #tpu.dot_dimension_numbers<[1], [0], [0], [1], [0, 0, 1, 1], [], []>, transpose_lhs_hint = false} : vector<1000x16xf32>, vector<16x128xf32>, vector<1000x128xf32> -> vector<1000x128xf32>
    %get3A_45 = arith.constant 0 : index
    %get3A_46 = arith.constant 0 : index
    %get3A_47 = vector.load %arg8[%get3A_45, %get3A_46] : memref<1x128xf32, #tpu.memory_space<vmem>>, vector<1x128xf32>
    %add3A_48 = vector.broadcast %get3A_47 : vector<1x128xf32> to vector<1000x128xf32>
    %add3A_49 = arith.addf %dot_general3A_44, %add3A_48 : vector<1000x128xf32>
    %swap3A_50 = arith.constant 0 : index
    %swap3A_51 = arith.constant 0 : index
    %swap3A_52 = vector.load %arg10[%swap3A_50, %swap3A_51] : memref<1000x128xf32, #tpu.memory_space<vmem>>, vector<1000x128xf32>
    tpu.vector_store %arg10[%swap3A_50, %swap3A_51], %add3A_49 {strides = array<i32>} : memref<1000x128xf32, #tpu.memory_space<vmem>>, vector<1000x128xf32>,
    return
  }
  func.func @transform_0(%arg0: i32) -> (i32, i32) {
    %c0_i32 = arith.constant 0 : i32
    %c0_i32_0 = arith.constant 0 : i32
    return %arg0, %c0_i32 : i32, i32
  }
  func.func @transform_1(%arg0: i32) -> (i32, i32) {
    %c0_i32 = arith.constant 0 : i32
    %c0_i32_0 = arith.constant 0 : i32
    return %arg0, %c0_i32 : i32, i32
  }
  func.func @transform_2(%arg0: i32) -> (i32, i32) {
    %c0_i32 = arith.constant 0 : i32
    %c0_i32_0 = arith.constant 0 : i32
    return %arg0, %c0_i32 : i32, i32
  }
  func.func @transform_3(%arg0: i32) -> (i32, i32) {
    %c0_i32 = arith.constant 0 : i32
    %c0_i32_0 = arith.constant 0 : i32
    %c0_i32_1 = arith.constant 0 : i32
    return %c0_i32, %c0_i32_0 : i32, i32
  }
  func.func @transform_4(%arg0: i32) -> (i32, i32) {
    %c0_i32 = arith.constant 0 : i32
    %c0_i32_0 = arith.constant 0 : i32
    %c0_i32_1 = arith.constant 0 : i32
    return %c0_i32, %c0_i32_0 : i32, i32
  }
  func.func @transform_5(%arg0: i32) -> (i32, i32) {
    %c0_i32 = arith.constant 0 : i32
    %c0_i32_0 = arith.constant 0 : i32
    %c0_i32_1 = arith.constant 0 : i32
    return %c0_i32, %c0_i32_0 : i32, i32
  }
  func.func @transform_6(%arg0: i32) -> (i32, i32) {
    %c0_i32 = arith.constant 0 : i32
    %c0_i32_0 = arith.constant 0 : i32
    %c0_i32_1 = arith.constant 0 : i32
    return %c0_i32, %c0_i32_0 : i32, i32
  }
  func.func @transform_7(%arg0: i32) -> (i32, i32) {
    %c0_i32 = arith.constant 0 : i32
    %c0_i32_0 = arith.constant 0 : i32
    %c0_i32_1 = arith.constant 0 : i32
    return %c0_i32, %c0_i32_0 : i32, i32
  }
  func.func @transform_8(%arg0: i32) -> (i32, i32) {
    %c0_i32 = arith.constant 0 : i32
    %c0_i32_0 = arith.constant 0 : i32
    return %arg0, %c0_i32 : i32, i32
  }
  func.func @transform_9(%arg0: i32) -> (i32, i32) {
    %c0_i32 = arith.constant 0 : i32
    %c0_i32_0 = arith.constant 0 : i32
    return %arg0, %c0_i32 : i32, i32
  }
}

module attributes {stable_mosaic.version = 14 : i64} {
  func.func @_tc_post_body(%arg0: i32, %arg1: memref<1000x128xf32, #tpu.memory_space<vmem>>, %arg2: memref<1000x128xf32, #tpu.memory_space<vmem>>, %arg3: memref<1000x16xf32, #tpu.memory_space<vmem>>, %arg4: memref<1000x128xf32, #tpu.memory_space<vmem>>) attributes {dimension_semantics = [#tpu.dimension_semantics<arbitrary>], iteration_bounds = array<i64: 10>, scalar_prefetch = 0 : i64, scratch_operands = 0 : i64, tpu.core_type = #tpu.core_type<tc>, window_params = [{transform_indices = @transform_0, window_bounds = array<i64: 1000, 128>}, {transform_indices = @transform_1, window_bounds = array<i64: 1000, 128>}, {transform_indices = @transform_2, window_bounds = array<i64: 1000, 16>}, {transform_indices = @transform_3, window_bounds = array<i64: 1000, 128>}]} {
    %get3A = arith.constant 0 : index
    %get3A_0 = arith.constant 0 : index
    %get3A_1 = vector.load %arg3[%get3A, %get3A_0] : memref<1000x16xf32, #tpu.memory_space<vmem>>, vector<1000x16xf32>
    %slice3A = vector.extract_strided_slice %get3A_1 {offsets = [0, 0], sizes = [1000, 1], strides = [1, 1]} : vector<1000x16xf32> to vector<1000x1xf32>
    %slice3A_2 = vector.extract_strided_slice %get3A_1 {offsets = [0, 8], sizes = [1000, 1], strides = [1, 1]} : vector<1000x16xf32> to vector<1000x1xf32>
    %add3A = arith.addf %slice3A, %slice3A_2 : vector<1000x1xf32>
    %max3A = arith.constant 1.000000e+00 : f32
    %max3A_3 = vector.broadcast %max3A : f32 to vector<1000x1xf32>
    %max3A_4 = arith.maximumf %add3A, %max3A_3 : vector<1000x1xf32>
    %rsqrt3A = math.rsqrt %max3A_4 : vector<1000x1xf32>
    %get3A_5 = arith.constant 0 : index
    %get3A_6 = arith.constant 0 : index
    %get3A_7 = vector.load %arg1[%get3A_5, %get3A_6] : memref<1000x128xf32, #tpu.memory_space<vmem>>, vector<1000x128xf32>
    %mul3A = vector.broadcast %rsqrt3A : vector<1000x1xf32> to vector<1000x128xf32>
    %mul3A_8 = arith.mulf %mul3A, %get3A_7 : vector<1000x128xf32>
    %get3A_9 = arith.constant 0 : index
    %get3A_10 = arith.constant 0 : index
    %get3A_11 = vector.load %arg2[%get3A_9, %get3A_10] : memref<1000x128xf32, #tpu.memory_space<vmem>>, vector<1000x128xf32>
    %add3A_12 = arith.addf %mul3A_8, %get3A_11 : vector<1000x128xf32>
    %ge3A = arith.constant 0.000000e+00 : f32
    %ge3A_13 = vector.broadcast %ge3A : f32 to vector<1000x128xf32>
    %ge3A_14 = arith.cmpf oge, %add3A_12, %ge3A_13 : vector<1000x128xf32>
    %mul3A_15 = arith.constant 0.00999999977 : f32
    %mul3A_16 = vector.broadcast %mul3A_15 : f32 to vector<1000x128xf32>
    %mul3A_17 = arith.mulf %mul3A_16, %add3A_12 : vector<1000x128xf32>
    %select_n3A = arith.select %ge3A_14, %add3A_12, %mul3A_17 : vector<1000x128xi1>, vector<1000x128xf32>
    %swap3A = arith.constant 0 : index
    %swap3A_18 = arith.constant 0 : index
    %swap3A_19 = vector.load %arg4[%swap3A, %swap3A_18] : memref<1000x128xf32, #tpu.memory_space<vmem>>, vector<1000x128xf32>
    tpu.vector_store %arg4[%swap3A, %swap3A_18], %select_n3A {strides = array<i32>} : memref<1000x128xf32, #tpu.memory_space<vmem>>, vector<1000x128xf32>,
    return
  }
  func.func @transform_0(%arg0: i32) -> (i32, i32) {
    %c0_i32 = arith.constant 0 : i32
    %c0_i32_0 = arith.constant 0 : i32
    return %arg0, %c0_i32 : i32, i32
  }
  func.func @transform_1(%arg0: i32) -> (i32, i32) {
    %c0_i32 = arith.constant 0 : i32
    %c0_i32_0 = arith.constant 0 : i32
    return %arg0, %c0_i32 : i32, i32
  }
  func.func @transform_2(%arg0: i32) -> (i32, i32) {
    %c0_i32 = arith.constant 0 : i32
    %c0_i32_0 = arith.constant 0 : i32
    return %arg0, %c0_i32 : i32, i32
  }
  func.func @transform_3(%arg0: i32) -> (i32, i32) {
    %c0_i32 = arith.constant 0 : i32
    %c0_i32_0 = arith.constant 0 : i32
    return %arg0, %c0_i32 : i32, i32
  }
}

</mosaic_0001>

<sc_bundles>
// kernel: kernel.10.cloned.1.call-start
scs
__scs_entry_jumppad:
0x0: {  	(pc) =	sbr.rel $0x88, $3  }
0x1: {  	(tag) =	ssettag $0x0;
	lr =	simm.s32 $0x1  }
0x2: {  	[smem:$0x3F98] =	sst lr;
	_ =	strace $0xD0000000  }
0x3: {  	_ = 	snop  }
0x4: {  	_ = 	snop  }
0x5: {  	_ = 	snop  }
0x6: {  	_ = 	snop  }
0x7: {  	_ = 	snop  }
__scs_overlays_trampoline_lowered:
0x8: {  	[smem:$0x3FA7] =	sst s0  }
0x9: {  	[smem:$0x3FA8] =	sst s1  }
0xa: {  	[smem:$0x3FA9] =	sst s2  }
0xb: {  	[smem:$0x3FAA] =	sst s3  }
0xc: {  	[smem:$0x3FAB] =	sst s4  }
0xd: {  	[smem:$0x3FAC] =	sst s5  }
0xe: {  	[smem:$0x3FAD] =	sst s6  }
0xf: {  	[smem:$0x3FAE] =	sst s7  }
0x10: {  	[smem:$0x3FAF] =	sst s8  }
0x11: {  	[smem:$0x3FB0] =	sst s9;
	s0 =	simm.s32 @!p0 $0x0  }
0x12: {  	s1 =	sld [smem:$0x3F96];
	s0 =	simm.s32 @p0 $0x1  }
0x13: {  	[smem:$0x3FB1] =	sst s0;
	s0 =	simm.s32 @!p1 $0x0  }
0x14: {  	s2 =	sld [smem:$0x3F95];
	s0 =	simm.s32 @p1 $0x1  }
0x15: {  	[smem:$0x3FB2] =	sst s0;
	s0 =	simm.s32 @!p2 $0x0  }
0x16: {  	s3 =	sld [smem:$0x3FDB];
	s0 =	simm.s32 @p2 $0x1  }
0x17: {  	s4 =	simm.s32 $0x1BF5;
	[smem:$0x3FB4] =	sst s0  }
0x18: {  	s0 =	sld [smem:$0x3F97];
	_ =	swait.ge [sflag:s4], $0x0  }
0x19: {  	s7 =	sld [smem:$0x3F98]  }
0x1a: {  	s8 =	sadd.s32 $0xFFFFE003, lr  }
0x1b: {  	s9 =	sadd.s32 $0xFFFFFEF7, lr;
	s5 =	simm.s32 $0xFFFFFFFF;
	p2 =	slt.u32 s8, $0xFFFFF086  }
0x1c: {  	p1 =	slt.u32 s9, $0xF7A;
	s5 =	simm.s32 @!p2 $0x0  }
0x1d: {  	s5 =	simm.s32 @p1 $0x1;
	p0 =	seq.s32 s7, s2  }
0x1e: {  	s7 =	smul.u32 @!p0 $0xF7A, s2;
	p2 =	seq.s32 @!p0 s5, $0x0  }
0x1f: {  	s9 =	smul.u32 $0xF7A, s1;
	s8 =	simm.s32 @!p0 $0x1BF5;
	p2 =	por !p2, p0  }
0x20: {  	[sflag:s8] =	ssyncset.s32 @!p0 $0xFFFFF086;
	s6 =	sadd.s32 @!p0 s3, s7;
	s7 =	simm.s32 @!p0 $0x108  }
0x21: {  	s3 =	sadd.s32 s3, s9;
	s6 =	sadd.s32 @!p0 $0x88, s6;
	s7 =	simm.s32 @p2 $0x1082  }
0x22: {  	[simem:s7], [sflag:s8] =	dma.local @!p0 [hbm:s6], $0xF7A  }
0x23: {  	s9 =	sor.u32 $0xD0000000, s2;
	s6 =	simm.s32 $0x108;
	_ =	swait.ge @!p0 [sflag:s8], $0x0  }
0x24: {  	s3 =	sadd.s32 $0x88, s3;
	s6 =	simm.s32 @!p1 $0x1082;
	[sflag:s4] =	ssyncset.s32 $0xFFFFF086  }
0x25: {  	[simem:s6], [sflag:s4] =	dma.local [hbm:s3], $0xF7A  }
0x26: {  	[smem:$0x3F98] =	sst s1;
	(tag) =	ssettag s2;
	_ =	strace s9  }
0x27: {  	s1 =	sld [smem:$0x3FA8]  }
0x28: {  	s2 =	sld [smem:$0x3FA9]  }
0x29: {  	s4 =	sld [smem:$0x3FAB]  }
0x2a: {  	p0 =	seq.s32 s5, $0x0;
	s5 =	sld [smem:$0x3FAC]  }
0x2b: {  	s6 =	sld [smem:$0x3FAD]  }
0x2c: {  	s7 =	sld [smem:$0x3FAE]  }
0x2d: {  	s3 =	simm.s32 $0x108;
	s8 =	sld [smem:$0x3FAF]  }
0x2e: {  	s3 =	simm.s32 @!p0 $0x1082;
	s9 =	sld [smem:$0x3FB0]  }
0x2f: {  	lr =	sadd.s32 s0, s3;
	s0 =	sld [smem:$0x3FA7]  }
0x30: {  	s3 =	sld [smem:$0x3FAA]  }
0x31: {  	[smem:$0x3FB3] =	sst s10  }
0x32: {  	s10 =	sld [smem:$0x3FB1];
	_ =	sdelay $0x3  }
0x33: {  	p0 =	seq.s32 s10, $0x1;
	s10 =	sld [smem:$0x3FB3];
	_ =	sdelay $0x3  }
0x34: {  	[smem:$0x3FB3] =	sst s10  }
0x35: {  	s10 =	sld [smem:$0x3FB2];
	_ =	sdelay $0x3  }
0x36: {  	p1 =	seq.s32 s10, $0x1;
	s10 =	sld [smem:$0x3FB3];
	_ =	sdelay $0x3  }
0x37: {  	[smem:$0x3FB3] =	sst s10  }
0x38: {  	s10 =	sld [smem:$0x3FB4]  }
0x39: {  	_ = 	snop;
	(pc) =	sbr.ind lr, $3  }
0x3a: {  	_ = 	snop  }
0x3b: {  	_ = 	snop  }
0x3c: {  	p2 =	seq.s32 s10, $0x1;
	s10 =	sld [smem:$0x3FB3]  }
0x3d: {  	_ =	shalt  }
0x3e: {  	_ =	shalt  }
0x3f: {  	_ =	shalt  }
0x40: {  	_ =	shalt  }
0x41: {  	_ =	shalt  }
0x42: {  	_ =	shalt  }
0x43: {  	_ =	shalt  }
0x44: {  	_ =	shalt  }
0x45: {  	_ =	shalt  }
0x46: {  	_ =	shalt  }
0x47: {  	_ =	shalt  }
0x48: {  	_ =	shalt  }
0x49: {  	_ =	shalt  }
0x4a: {  	_ =	shalt  }
0x4b: {  	_ =	shalt  }
0x4c: {  	_ =	shalt  }
0x4d: {  	_ =	shalt  }
0x4e: {  	_ =	shalt  }
0x4f: {  	_ =	shalt  }
0x50: {  	_ =	shalt  }
0x51: {  	_ =	shalt  }
0x52: {  	_ =	shalt  }
0x53: {  	_ =	shalt  }
0x54: {  	_ =	shalt  }
0x55: {  	_ =	shalt  }
0x56: {  	_ =	shalt  }
0x57: {  	_ =	shalt  }
0x58: {  	_ =	shalt  }
0x59: {  	_ =	shalt  }
0x5a: {  	_ =	shalt  }
0x5b: {  	_ =	shalt  }
0x5c: {  	_ =	shalt  }
0x5d: {  	_ =	shalt  }
0x5e: {  	_ =	shalt  }
0x5f: {  	_ =	shalt  }
0x60: {  	_ =	shalt  }
0x61: {  	_ =	shalt  }
0x62: {  	_ =	shalt  }
0x63: {  	_ =	shalt  }
0x64: {  	_ =	shalt  }
0x65: {  	_ =	shalt  }
0x66: {  	_ =	shalt  }
0x67: {  	_ =	shalt  }
0x68: {  	_ =	shalt  }
0x69: {  	_ =	shalt  }
0x6a: {  	_ =	shalt  }
0x6b: {  	_ =	shalt  }
0x6c: {  	_ =	shalt  }
0x6d: {  	_ =	shalt  }
0x6e: {  	_ =	shalt  }
0x6f: {  	_ =	shalt  }
0x70: {  	_ =	shalt  }
0x71: {  	_ =	shalt  }
0x72: {  	_ =	shalt  }
0x73: {  	_ =	shalt  }
0x74: {  	_ =	shalt  }
0x75: {  	_ =	shalt  }
0x76: {  	_ =	shalt  }
0x77: {  	_ =	shalt  }
0x78: {  	_ =	shalt  }
0x79: {  	_ =	shalt  }
0x7a: {  	_ =	shalt  }
0x7b: {  	_ =	shalt  }
0x7c: {  	_ =	shalt  }
0x7d: {  	_ =	shalt  }
0x7e: {  	_ =	shalt  }
0x7f: {  	_ =	shalt  }
0x80: {  	_ =	shalt  }
0x81: {  	_ =	shalt  }
0x82: {  	_ =	shalt  }
0x83: {  	_ =	shalt  }
0x84: {  	_ =	shalt  }
0x85: {  	_ =	shalt  }
0x86: {  	_ =	shalt  }
0x87: {  	_ =	shalt  }
.Lfunc_end0:
.L_simem_size_0:
called_computation_lowered:
.L_overlay_start_0:
0x88: {  	s2 =	sld [smem:$0x3FD9]  }
0x89: {  	s3 =	sld [smem:$0x3FFE];
	_ =	sdelay $0x1  }
0x8a: {  	s1 =	srdreg.scid  }
0x8b: {  	s0 =	sand.u32 $0x1, s1  }
0x8c: {  	s17 =	sshll.u32 s0, $0xA;
	s2 =	sadd.s32 s3, s2  }
0x8d: {  	s2 =	sadd.s32 s2, s17  }
0x8e: {  	[smem:$0x3FBF] =	sst s2  }
0x8f: {  	_ = 	snop  }
0x90: {  	s2 =	sld [smem:$0x3FD0];
	(tm) =	ssettm $0x1  }
0x91: {  	s18 =	sld [smem:$0x3FFB];
	_ =	sdelay $0x3  }
0x92: {  	_ =	strace s18  }
0x93: {  	s3 =	sld [smem:$0x3FFC];
	_ =	sdelay $0x3  }
0x94: {  	_ =	strace s3  }
0x95: {  	s3 =	sld [smem:$0x3FFD];
	_ =	sdelay $0x3  }
0x96: {  	_ =	strace s3  }
0x97: {  	_ =	strace $0x8FFFFFFF  }
0x98: {  	s19 =	sld [smem:$0x3FDB];
	_ =	sdelay $0x1  }
0x99: {  	s4 =	simm.s32 $_scs_section_size  }
0x9a: {  	s5 =	simm.s32 $_size__tile_overlayer_lowered;
	s6 =	simm.s32 $_tile_overlayer_lowered  }
0x9b: {  	s22 =	simm.s32 $0x1BFF;
	s21 =	sshll.u32 s6, $0x1;
	s3 =	sadd.s32 s4, s19  }
0x9c: {  	s7 =	simm.s32 $0x0;
	s20 =	sshll.u32 s5, $0x1;
	s5 =	sadd.s32 s21, s3  }
0x9d: {  	[timem:s7], [sflag:s22] =	dma.local [hbm:s5], s20  }
0x9e: {  	_ =	swait.ge [sflag:s22], s20  }
0x9f: {  	s4 =	ssub.s32 $0x0, s20;
	[sflag:s22] =	ssyncset.done $0x0  }
0xa0: {  	[sflag:s22] =	ssyncadd.s32 s4;
	_ =	sdelay $0x1  }
0xa1: {  	s23 =	simm.s32 $0x1B8B  }
0xa2: {  	_ =	swait.ge [sflag:s23], $0x1  }
0xa3: {  	[sflag:s23] =	ssyncset.done $0x0  }
0xa4: {  	s25 =	simm.s32 $0x1B8E;
	s24 =	sld [smem:$0x3FFE];
	[sflag:s23] =	ssyncadd.s32 $0xFFFFFFFF  }
0xa5: {  	s26 =	simm.s32 $execute0_lowered;
	[smem:$0x3FD2] =	sst s25  }
0xa6: {  	s5 =	sshll.u32 s26, $0x1;
	_ =	strace $0x80000046;
	[dreg:$0x1] =	wrdreg $0xFFFFFFFF  }
0xa7: {  	s28 =	simm.s32 $_size_execute0_lowered;
	s3 =	sadd.s32 s3, s5;
	[dreg:$0x0] =	wrdreg $0x0  }
0xa8: {  	s5 =	sshll.u32 s28, $0x1;
	[dreg:$0x2] =	wrdreg s3  }
0xa9: {  	[dreg:$0x3] =	wrdreg s5  }
0xaa: {  	[dreg:$0x4] =	wrdreg $0xC0  }
0xab: {  	_ =	task [dreg:s7], $0x5FFFF  }
0xac: {  	[dreg:$0x1] =	wrdreg $0xFFFFFFFF  }
0xad: {  	[dreg:$0x0] =	wrdreg $0x60  }
0xae: {  	[dreg:$0x2] =	wrdreg s24  }
0xaf: {  	[dreg:$0x3] =	wrdreg s2  }
0xb0: {  	[dreg:$0x4] =	wrdreg $0x3F100  }
0xb1: {  	[dreg:$0x5] =	wrdreg $0x9  }
0xb2: {  	_ =	task.clear_ibuf [dreg:s7], $0x6FFFF;
	_ =	strace $0x90000046  }
0xb3: {  	s29 =	simm.s32 $0x9;
	_ =	strace $0x80000048  }
0xb4: {  	_ =	swait.ge [sflag:s29], $0x1  }
0xb5: {  	[sflag:s29] =	ssyncadd.s32 $0xFFFFFFFF  }
0xb6: {  	_ =	strace $0x90000048  }
0xb7: {  	_ =	sfence  }
0xb8: {  	s30 =	sld [smem:$0x0];
	_ =	sdelay $0x2  }
0xb9: {  	s31 =	sshll.u32 s1, $0xD;
	s1 =	sshrl.u32 s1, $0x2  }
0xba: {  	s3 =	sand.u32 $0x4000, s31;
	s1 =	sadd.s32 s1, s30  }
0xbb: {  	s0 =	sor.u32 s3, s0;
	s1 =	sshll.u32 s1, $0x11  }
0xbc: {  	s0 =	sor.u32 s1, s0  }
0xbd: {  	s0 =	sadd.s32 $0x8F2B, s0  }
0xbe: {  	[sflag:s0] =	ssyncadd.remote.s32 $0x1  }
0xbf: {  	_ =	sfence.sel $0xFFFF  }
0xc0: {  	[dreg:$0x0] =	wrdreg $0xFFFFFFFF;
	(pc) =	sbr.abs _section_cstart, $3  }
0xc1: {  	[dreg:$0x1] =	wrdreg $0xFFFFFFFF  }
0xc2: {  	_ =	task.clear_ibuf [dreg:s7], $0x2FFFF;
	_ =	strace $0x9FFFFFFF  }
0xc3: {  	(tm) =	ssettm $0x7FFFFFFF  }
tec
execute0_lowered:
.L_overlay_start_1:
0x0: {  	(tag) =	ssettag $0x1  }
0x1: {  	s5 =	rddreg [dreg:$0x0]  }
0x2: {  	s7 =	rddreg [dreg:$0x1]  }
0x3: {  	s0 =	srdreg.scid;
	s2 =	rddreg [dreg:$0x2];
	s3 =	simm.s32 $0x0  }
0x4: {  	s13 =	simm.s32 $0x2710;
	s14 =	simm.s32 $0x80;
	s15 =	simm.s32 $0x1  }
0x5: {  	s16 =	simm.s32 $0x2;
	s17 =	simm.s32 $0x10;
	s18 =	simm.s32 $0x2700  }
0x6: {  	s19 =	simm.s32 $0x0;
	s6 =	sand.u32 $0x1, s0;
	s0 =	stileid.u32  }
0x7: {  	[smem:$0x7FF] =	sst s3;
	s1 =	sshll.u32 s6, $0x4;
	s10 =	smul.u32 $0x5000, s0  }
0x8: {  	s9 =	ssub.s32 $0x2, s6;
	s12 =	smul.u32 $0x500, s0;
	s31 =	sadd.s32 s7, s6  }
0x9: {  	p0 =	seq.s32 s0, $0xF;
	s4 =	sor.u32 s0, s1;
	s1 =	rddreg [dreg:$0x3]  }
0xa: {  	_ =	strace $0x80000047;
	s11 =	sshrl.u32 s9, $0x1;
	s4 =	smul.u32 $0x4E2, s4  }
0xb: {  	s11 =	ssub.s32 s9, s11;
	s30 =	sshrl.u32 s10, $0x2;
	s9 =	sadd.s32 $0x4B00, s31  }
0xc: {  	s6 =	sadd.s32 s30, s2;
	s10 =	smax.u32 s11, $0x1;
	s11 =	simm.s32 $0x2B10  }
0xd: {  	s8 =	sadd.s32 s4, s5;
	s4 =	sadd.s32 $0xEC00, s5;
	s5 =	sadd.s32 $0xE800, s5  }
0xe: {  	s7 =	sadd.s32 $0x4A00, s8;
	s8 =	sadd.s32 s12, s31;
	s12 =	simm.s32 $0x3  }
.LBB2_1:
0xf: {  	[tilespmem:s11], [sflag:$0x3] =	stream.linear.gather [hbm4b:s5+s3], $0x1400, $0x38;
	[tilespmem:$0x5310] =	vst v63  }
0x10: {  	_ =	swait.ge [sflag:s12], $0x1400  }
0x11: {  	[sflag:s12] =	ssyncset.done $0x0  }
0x12: {  	[sflag:s12] =	ssyncadd.s32 $0xFFFFEC00  }
0x13: {  	[spmem:s6] =	stream.linear.scatter [tilespmem:s11], [sflag:$0x3], $0x1400, $0x38;
	[tilespmem:$0x5310] =	vst v63  }
0x14: {  	_ =	swait.ge [sflag:s12], $0x1400  }
0x15: {  	[sflag:s12] =	ssyncset.done $0x0  }
0x16: {  	[sflag:s12] =	ssyncadd.s32 $0xFFFFEC00  }
0x17: {  	[tilespmem:s13], [sflag:$0x3] =	stream.linear.gather [hbm4b:s4+s3], $0x400, $0x38;
	[tilespmem:$0x5310] =	vst v63  }
0x18: {  	_ =	swait.ge [sflag:s12], $0x400  }
0x19: {  	[sflag:s12] =	ssyncset.done $0x0  }
0x1a: {  	[sflag:s12] =	ssyncadd.s32 $0xFFFFFC00  }
0x1b: {  	[tilespmem:s3], [sflag:$0x3] =	stream.linear.gather [hbm4b:s7+s3], $0x2710, $0x38;
	[tilespmem:$0x5310] =	vst v63  }
0x1c: {  	_ =	swait.ge [sflag:s12], $0x2710  }
0x1d: {  	[sflag:s12] =	ssyncset.done $0x0  }
0x1e: {  	[sflag:s12] =	ssyncadd.s32 $0xFFFFD8F0  }
0x1f: {  	s20 =	simm.s32 $0x0;
	[bflag:$0x0] =	sbarrier.arrive $0xFFFF  }
0x20: {  	[spmem:s2] =	stream.indirect.scatter.add.f32 [tilespmem:s13], [sflag:$0x1], $0x8, s20, s14, $0xb8;
	[tilespmem:$0x5310] =	vst v63  }
0x21: {  	s31 =	simm.s32 $0x80  }
0x22: {  	[spmem:s2] =	stream.indirect.scatter.add.f32 [tilespmem:s13], [sflag:$0x2], $0x8, s31, s14, $0xb8;
	[tilespmem:$0x5310] =	vst v63  }
0x23: {  	_ =	swait.ge [sflag:s15], $0x400  }
0x24: {  	[sflag:s15] =	ssyncset.done $0x0  }
0x25: {  	[sflag:s15] =	ssyncadd.s32 $0xFFFFFC00  }
0x26: {  	_ =	swait.ge [sflag:s16], $0x400  }
0x27: {  	s21 =	simm.s32 $0x800;
	s20 =	simm.s32 $0x400;
	[sflag:s16] =	ssyncset.done $0x0  }
.LBB2_2:
0x28: {  	s22 =	sshra.s32 s20, $0x2  }
0x29: {  	[sflag:s16] =	ssyncadd.s32 $0xFFFFFC00;
	s20 =	smov.u32 s21;
	s23 =	sadd.s32 $0x400, s21  }
0x2a: {  	[spmem:s2] =	stream.indirect.scatter.add.f32 [tilespmem:s13], [sflag:$0x1], $0x8, s22, s14, $0xb8;
	[tilespmem:$0x5310] =	vst v63  }
0x2b: {  	p1 =	sne.s32 s21, $0x9800;
	s21 =	sadd.s32 $0x80, s22  }
0x2c: {  	[spmem:s2] =	stream.indirect.scatter.add.f32 [tilespmem:s13], [sflag:$0x2], $0x8, s21, s14, $0xb8;
	[tilespmem:$0x5310] =	vst v63  }
.Ltmp0:
0x2d: {  	_ =	swait.ge [sflag:s15], $0x400;
	(pc) =	sbr.rel @p1 .LBB2_2-.Ltmp0, $4  }
0x2e: {  	[sflag:s15] =	ssyncset.done $0x0  }
0x2f: {  	[sflag:s15] =	ssyncadd.s32 $0xFFFFFC00  }
0x30: {  	_ =	swait.ge [sflag:s16], $0x400  }
0x31: {  	s21 =	smov.u32 s23;
	[sflag:s16] =	ssyncset.done $0x0  }
0x32: {  	s20 =	sshra.s32 s20, $0x2;
	[sflag:s16] =	ssyncadd.s32 $0xFFFFFC00  }
0x33: {  	[spmem:s2] =	stream.indirect.scatter.add.f32 [tilespmem:s13], [sflag:$0x1], $0x8, s20, s14, $0xb8;
	[tilespmem:$0x5310] =	vst v63  }
0x34: {  	s20 =	sadd.s32 $0x80, s20  }
0x35: {  	[spmem:s2] =	stream.indirect.scatter.add.f32 [tilespmem:s13], [sflag:$0x2], $0x8, s20, s14, $0xb8;
	[tilespmem:$0x5310] =	vst v63  }
0x36: {  	_ =	swait.ge [sflag:s15], $0x400  }
0x37: {  	[sflag:s15] =	ssyncset.done $0x0  }
0x38: {  	[sflag:s15] =	ssyncadd.s32 $0xFFFFFC00  }
0x39: {  	_ =	swait.ge [sflag:s16], $0x400  }
0x3a: {  	[sflag:s16] =	ssyncset.done $0x0  }
0x3b: {  	[sflag:s16] =	ssyncadd.s32 $0xFFFFFC00  }
0x3c: {  	[spmem:s2] =	stream.indirect.scatter.add.f32 [tilespmem:s13], [sflag:$0x3], $0x8, s18, s17, $0xb8;
	[tilespmem:$0x5310] =	vst v63  }
0x3d: {  	_ =	swait.ge [sflag:s12], $0x80  }
0x3e: {  	[sflag:s12] =	ssyncset.done $0x0  }
0x3f: {  	[sflag:s12] =	ssyncadd.s32 $0xFFFFFF80  }
0x40: {  	[bflag:$0x0] =	sbarrier.arrive $0xFFFF  }
0x41: {  	[tilespmem:s11], [sflag:$0x3] =	stream.linear.gather [spmem:s6], $0x1400, $0x38;
	[tilespmem:$0x5310] =	vst v63  }
0x42: {  	_ =	swait.ge [sflag:s12], $0x1400  }
0x43: {  	s21 =	simm.s32 @p0 $0x10;
	[sflag:s12] =	ssyncset.done $0x0  }
0x44: {  	s22 =	simm.s32 @p0 $0x2B10;
	s20 =	simm.s32 @p0 $0x8;
	[sflag:s12] =	ssyncadd.s32 $0xFFFFEC00  }
0x45: {  	[hbm4b:s9+s20] =	stream.strided.scatter @p0 [tilespmem:s22], [sflag:$0x3], $0xC80, s21, s20, $0x38;
	[tilespmem:$0x5310] =	vst v63  }
0x46: {  	s20 =	simm.s32 @p0 $0x3  }
0x47: {  	s19 =	sadd.s32 $0x1, s19;
	_ =	swait.ge @p0 [sflag:s20], $0xC80  }
0x48: {  	p1 =	sne.s32 s19, s10;
	s21 =	simm.s32 @!p0 $0x10;
	[sflag:s20] =	ssyncset.done @p0 $0x0  }
0x49: {  	s22 =	simm.s32 @!p0 $0x2B10;
	[sflag:s20] =	ssyncadd.s32 @p0 $0xFFFFF380;
	s20 =	simm.s32 @!p0 $0x8  }
0x4a: {  	[hbm4b:s8+s20] =	stream.strided.scatter @!p0 [tilespmem:s22], [sflag:$0x3], $0x1400, s21, s20, $0x38;
	[tilespmem:$0x5310] =	vst v63  }
.Ltmp1:
0x4b: {  	_ = 	snop;
	(pc) =	sbr.rel @p1 .LBB2_1-.Ltmp1, $4  }
0x4c: {  	s20 =	simm.s32 @!p0 $0x3  }
0x4d: {  	_ =	swait.ge @!p0 [sflag:s20], $0x1400  }
0x4e: {  	[sflag:s20] =	ssyncset.done @!p0 $0x0  }
0x4f: {  	[sflag:s20] =	ssyncadd.s32 @!p0 $0xFFFFEC00  }
0x50: {  	_ =	sfence.sel $0x180000  }
0x51: {  	[bflag:$0x0] =	sbarrier.arrive $0xFFFF  }
0x52: {  	p0 =	sne.s32 s0, $0x0;
	_ =	strace $0x90000047  }
0x53: {  	s0 =	sadd.s32 @!p0 $0x100000, s1;
	[bflag:$0x2] =	sbarrier.arrive $0xFFFF  }
0x54: {  	[sflag:s0] =	ssyncadd.tile.s32 @!p0 $0x1;
	_ =	shalt  }
.Lfunc_end2:
_tile_overlayer_lowered:
.L_overlay_start_2:
0x55: {  	(tag) =	ssettag $0x2  }
0x56: {  	s0 =	rddreg [dreg:$0x0];
	s2 =	stileid.u32  }
0x57: {  	s1 =	rddreg [dreg:$0x1];
	p0 =	sne.s32 s2, $0x0  }
0x58: {  	s3 =	rddreg [dreg:$0x2];
	[bflag:$0x3] =	sbarrier.arrive $0xFFFF;
	s2 =	simm.s32 @!p0 $0x1C03  }
0x59: {  	[timem:s3], [sflag:s2] =	dma.local @!p0 [hbm:s0], s1  }
0x5a: {  	s0 =	simm.s32 @!p0 $0x3  }
0x5b: {  	_ =	swait.ge @!p0 [sflag:s0], s1  }
0x5c: {  	s1 =	ssub.s32 @!p0 $0x0, s1;
	[sflag:s0] =	ssyncset.done @!p0 $0x0  }
0x5d: {  	[sflag:s0] =	ssyncadd.s32 @!p0 s1  }
0x5e: {  	[bflag:$0x3] =	sbarrier.arrive $0xFFFF  }
0x5f: {  	_ =	shalt  }

// kernel: kernel.13.cloned.1.call-start
scs
__scs_entry_jumppad:
0x0: {  	(pc) =	sbr.rel $0x88, $3  }
0x1: {  	(tag) =	ssettag $0x0;
	lr =	simm.s32 $0x1  }
0x2: {  	[smem:$0x3F98] =	sst lr;
	_ =	strace $0xD0000000  }
0x3: {  	_ = 	snop  }
0x4: {  	_ = 	snop  }
0x5: {  	_ = 	snop  }
0x6: {  	_ = 	snop  }
0x7: {  	_ = 	snop  }
__scs_overlays_trampoline_lowered:
0x8: {  	[smem:$0x3FA7] =	sst s0  }
0x9: {  	[smem:$0x3FA8] =	sst s1  }
0xa: {  	[smem:$0x3FA9] =	sst s2  }
0xb: {  	[smem:$0x3FAA] =	sst s3  }
0xc: {  	[smem:$0x3FAB] =	sst s4  }
0xd: {  	[smem:$0x3FAC] =	sst s5  }
0xe: {  	[smem:$0x3FAD] =	sst s6  }
0xf: {  	[smem:$0x3FAE] =	sst s7  }
0x10: {  	[smem:$0x3FAF] =	sst s8  }
0x11: {  	[smem:$0x3FB0] =	sst s9;
	s0 =	simm.s32 @!p0 $0x0  }
0x12: {  	s1 =	sld [smem:$0x3F96];
	s0 =	simm.s32 @p0 $0x1  }
0x13: {  	[smem:$0x3FB1] =	sst s0;
	s0 =	simm.s32 @!p1 $0x0  }
0x14: {  	s2 =	sld [smem:$0x3F95];
	s0 =	simm.s32 @p1 $0x1  }
0x15: {  	[smem:$0x3FB2] =	sst s0;
	s0 =	simm.s32 @!p2 $0x0  }
0x16: {  	s3 =	sld [smem:$0x3FDB];
	s0 =	simm.s32 @p2 $0x1  }
0x17: {  	s4 =	simm.s32 $0x1BF5;
	[smem:$0x3FB4] =	sst s0  }
0x18: {  	s0 =	sld [smem:$0x3F97];
	_ =	swait.ge [sflag:s4], $0x0  }
0x19: {  	s7 =	sld [smem:$0x3F98]  }
0x1a: {  	s8 =	sadd.s32 $0xFFFFE003, lr  }
0x1b: {  	s9 =	sadd.s32 $0xFFFFFEF7, lr;
	s5 =	simm.s32 $0xFFFFFFFF;
	p2 =	slt.u32 s8, $0xFFFFF086  }
0x1c: {  	p1 =	slt.u32 s9, $0xF7A;
	s5 =	simm.s32 @!p2 $0x0  }
0x1d: {  	s5 =	simm.s32 @p1 $0x1;
	p0 =	seq.s32 s7, s2  }
0x1e: {  	s7 =	smul.u32 @!p0 $0xF7A, s2;
	p2 =	seq.s32 @!p0 s5, $0x0  }
0x1f: {  	s9 =	smul.u32 $0xF7A, s1;
	s8 =	simm.s32 @!p0 $0x1BF5;
	p2 =	por !p2, p0  }
0x20: {  	[sflag:s8] =	ssyncset.s32 @!p0 $0xFFFFF086;
	s6 =	sadd.s32 @!p0 s3, s7;
	s7 =	simm.s32 @!p0 $0x108  }
0x21: {  	s3 =	sadd.s32 s3, s9;
	s6 =	sadd.s32 @!p0 $0x88, s6;
	s7 =	simm.s32 @p2 $0x1082  }
0x22: {  	[simem:s7], [sflag:s8] =	dma.local @!p0 [hbm:s6], $0xF7A  }
0x23: {  	s9 =	sor.u32 $0xD0000000, s2;
	s6 =	simm.s32 $0x108;
	_ =	swait.ge @!p0 [sflag:s8], $0x0  }
0x24: {  	s3 =	sadd.s32 $0x88, s3;
	s6 =	simm.s32 @!p1 $0x1082;
	[sflag:s4] =	ssyncset.s32 $0xFFFFF086  }
0x25: {  	[simem:s6], [sflag:s4] =	dma.local [hbm:s3], $0xF7A  }
0x26: {  	[smem:$0x3F98] =	sst s1;
	(tag) =	ssettag s2;
	_ =	strace s9  }
0x27: {  	s1 =	sld [smem:$0x3FA8]  }
0x28: {  	s2 =	sld [smem:$0x3FA9]  }
0x29: {  	s4 =	sld [smem:$0x3FAB]  }
0x2a: {  	p0 =	seq.s32 s5, $0x0;
	s5 =	sld [smem:$0x3FAC]  }
0x2b: {  	s6 =	sld [smem:$0x3FAD]  }
0x2c: {  	s7 =	sld [smem:$0x3FAE]  }
0x2d: {  	s3 =	simm.s32 $0x108;
	s8 =	sld [smem:$0x3FAF]  }
0x2e: {  	s3 =	simm.s32 @!p0 $0x1082;
	s9 =	sld [smem:$0x3FB0]  }
0x2f: {  	lr =	sadd.s32 s0, s3;
	s0 =	sld [smem:$0x3FA7]  }
0x30: {  	s3 =	sld [smem:$0x3FAA]  }
0x31: {  	[smem:$0x3FB3] =	sst s10  }
0x32: {  	s10 =	sld [smem:$0x3FB1];
	_ =	sdelay $0x3  }
0x33: {  	p0 =	seq.s32 s10, $0x1;
	s10 =	sld [smem:$0x3FB3];
	_ =	sdelay $0x3  }
0x34: {  	[smem:$0x3FB3] =	sst s10  }
0x35: {  	s10 =	sld [smem:$0x3FB2];
	_ =	sdelay $0x3  }
0x36: {  	p1 =	seq.s32 s10, $0x1;
	s10 =	sld [smem:$0x3FB3];
	_ =	sdelay $0x3  }
0x37: {  	[smem:$0x3FB3] =	sst s10  }
0x38: {  	s10 =	sld [smem:$0x3FB4]  }
0x39: {  	_ = 	snop;
	(pc) =	sbr.ind lr, $3  }
0x3a: {  	_ = 	snop  }
0x3b: {  	_ = 	snop  }
0x3c: {  	p2 =	seq.s32 s10, $0x1;
	s10 =	sld [smem:$0x3FB3]  }
0x3d: {  	_ =	shalt  }
0x3e: {  	_ =	shalt  }
0x3f: {  	_ =	shalt  }
0x40: {  	_ =	shalt  }
0x41: {  	_ =	shalt  }
0x42: {  	_ =	shalt  }
0x43: {  	_ =	shalt  }
0x44: {  	_ =	shalt  }
0x45: {  	_ =	shalt  }
0x46: {  	_ =	shalt  }
0x47: {  	_ =	shalt  }
0x48: {  	_ =	shalt  }
0x49: {  	_ =	shalt  }
0x4a: {  	_ =	shalt  }
0x4b: {  	_ =	shalt  }
0x4c: {  	_ =	shalt  }
0x4d: {  	_ =	shalt  }
0x4e: {  	_ =	shalt  }
0x4f: {  	_ =	shalt  }
0x50: {  	_ =	shalt  }
0x51: {  	_ =	shalt  }
0x52: {  	_ =	shalt  }
0x53: {  	_ =	shalt  }
0x54: {  	_ =	shalt  }
0x55: {  	_ =	shalt  }
0x56: {  	_ =	shalt  }
0x57: {  	_ =	shalt  }
0x58: {  	_ =	shalt  }
0x59: {  	_ =	shalt  }
0x5a: {  	_ =	shalt  }
0x5b: {  	_ =	shalt  }
0x5c: {  	_ =	shalt  }
0x5d: {  	_ =	shalt  }
0x5e: {  	_ =	shalt  }
0x5f: {  	_ =	shalt  }
0x60: {  	_ =	shalt  }
0x61: {  	_ =	shalt  }
0x62: {  	_ =	shalt  }
0x63: {  	_ =	shalt  }
0x64: {  	_ =	shalt  }
0x65: {  	_ =	shalt  }
0x66: {  	_ =	shalt  }
0x67: {  	_ =	shalt  }
0x68: {  	_ =	shalt  }
0x69: {  	_ =	shalt  }
0x6a: {  	_ =	shalt  }
0x6b: {  	_ =	shalt  }
0x6c: {  	_ =	shalt  }
0x6d: {  	_ =	shalt  }
0x6e: {  	_ =	shalt  }
0x6f: {  	_ =	shalt  }
0x70: {  	_ =	shalt  }
0x71: {  	_ =	shalt  }
0x72: {  	_ =	shalt  }
0x73: {  	_ =	shalt  }
0x74: {  	_ =	shalt  }
0x75: {  	_ =	shalt  }
0x76: {  	_ =	shalt  }
0x77: {  	_ =	shalt  }
0x78: {  	_ =	shalt  }
0x79: {  	_ =	shalt  }
0x7a: {  	_ =	shalt  }
0x7b: {  	_ =	shalt  }
0x7c: {  	_ =	shalt  }
0x7d: {  	_ =	shalt  }
0x7e: {  	_ =	shalt  }
0x7f: {  	_ =	shalt  }
0x80: {  	_ =	shalt  }
0x81: {  	_ =	shalt  }
0x82: {  	_ =	shalt  }
0x83: {  	_ =	shalt  }
0x84: {  	_ =	shalt  }
0x85: {  	_ =	shalt  }
0x86: {  	_ =	shalt  }
0x87: {  	_ =	shalt  }
.Lfunc_end0:
.L_simem_size_0:
called_computation.1_lowered:
.L_overlay_start_0:
0x88: {  	s2 =	sld [smem:$0x3FD9]  }
0x89: {  	s3 =	sld [smem:$0x3FFE];
	_ =	sdelay $0x1  }
0x8a: {  	s1 =	srdreg.scid  }
0x8b: {  	s0 =	sand.u32 $0x1, s1  }
0x8c: {  	s17 =	sshll.u32 s0, $0xA;
	s2 =	sadd.s32 s3, s2  }
0x8d: {  	s2 =	sadd.s32 s2, s17  }
0x8e: {  	[smem:$0x3FBF] =	sst s2  }
0x8f: {  	_ = 	snop  }
0x90: {  	s2 =	sld [smem:$0x3FD0];
	(tm) =	ssettm $0x1  }
0x91: {  	s18 =	sld [smem:$0x3FFB];
	_ =	sdelay $0x3  }
0x92: {  	_ =	strace s18  }
0x93: {  	s3 =	sld [smem:$0x3FFC];
	_ =	sdelay $0x3  }
0x94: {  	_ =	strace s3  }
0x95: {  	s3 =	sld [smem:$0x3FFD];
	_ =	sdelay $0x3  }
0x96: {  	_ =	strace s3  }
0x97: {  	_ =	strace $0x8FFFFFFF  }
0x98: {  	s19 =	sld [smem:$0x3FDB];
	_ =	sdelay $0x1  }
0x99: {  	s4 =	simm.s32 $_scs_section_size  }
0x9a: {  	s5 =	simm.s32 $_size__tile_overlayer_lowered;
	s6 =	simm.s32 $_tile_overlayer_lowered  }
0x9b: {  	s22 =	simm.s32 $0x1BFF;
	s21 =	sshll.u32 s6, $0x1;
	s3 =	sadd.s32 s4, s19  }
0x9c: {  	s7 =	simm.s32 $0x0;
	s20 =	sshll.u32 s5, $0x1;
	s5 =	sadd.s32 s21, s3  }
0x9d: {  	[timem:s7], [sflag:s22] =	dma.local [hbm:s5], s20  }
0x9e: {  	_ =	swait.ge [sflag:s22], s20  }
0x9f: {  	s4 =	ssub.s32 $0x0, s20;
	[sflag:s22] =	ssyncset.done $0x0  }
0xa0: {  	[sflag:s22] =	ssyncadd.s32 s4;
	_ =	sdelay $0x1  }
0xa1: {  	s23 =	simm.s32 $0x1B8B  }
0xa2: {  	_ =	swait.ge [sflag:s23], $0x1  }
0xa3: {  	[sflag:s23] =	ssyncset.done $0x0  }
0xa4: {  	s25 =	simm.s32 $0x1B8E;
	s24 =	sld [smem:$0x3FFE];
	[sflag:s23] =	ssyncadd.s32 $0xFFFFFFFF  }
0xa5: {  	s26 =	simm.s32 $execute0_lowered;
	[smem:$0x3FD2] =	sst s25  }
0xa6: {  	s5 =	sshll.u32 s26, $0x1;
	_ =	strace $0x80000049;
	[dreg:$0x1] =	wrdreg $0xFFFFFFFF  }
0xa7: {  	s28 =	simm.s32 $_size_execute0_lowered;
	s3 =	sadd.s32 s3, s5;
	[dreg:$0x0] =	wrdreg $0x0  }
0xa8: {  	s5 =	sshll.u32 s28, $0x1;
	[dreg:$0x2] =	wrdreg s3  }
0xa9: {  	[dreg:$0x3] =	wrdreg s5  }
0xaa: {  	[dreg:$0x4] =	wrdreg $0xC0  }
0xab: {  	_ =	task [dreg:s7], $0x5FFFF  }
0xac: {  	[dreg:$0x1] =	wrdreg $0xFFFFFFFF  }
0xad: {  	[dreg:$0x0] =	wrdreg $0x60  }
0xae: {  	[dreg:$0x2] =	wrdreg s2  }
0xaf: {  	[dreg:$0x3] =	wrdreg s24  }
0xb0: {  	[dreg:$0x4] =	wrdreg $0x12C400  }
0xb1: {  	[dreg:$0x5] =	wrdreg $0x9  }
0xb2: {  	_ =	task.clear_ibuf [dreg:s7], $0x6FFFF;
	_ =	strace $0x90000049  }
0xb3: {  	s29 =	simm.s32 $0x9;
	_ =	strace $0x8000004B  }
0xb4: {  	_ =	swait.ge [sflag:s29], $0x1  }
0xb5: {  	[sflag:s29] =	ssyncadd.s32 $0xFFFFFFFF  }
0xb6: {  	_ =	strace $0x9000004B  }
0xb7: {  	_ =	sfence  }
0xb8: {  	s30 =	sld [smem:$0x0];
	_ =	sdelay $0x2  }
0xb9: {  	s31 =	sshll.u32 s1, $0xD;
	s1 =	sshrl.u32 s1, $0x2  }
0xba: {  	s3 =	sand.u32 $0x4000, s31;
	s1 =	sadd.s32 s1, s30  }
0xbb: {  	s0 =	sor.u32 s3, s0;
	s1 =	sshll.u32 s1, $0x11  }
0xbc: {  	s0 =	sor.u32 s1, s0  }
0xbd: {  	s0 =	sadd.s32 $0x8F2B, s0  }
0xbe: {  	[sflag:s0] =	ssyncadd.remote.s32 $0x1  }
0xbf: {  	_ =	sfence.sel $0xFFFF  }
0xc0: {  	[dreg:$0x0] =	wrdreg $0xFFFFFFFF;
	(pc) =	sbr.abs _section_cstart, $3  }
0xc1: {  	[dreg:$0x1] =	wrdreg $0xFFFFFFFF  }
0xc2: {  	_ =	task.clear_ibuf [dreg:s7], $0x2FFFF;
	_ =	strace $0x9FFFFFFF  }
0xc3: {  	(tm) =	ssettm $0x7FFFFFFF  }
tec
execute0_lowered:
.L_overlay_start_1:
0x0: {  	(tag) =	ssettag $0x1  }
0x1: {  	s1 =	rddreg [dreg:$0x0]  }
0x2: {  	s2 =	srdreg.scid;
	s6 =	rddreg [dreg:$0x1]  }
0x3: {  	s0 =	stileid.u32;
	s3 =	rddreg [dreg:$0x2]  }
0x4: {  	s4 =	simm.s32 $0x0;
	s16 =	simm.s32 $0x4E20;
	s17 =	simm.s32 $0x80  }
0x5: {  	s18 =	simm.s32 $0x9C40;
	s19 =	simm.s32 $0xBC40;
	s5 =	smul.u32 $0x4E20, s0  }
0x6: {  	s20 =	simm.s32 $0x1;
	s21 =	simm.s32 $0x2;
	s22 =	smul.u32 $0x280, s0  }
0x7: {  	s28 =	simm.s32 $0x40;
	s29 =	simm.s32 $0x0;
	s12 =	smul.u32 $0x28000, s0  }
0x8: {  	s10 =	sand.u32 $0x1, s2;
	[smem:$0x7FF] =	sst s4;
	s25 =	smul.u32 $0x14000, s0  }
0x9: {  	s13 =	sadd.s32 $0x4A400, s6;
	p0 =	seq.s32 s0, $0xF;
	s7 =	smul.u32 $0x4E200, s10  }
0xa: {  	_ =	strace $0x8000004A;
	s11 =	ssub.s32 $0x2, s10;
	s26 =	sshll.u32 s10, $0x6  }
0xb: {  	s30 =	sshll.u32 s10, $0x3;
	s23 =	sshrl.u32 s11, $0x1;
	s14 =	sadd.s32 $0x140, s22  }
0xc: {  	s24 =	sshrl.u32 s12, $0x2;
	s31 =	sadd.s32 s30, s13;
	s22 =	simm.s32 $0x9B20  }
0xd: {  	s7 =	sadd.s32 s5, s7;
	s5 =	sshrl.u32 s5, $0x3;
	s15 =	ssub.s32 s11, s23  }
0xe: {  	s11 =	sor.u32 s26, s25;
	s23 =	simm.s32 $0x9BA0;
	s25 =	simm.s32 $0x4E00  }
0xf: {  	s7 =	sshrl.u32 s7, $0x3;
	s9 =	sadd.s32 s5, s6;
	s5 =	sadd.s32 $0x49A00, s6  }
0x10: {  	s11 =	sshrl.u32 s11, $0x3;
	s8 =	sadd.s32 s7, s6;
	s7 =	sshll.u32 s14, $0x6  }
0x11: {  	s6 =	sadd.s32 s24, s3;
	s14 =	sshll.u32 s14, $0x7;
	s9 =	sadd.s32 $0x4A00, s9  }
0x12: {  	s10 =	sadd.s32 s13, s11;
	s24 =	simm.s32 $0x20;
	s12 =	sor.u32 s26, s14  }
0x13: {  	s7 =	sadd.s32 s7, s3;
	s8 =	sadd.s32 $0xEE00, s8;
	s12 =	sshrl.u32 s12, $0x3  }
0x14: {  	s14 =	simm.s32 $0xDC40;
	s26 =	simm.s32 $0x9C20;
	s11 =	sadd.s32 s13, s12  }
0x15: {  	s12 =	sadd.s32 $0x26C00, s31;
	s13 =	smax.u32 s15, $0x1;
	s15 =	simm.s32 $0x3  }
.LBB2_1:
0x16: {  	[tilespmem:s14], [sflag:$0x3] =	stream.linear.gather [hbm4b:s5+s4], $0x5000, $0x38;
	[tilespmem:$0x1CC40] =	vst v63  }
0x17: {  	_ =	swait.ge [sflag:s15], $0x5000  }
0x18: {  	[sflag:s15] =	ssyncset.done $0x0  }
0x19: {  	[sflag:s15] =	ssyncadd.s32 $0xFFFFB000  }
0x1a: {  	[spmem:s6] =	stream.linear.scatter [tilespmem:s14], [sflag:$0x3], $0x5000, $0x38;
	[tilespmem:$0x1CC40] =	vst v63  }
0x1b: {  	_ =	swait.ge [sflag:s15], $0x5000  }
0x1c: {  	[sflag:s15] =	ssyncset.done $0x0  }
0x1d: {  	[sflag:s15] =	ssyncadd.s32 $0xFFFFB000  }
0x1e: {  	[spmem:s7] =	stream.linear.scatter [tilespmem:s14], [sflag:$0x3], $0x5000, $0x38;
	[tilespmem:$0x1CC40] =	vst v63  }
0x1f: {  	_ =	swait.ge [sflag:s15], $0x5000  }
0x20: {  	[sflag:s15] =	ssyncset.done $0x0  }
0x21: {  	[sflag:s15] =	ssyncadd.s32 $0xFFFFB000  }
0x22: {  	[tilespmem:s4], [sflag:$0x3] =	stream.linear.gather [hbm4b:s8+s4], $0x4E20, $0x38;
	[tilespmem:$0x1CC40] =	vst v63  }
0x23: {  	_ =	swait.ge [sflag:s15], $0x4E20  }
0x24: {  	[sflag:s15] =	ssyncset.done $0x0  }
0x25: {  	[sflag:s15] =	ssyncadd.s32 $0xFFFFB1E0  }
0x26: {  	[tilespmem:s16], [sflag:$0x3] =	stream.linear.gather [hbm4b:s9+s4], $0x4E20, $0x38;
	[tilespmem:$0x1CC40] =	vst v63  }
0x27: {  	_ =	swait.ge [sflag:s15], $0x4E20  }
0x28: {  	[sflag:s15] =	ssyncset.done $0x0  }
0x29: {  	[sflag:s15] =	ssyncadd.s32 $0xFFFFB1E0  }
0x2a: {  	[bflag:$0x0] =	sbarrier.arrive $0xFFFF  }
0x2b: {  	[tilespmem:s18], [sflag:$0x1] =	stream.indirect.gather [hbm4b:s1+s17], $0x40, s4, s17, $0xb8;
	[tilespmem:$0x1CC40] =	vst v63  }
0x2c: {  	_ = 	snop  }
0x2d: {  	[tilespmem:s19], [sflag:$0x2] =	stream.indirect.gather [hbm4b:s1+s17], $0x40, s17, s17, $0xb8;
	[tilespmem:$0x1CC40] =	vst v63  }
0x2e: {  	_ =	swait.ge [sflag:s20], $0x2000  }
0x2f: {  	[sflag:s20] =	ssyncset.done $0x0  }
0x30: {  	s30 =	simm.s32 $0x4E20;
	[sflag:s20] =	ssyncadd.s32 $0xFFFFE000  }
0x31: {  	[spmem:s3] =	stream.indirect.scatter.add.f32 [tilespmem:s18], [sflag:$0x3], $0x40, s30, s17, $0xb8;
	[tilespmem:$0x1CC40] =	vst v63  }
0x32: {  	_ =	swait.ge [sflag:s15], $0x2000  }
0x33: {  	[sflag:s15] =	ssyncset.done $0x0  }
0x34: {  	s30 =	simm.s32 $0x100;
	[sflag:s15] =	ssyncadd.s32 $0xFFFFE000  }
0x35: {  	[tilespmem:s18], [sflag:$0x1] =	stream.indirect.gather [hbm4b:s1+s17], $0x40, s30, s17, $0xb8;
	[tilespmem:$0x1CC40] =	vst v63  }
0x36: {  	_ =	swait.ge [sflag:s21], $0x2000  }
0x37: {  	[sflag:s21] =	ssyncset.done $0x0  }
0x38: {  	s30 =	simm.s32 $0x4EA0;
	[sflag:s21] =	ssyncadd.s32 $0xFFFFE000  }
0x39: {  	[spmem:s3] =	stream.indirect.scatter.add.f32 [tilespmem:s19], [sflag:$0x3], $0x40, s30, s17, $0xb8;
	[tilespmem:$0x1CC40] =	vst v63  }
0x3a: {  	_ =	swait.ge [sflag:s15], $0x2000  }
0x3b: {  	[sflag:s15] =	ssyncset.done $0x0  }
0x3c: {  	s31 =	simm.s32 $0x180;
	s30 =	simm.s32 $0x400;
	[sflag:s15] =	ssyncadd.s32 $0xFFFFE000  }
.LBB2_2:
0x3d: {  	[tilespmem:s19], [sflag:$0x2] =	stream.indirect.gather [hbm4b:s1+s17], $0x40, s31, s17, $0xb8;
	[tilespmem:$0x1CC40] =	vst v63  }
0x3e: {  	s31 =	smov.u32 s30  }
0x3f: {  	p1 =	sne.s32 s30, $0x13000;
	s30 =	sadd.s32 $0x400, s30;
	_ =	swait.ge [sflag:s20], $0x2000  }
0x40: {  	s31 =	sshra.s32 s31, $0x2;
	[sflag:s20] =	ssyncset.done $0x0  }
0x41: {  	s2 =	sadd.s32 $0x4E20, s31;
	[sflag:s20] =	ssyncadd.s32 $0xFFFFE000  }
0x42: {  	[spmem:s3] =	stream.indirect.scatter.add.f32 [tilespmem:s18], [sflag:$0x3], $0x40, s2, s17, $0xb8;
	[tilespmem:$0x1CC40] =	vst v63  }
0x43: {  	_ =	swait.ge [sflag:s15], $0x2000  }
0x44: {  	[sflag:s15] =	ssyncset.done $0x0  }
0x45: {  	s2 =	sadd.s32 $0x100, s31;
	[sflag:s15] =	ssyncadd.s32 $0xFFFFE000  }
0x46: {  	[tilespmem:s18], [sflag:$0x1] =	stream.indirect.gather [hbm4b:s1+s17], $0x40, s2, s17, $0xb8;
	[tilespmem:$0x1CC40] =	vst v63  }
0x47: {  	_ =	swait.ge [sflag:s21], $0x2000  }
0x48: {  	[sflag:s21] =	ssyncset.done $0x0  }
.Ltmp0:
0x49: {  	s2 =	sadd.s32 $0x4EA0, s31;
	[sflag:s21] =	ssyncadd.s32 $0xFFFFE000;
	(pc) =	sbr.rel @p1 .LBB2_2-.Ltmp0, $4  }
0x4a: {  	[spmem:s3] =	stream.indirect.scatter.add.f32 [tilespmem:s19], [sflag:$0x3], $0x40, s2, s17, $0xb8;
	[tilespmem:$0x1CC40] =	vst v63  }
0x4b: {  	_ =	swait.ge [sflag:s15], $0x2000  }
0x4c: {  	[sflag:s15] =	ssyncset.done $0x0  }
0x4d: {  	s31 =	sadd.s32 $0x180, s31;
	[sflag:s15] =	ssyncadd.s32 $0xFFFFE000  }
0x4e: {  	[tilespmem:s19], [sflag:$0x2] =	stream.indirect.gather [hbm4b:s1+s17], $0x40, s31, s17, $0xb8;
	[tilespmem:$0x1CC40] =	vst v63  }
0x4f: {  	_ =	swait.ge [sflag:s20], $0x2000  }
0x50: {  	[sflag:s20] =	ssyncset.done $0x0  }
0x51: {  	[sflag:s20] =	ssyncadd.s32 $0xFFFFE000  }
0x52: {  	[spmem:s3] =	stream.indirect.scatter.add.f32 [tilespmem:s18], [sflag:$0x3], $0x40, s22, s17, $0xb8;
	[tilespmem:$0x1CC40] =	vst v63  }
0x53: {  	_ =	swait.ge [sflag:s15], $0x2000  }
0x54: {  	[sflag:s15] =	ssyncset.done $0x0  }
0x55: {  	[sflag:s15] =	ssyncadd.s32 $0xFFFFE000  }
0x56: {  	_ =	swait.ge [sflag:s21], $0x2000  }
0x57: {  	[sflag:s21] =	ssyncset.done $0x0  }
0x58: {  	[sflag:s21] =	ssyncadd.s32 $0xFFFFE000  }
0x59: {  	[spmem:s3] =	stream.indirect.scatter.add.f32 [tilespmem:s19], [sflag:$0x3], $0x40, s23, s17, $0xb8;
	[tilespmem:$0x1CC40] =	vst v63  }
0x5a: {  	_ =	swait.ge [sflag:s15], $0x2000  }
0x5b: {  	[sflag:s15] =	ssyncset.done $0x0  }
0x5c: {  	[sflag:s15] =	ssyncadd.s32 $0xFFFFE000  }
0x5d: {  	[tilespmem:s18], [sflag:$0x1] =	stream.indirect.gather [hbm4b:s1+s24], $0x40, s25, s24, $0xb8;
	[tilespmem:$0x1CC40] =	vst v63  }
0x5e: {  	_ =	swait.ge [sflag:s20], $0x800  }
0x5f: {  	[sflag:s20] =	ssyncset.done $0x0  }
0x60: {  	[sflag:s20] =	ssyncadd.s32 $0xFFFFF800  }
0x61: {  	[spmem:s3] =	stream.indirect.scatter.add.f32 [tilespmem:s18], [sflag:$0x3], $0x40, s26, s24, $0xb8;
	[tilespmem:$0x1CC40] =	vst v63  }
0x62: {  	_ =	swait.ge [sflag:s15], $0x800  }
0x63: {  	[sflag:s15] =	ssyncset.done $0x0  }
0x64: {  	[sflag:s15] =	ssyncadd.s32 $0xFFFFF800  }
0x65: {  	[bflag:$0x0] =	sbarrier.arrive $0xFFFF  }
0x66: {  	[tilespmem:s14], [sflag:$0x3] =	stream.linear.gather [spmem:s6], $0x5000, $0x38;
	[tilespmem:$0x1CC40] =	vst v63  }
0x67: {  	_ =	swait.ge [sflag:s15], $0x5000  }
0x68: {  	[sflag:s15] =	ssyncset.done $0x0  }
0x69: {  	[sflag:s15] =	ssyncadd.s32 $0xFFFFB000  }
0x6a: {  	[hbm4b:s10+s28] =	stream.strided.scatter [tilespmem:s14], [sflag:$0x3], $0x5000, s17, s28, $0x38;
	[tilespmem:$0x1CC40] =	vst v63  }
0x6b: {  	_ =	swait.ge [sflag:s15], $0x5000  }
0x6c: {  	[sflag:s15] =	ssyncset.done $0x0  }
0x6d: {  	[sflag:s15] =	ssyncadd.s32 $0xFFFFB000  }
0x6e: {  	[tilespmem:s14], [sflag:$0x3] =	stream.linear.gather [spmem:s7], $0x5000, $0x38;
	[tilespmem:$0x1CC40] =	vst v63  }
0x6f: {  	_ =	swait.ge [sflag:s15], $0x5000  }
0x70: {  	s2 =	simm.s32 @p0 $0x40;
	[sflag:s15] =	ssyncset.done $0x0  }
0x71: {  	s30 =	simm.s32 @p0 $0x80;
	s31 =	simm.s32 @p0 $0xDC40;
	[sflag:s15] =	ssyncadd.s32 $0xFFFFB000  }
0x72: {  	[hbm4b:s12+s2] =	stream.strided.scatter @p0 [tilespmem:s31], [sflag:$0x3], $0x1400, s30, s2, $0x38;
	[tilespmem:$0x1CC40] =	vst v63  }
0x73: {  	s2 =	simm.s32 @p0 $0x3  }
0x74: {  	s29 =	sadd.s32 $0x1, s29;
	_ =	swait.ge @p0 [sflag:s2], $0x1400  }
0x75: {  	p1 =	sne.s32 s29, s13;
	s30 =	simm.s32 @!p0 $0x80;
	[sflag:s2] =	ssyncset.done @p0 $0x0  }
0x76: {  	s31 =	simm.s32 @!p0 $0xDC40;
	[sflag:s2] =	ssyncadd.s32 @p0 $0xFFFFEC00;
	s2 =	simm.s32 @!p0 $0x40  }
0x77: {  	[hbm4b:s11+s2] =	stream.strided.scatter @!p0 [tilespmem:s31], [sflag:$0x3], $0x5000, s30, s2, $0x38;
	[tilespmem:$0x1CC40] =	vst v63  }
.Ltmp1:
0x78: {  	_ = 	snop;
	(pc) =	sbr.rel @p1 .LBB2_1-.Ltmp1, $4  }
0x79: {  	s2 =	simm.s32 @!p0 $0x3  }
0x7a: {  	_ =	swait.ge @!p0 [sflag:s2], $0x5000  }
0x7b: {  	[sflag:s2] =	ssyncset.done @!p0 $0x0  }
0x7c: {  	[sflag:s2] =	ssyncadd.s32 @!p0 $0xFFFFB000  }
0x7d: {  	_ =	sfence.sel $0x180000  }
0x7e: {  	[bflag:$0x0] =	sbarrier.arrive $0xFFFF  }
0x7f: {  	_ =	strace $0x9000004A  }
0x80: {  	[bflag:$0x2] =	sbarrier.arrive $0xFFFF  }
0x81: {  	p0 =	sne.s32 s0, $0x0;
	s0 =	rddreg [dreg:$0x3]  }
0x82: {  	s0 =	sadd.s32 @!p0 $0x100000, s0  }
0x83: {  	[sflag:s0] =	ssyncadd.tile.s32 @!p0 $0x1;
	_ =	shalt  }
.Lfunc_end2:
_tile_overlayer_lowered:
.L_overlay_start_2:
0x84: {  	(tag) =	ssettag $0x2  }
0x85: {  	s0 =	rddreg [dreg:$0x0];
	s2 =	stileid.u32  }
0x86: {  	s1 =	rddreg [dreg:$0x1];
	p0 =	sne.s32 s2, $0x0  }
0x87: {  	s3 =	rddreg [dreg:$0x2];
	[bflag:$0x3] =	sbarrier.arrive $0xFFFF;
	s2 =	simm.s32 @!p0 $0x1C03  }
0x88: {  	[timem:s3], [sflag:s2] =	dma.local @!p0 [hbm:s0], s1  }
0x89: {  	s0 =	simm.s32 @!p0 $0x3  }
0x8a: {  	_ =	swait.ge @!p0 [sflag:s0], s1  }
0x8b: {  	s1 =	ssub.s32 @!p0 $0x0, s1;
	[sflag:s0] =	ssyncset.done @!p0 $0x0  }
0x8c: {  	[sflag:s0] =	ssyncadd.s32 @!p0 s1  }
0x8d: {  	[bflag:$0x3] =	sbarrier.arrive $0xFFFF  }
0x8e: {  	_ =	shalt  }

// kernel: kernel.16.cloned.1.call-start
scs
__scs_entry_jumppad:
0x0: {  	(pc) =	sbr.rel $0x88, $3  }
0x1: {  	(tag) =	ssettag $0x0;
	lr =	simm.s32 $0x1  }
0x2: {  	[smem:$0x3F98] =	sst lr;
	_ =	strace $0xD0000000  }
0x3: {  	_ = 	snop  }
0x4: {  	_ = 	snop  }
0x5: {  	_ = 	snop  }
0x6: {  	_ = 	snop  }
0x7: {  	_ = 	snop  }
__scs_overlays_trampoline_lowered:
0x8: {  	[smem:$0x3FA7] =	sst s0  }
0x9: {  	[smem:$0x3FA8] =	sst s1  }
0xa: {  	[smem:$0x3FA9] =	sst s2  }
0xb: {  	[smem:$0x3FAA] =	sst s3  }
0xc: {  	[smem:$0x3FAB] =	sst s4  }
0xd: {  	[smem:$0x3FAC] =	sst s5  }
0xe: {  	[smem:$0x3FAD] =	sst s6  }
0xf: {  	[smem:$0x3FAE] =	sst s7  }
0x10: {  	[smem:$0x3FAF] =	sst s8  }
0x11: {  	[smem:$0x3FB0] =	sst s9;
	s0 =	simm.s32 @!p0 $0x0  }
0x12: {  	s1 =	sld [smem:$0x3F96];
	s0 =	simm.s32 @p0 $0x1  }
0x13: {  	[smem:$0x3FB1] =	sst s0;
	s0 =	simm.s32 @!p1 $0x0  }
0x14: {  	s2 =	sld [smem:$0x3F95];
	s0 =	simm.s32 @p1 $0x1  }
0x15: {  	[smem:$0x3FB2] =	sst s0;
	s0 =	simm.s32 @!p2 $0x0  }
0x16: {  	s3 =	sld [smem:$0x3FDB];
	s0 =	simm.s32 @p2 $0x1  }
0x17: {  	s4 =	simm.s32 $0x1BF5;
	[smem:$0x3FB4] =	sst s0  }
0x18: {  	s0 =	sld [smem:$0x3F97];
	_ =	swait.ge [sflag:s4], $0x0  }
0x19: {  	s7 =	sld [smem:$0x3F98]  }
0x1a: {  	s8 =	sadd.s32 $0xFFFFE003, lr  }
0x1b: {  	s9 =	sadd.s32 $0xFFFFFEF7, lr;
	s5 =	simm.s32 $0xFFFFFFFF;
	p2 =	slt.u32 s8, $0xFFFFF086  }
0x1c: {  	p1 =	slt.u32 s9, $0xF7A;
	s5 =	simm.s32 @!p2 $0x0  }
0x1d: {  	s5 =	simm.s32 @p1 $0x1;
	p0 =	seq.s32 s7, s2  }
0x1e: {  	s7 =	smul.u32 @!p0 $0xF7A, s2;
	p2 =	seq.s32 @!p0 s5, $0x0  }
0x1f: {  	s9 =	smul.u32 $0xF7A, s1;
	s8 =	simm.s32 @!p0 $0x1BF5;
	p2 =	por !p2, p0  }
0x20: {  	[sflag:s8] =	ssyncset.s32 @!p0 $0xFFFFF086;
	s6 =	sadd.s32 @!p0 s3, s7;
	s7 =	simm.s32 @!p0 $0x108  }
0x21: {  	s3 =	sadd.s32 s3, s9;
	s6 =	sadd.s32 @!p0 $0x88, s6;
	s7 =	simm.s32 @p2 $0x1082  }
0x22: {  	[simem:s7], [sflag:s8] =	dma.local @!p0 [hbm:s6], $0xF7A  }
0x23: {  	s9 =	sor.u32 $0xD0000000, s2;
	s6 =	simm.s32 $0x108;
	_ =	swait.ge @!p0 [sflag:s8], $0x0  }
0x24: {  	s3 =	sadd.s32 $0x88, s3;
	s6 =	simm.s32 @!p1 $0x1082;
	[sflag:s4] =	ssyncset.s32 $0xFFFFF086  }
0x25: {  	[simem:s6], [sflag:s4] =	dma.local [hbm:s3], $0xF7A  }
0x26: {  	[smem:$0x3F98] =	sst s1;
	(tag) =	ssettag s2;
	_ =	strace s9  }
0x27: {  	s1 =	sld [smem:$0x3FA8]  }
0x28: {  	s2 =	sld [smem:$0x3FA9]  }
0x29: {  	s4 =	sld [smem:$0x3FAB]  }
0x2a: {  	p0 =	seq.s32 s5, $0x0;
	s5 =	sld [smem:$0x3FAC]  }
0x2b: {  	s6 =	sld [smem:$0x3FAD]  }
0x2c: {  	s7 =	sld [smem:$0x3FAE]  }
0x2d: {  	s3 =	simm.s32 $0x108;
	s8 =	sld [smem:$0x3FAF]  }
0x2e: {  	s3 =	simm.s32 @!p0 $0x1082;
	s9 =	sld [smem:$0x3FB0]  }
0x2f: {  	lr =	sadd.s32 s0, s3;
	s0 =	sld [smem:$0x3FA7]  }
0x30: {  	s3 =	sld [smem:$0x3FAA]  }
0x31: {  	[smem:$0x3FB3] =	sst s10  }
0x32: {  	s10 =	sld [smem:$0x3FB1];
	_ =	sdelay $0x3  }
0x33: {  	p0 =	seq.s32 s10, $0x1;
	s10 =	sld [smem:$0x3FB3];
	_ =	sdelay $0x3  }
0x34: {  	[smem:$0x3FB3] =	sst s10  }
0x35: {  	s10 =	sld [smem:$0x3FB2];
	_ =	sdelay $0x3  }
0x36: {  	p1 =	seq.s32 s10, $0x1;
	s10 =	sld [smem:$0x3FB3];
	_ =	sdelay $0x3  }
0x37: {  	[smem:$0x3FB3] =	sst s10  }
0x38: {  	s10 =	sld [smem:$0x3FB4]  }
0x39: {  	_ = 	snop;
	(pc) =	sbr.ind lr, $3  }
0x3a: {  	_ = 	snop  }
0x3b: {  	_ = 	snop  }
0x3c: {  	p2 =	seq.s32 s10, $0x1;
	s10 =	sld [smem:$0x3FB3]  }
0x3d: {  	_ =	shalt  }
0x3e: {  	_ =	shalt  }
0x3f: {  	_ =	shalt  }
0x40: {  	_ =	shalt  }
0x41: {  	_ =	shalt  }
0x42: {  	_ =	shalt  }
0x43: {  	_ =	shalt  }
0x44: {  	_ =	shalt  }
0x45: {  	_ =	shalt  }
0x46: {  	_ =	shalt  }
0x47: {  	_ =	shalt  }
0x48: {  	_ =	shalt  }
0x49: {  	_ =	shalt  }
0x4a: {  	_ =	shalt  }
0x4b: {  	_ =	shalt  }
0x4c: {  	_ =	shalt  }
0x4d: {  	_ =	shalt  }
0x4e: {  	_ =	shalt  }
0x4f: {  	_ =	shalt  }
0x50: {  	_ =	shalt  }
0x51: {  	_ =	shalt  }
0x52: {  	_ =	shalt  }
0x53: {  	_ =	shalt  }
0x54: {  	_ =	shalt  }
0x55: {  	_ =	shalt  }
0x56: {  	_ =	shalt  }
0x57: {  	_ =	shalt  }
0x58: {  	_ =	shalt  }
0x59: {  	_ =	shalt  }
0x5a: {  	_ =	shalt  }
0x5b: {  	_ =	shalt  }
0x5c: {  	_ =	shalt  }
0x5d: {  	_ =	shalt  }
0x5e: {  	_ =	shalt  }
0x5f: {  	_ =	shalt  }
0x60: {  	_ =	shalt  }
0x61: {  	_ =	shalt  }
0x62: {  	_ =	shalt  }
0x63: {  	_ =	shalt  }
0x64: {  	_ =	shalt  }
0x65: {  	_ =	shalt  }
0x66: {  	_ =	shalt  }
0x67: {  	_ =	shalt  }
0x68: {  	_ =	shalt  }
0x69: {  	_ =	shalt  }
0x6a: {  	_ =	shalt  }
0x6b: {  	_ =	shalt  }
0x6c: {  	_ =	shalt  }
0x6d: {  	_ =	shalt  }
0x6e: {  	_ =	shalt  }
0x6f: {  	_ =	shalt  }
0x70: {  	_ =	shalt  }
0x71: {  	_ =	shalt  }
0x72: {  	_ =	shalt  }
0x73: {  	_ =	shalt  }
0x74: {  	_ =	shalt  }
0x75: {  	_ =	shalt  }
0x76: {  	_ =	shalt  }
0x77: {  	_ =	shalt  }
0x78: {  	_ =	shalt  }
0x79: {  	_ =	shalt  }
0x7a: {  	_ =	shalt  }
0x7b: {  	_ =	shalt  }
0x7c: {  	_ =	shalt  }
0x7d: {  	_ =	shalt  }
0x7e: {  	_ =	shalt  }
0x7f: {  	_ =	shalt  }
0x80: {  	_ =	shalt  }
0x81: {  	_ =	shalt  }
0x82: {  	_ =	shalt  }
0x83: {  	_ =	shalt  }
0x84: {  	_ =	shalt  }
0x85: {  	_ =	shalt  }
0x86: {  	_ =	shalt  }
0x87: {  	_ =	shalt  }
.Lfunc_end0:
.L_simem_size_0:
called_computation.2_lowered:
.L_overlay_start_0:
0x88: {  	s2 =	sld [smem:$0x3FD9]  }
0x89: {  	s3 =	sld [smem:$0x3FFE];
	_ =	sdelay $0x1  }
0x8a: {  	s1 =	srdreg.scid  }
0x8b: {  	s0 =	sand.u32 $0x1, s1  }
0x8c: {  	s17 =	sshll.u32 s0, $0xA;
	s2 =	sadd.s32 s3, s2  }
0x8d: {  	s2 =	sadd.s32 s2, s17  }
0x8e: {  	[smem:$0x3FBF] =	sst s2  }
0x8f: {  	_ = 	snop  }
0x90: {  	s2 =	sld [smem:$0x3FD0];
	(tm) =	ssettm $0x1  }
0x91: {  	s18 =	sld [smem:$0x3FFB];
	_ =	sdelay $0x3  }
0x92: {  	_ =	strace s18  }
0x93: {  	s3 =	sld [smem:$0x3FFC];
	_ =	sdelay $0x3  }
0x94: {  	_ =	strace s3  }
0x95: {  	s3 =	sld [smem:$0x3FFD];
	_ =	sdelay $0x3  }
0x96: {  	_ =	strace s3  }
0x97: {  	_ =	strace $0x8FFFFFFF  }
0x98: {  	s19 =	sld [smem:$0x3FDB];
	_ =	sdelay $0x1  }
0x99: {  	s4 =	simm.s32 $_scs_section_size  }
0x9a: {  	s5 =	simm.s32 $_size__tile_overlayer_lowered;
	s6 =	simm.s32 $_tile_overlayer_lowered  }
0x9b: {  	s22 =	simm.s32 $0x1BFF;
	s21 =	sshll.u32 s6, $0x1;
	s3 =	sadd.s32 s4, s19  }
0x9c: {  	s7 =	simm.s32 $0x0;
	s20 =	sshll.u32 s5, $0x1;
	s5 =	sadd.s32 s21, s3  }
0x9d: {  	[timem:s7], [sflag:s22] =	dma.local [hbm:s5], s20  }
0x9e: {  	_ =	swait.ge [sflag:s22], s20  }
0x9f: {  	s4 =	ssub.s32 $0x0, s20;
	[sflag:s22] =	ssyncset.done $0x0  }
0xa0: {  	[sflag:s22] =	ssyncadd.s32 s4;
	_ =	sdelay $0x1  }
0xa1: {  	s23 =	simm.s32 $0x1B8B  }
0xa2: {  	_ =	swait.ge [sflag:s23], $0x1  }
0xa3: {  	[sflag:s23] =	ssyncset.done $0x0  }
0xa4: {  	s25 =	simm.s32 $0x1B8E;
	s24 =	sld [smem:$0x3FFE];
	[sflag:s23] =	ssyncadd.s32 $0xFFFFFFFF  }
0xa5: {  	s26 =	simm.s32 $execute0_lowered;
	[smem:$0x3FD2] =	sst s25  }
0xa6: {  	s5 =	sshll.u32 s26, $0x1;
	_ =	strace $0x8000004C;
	[dreg:$0x1] =	wrdreg $0xFFFFFFFF  }
0xa7: {  	s28 =	simm.s32 $_size_execute0_lowered;
	s3 =	sadd.s32 s3, s5;
	[dreg:$0x0] =	wrdreg $0x0  }
0xa8: {  	s5 =	sshll.u32 s28, $0x1;
	[dreg:$0x2] =	wrdreg s3  }
0xa9: {  	[dreg:$0x3] =	wrdreg s5  }
0xaa: {  	[dreg:$0x4] =	wrdreg $0xC0  }
0xab: {  	_ =	task [dreg:s7], $0x5FFFF  }
0xac: {  	[dreg:$0x1] =	wrdreg $0xFFFFFFFF  }
0xad: {  	[dreg:$0x0] =	wrdreg $0x60  }
0xae: {  	[dreg:$0x2] =	wrdreg s24  }
0xaf: {  	[dreg:$0x3] =	wrdreg s2  }
0xb0: {  	[dreg:$0x4] =	wrdreg $0x5F100  }
0xb1: {  	[dreg:$0x5] =	wrdreg $0x9  }
0xb2: {  	_ =	task.clear_ibuf [dreg:s7], $0x6FFFF;
	_ =	strace $0x9000004C  }
0xb3: {  	s29 =	simm.s32 $0x9;
	_ =	strace $0x8000004E  }
0xb4: {  	_ =	swait.ge [sflag:s29], $0x1  }
0xb5: {  	[sflag:s29] =	ssyncadd.s32 $0xFFFFFFFF  }
0xb6: {  	_ =	strace $0x9000004E  }
0xb7: {  	_ =	sfence  }
0xb8: {  	s30 =	sld [smem:$0x0];
	_ =	sdelay $0x2  }
0xb9: {  	s31 =	sshll.u32 s1, $0xD;
	s1 =	sshrl.u32 s1, $0x2  }
0xba: {  	s3 =	sand.u32 $0x4000, s31;
	s1 =	sadd.s32 s1, s30  }
0xbb: {  	s0 =	sor.u32 s3, s0;
	s1 =	sshll.u32 s1, $0x11  }
0xbc: {  	s0 =	sor.u32 s1, s0  }
0xbd: {  	s0 =	sadd.s32 $0x8F2B, s0  }
0xbe: {  	[sflag:s0] =	ssyncadd.remote.s32 $0x1  }
0xbf: {  	_ =	sfence.sel $0xFFFF  }
0xc0: {  	[dreg:$0x0] =	wrdreg $0xFFFFFFFF;
	(pc) =	sbr.abs _section_cstart, $3  }
0xc1: {  	[dreg:$0x1] =	wrdreg $0xFFFFFFFF  }
0xc2: {  	_ =	task.clear_ibuf [dreg:s7], $0x2FFFF;
	_ =	strace $0x9FFFFFFF  }
0xc3: {  	(tm) =	ssettm $0x7FFFFFFF  }
tec
execute0_lowered:
.L_overlay_start_1:
0x0: {  	(tag) =	ssettag $0x1  }
0x1: {  	s0 =	rddreg [dreg:$0x0]  }
0x2: {  	s1 =	srdreg.scid;
	s12 =	rddreg [dreg:$0x1]  }
0x3: {  	s2 =	rddreg [dreg:$0x2];
	s24 =	stileid.u32;
	s3 =	simm.s32 $0x0  }
0x4: {  	s17 =	simm.s32 $0x3;
	s18 =	simm.s32 $0x2710;
	s19 =	simm.s32 $0x2F10  }
0x5: {  	s20 =	simm.s32 $0x1;
	s21 =	simm.s32 $0x80;
	s22 =	simm.s32 $0x2  }
0x6: {  	s23 =	simm.s32 $0x2600;
	s28 =	simm.s32 $0x0;
	s8 =	smul.u32 $0xA000, s24  }
0x7: {  	s11 =	sand.u32 $0x1, s1;
	[smem:$0x7FF] =	sst s3;
	s15 =	smul.u32 $0x5000, s24  }
0x8: {  	s4 =	sadd.s32 $0x553600, s0;
	s16 =	smul.u32 $0x27100, s24;
	p0 =	seq.s32 s24, $0xF  }
0x9: {  	s13 =	sshll.u32 s11, $0x4;
	_ =	strace $0x8000004D;
	s25 =	ssub.s32 $0x2, s11  }
0xa: {  	s29 =	smul.u32 $0x271000, s11;
	s30 =	sshll.u32 s11, $0x1;
	s6 =	sor.u32 s24, s13  }
0xb: {  	s10 =	sshrl.u32 s25, $0x1;
	s8 =	sshrl.u32 s8, $0x2;
	s5 =	smul.u32 $0x4E2, s6  }
0xc: {  	s13 =	sor.u32 s13, s15;
	s24 =	simm.s32 $0x2680;
	s9 =	smul.u32 $0x4E20, s6  }
0xd: {  	s14 =	smul.u32 $0x27100, s6;
	s6 =	sadd.s32 s8, s2;
	s13 =	sshrl.u32 s13, $0x3  }
0xe: {  	s16 =	sadd.s32 s16, s29;
	s11 =	sadd.s32 s12, s13;
	s12 =	sadd.s32 s30, s12  }
0xf: {  	s15 =	sadd.s32 $0x1000, s16;
	s7 =	sadd.s32 s5, s0;
	s5 =	sadd.s32 $0x71600, s0  }
0x10: {  	s0 =	ssub.s32 s25, s10;
	s26 =	sshrl.u32 s14, $0x3;
	s8 =	sadd.s32 s4, s9  }
0x11: {  	s14 =	sadd.s32 $0x1800, s16;
	s12 =	sadd.s32 $0x9600, s12;
	s16 =	simm.s32 $0x3710  }
0x12: {  	s25 =	simm.s32 $0x10;
	s7 =	sadd.s32 $0x4A00, s7;
	s10 =	sadd.s32 s4, s26  }
0x13: {  	s13 =	smax.u32 s0, $0x1;
	s31 =	sshrl.u32 s14, $0x3;
	s26 =	simm.s32 $0x2700  }
0x14: {  	s9 =	sadd.s32 $0x100, s10;
	s10 =	sadd.s32 $0x4E00, s10;
	s14 =	sadd.s32 s31, s4  }
.LBB2_1:
0x15: {  	[tilespmem:s16], [sflag:$0x3] =	stream.linear.gather [hbm4b:s5+s3], $0x2800, $0x38;
	[tilespmem:$0x8710] =	vst v63  }
0x16: {  	_ =	swait.ge [sflag:s17], $0x2800  }
0x17: {  	[sflag:s17] =	ssyncset.done $0x0  }
0x18: {  	[sflag:s17] =	ssyncadd.s32 $0xFFFFD800  }
0x19: {  	[spmem:s6] =	stream.linear.scatter [tilespmem:s16], [sflag:$0x3], $0x2800, $0x38;
	[tilespmem:$0x8710] =	vst v63  }
0x1a: {  	_ =	swait.ge [sflag:s17], $0x2800  }
0x1b: {  	[sflag:s17] =	ssyncset.done $0x0  }
0x1c: {  	[sflag:s17] =	ssyncadd.s32 $0xFFFFD800  }
0x1d: {  	[tilespmem:s3], [sflag:$0x3] =	stream.linear.gather [hbm4b:s7+s3], $0x2710, $0x38;
	[tilespmem:$0x8710] =	vst v63  }
0x1e: {  	_ =	swait.ge [sflag:s17], $0x2710  }
0x1f: {  	[sflag:s17] =	ssyncset.done $0x0  }
0x20: {  	[sflag:s17] =	ssyncadd.s32 $0xFFFFD8F0  }
0x21: {  	[bflag:$0x0] =	sbarrier.arrive $0xFFFF  }
0x22: {  	[tilespmem:s18], [sflag:$0x1] =	stream.linear.gather [hbm4b:s8+s3], $0x800, $0x38;
	[tilespmem:$0x8710] =	vst v63  }
0x23: {  	_ = 	snop  }
0x24: {  	[tilespmem:s19], [sflag:$0x2] =	stream.linear.gather [hbm4b:s9+s3], $0x800, $0x38;
	[tilespmem:$0x8710] =	vst v63  }
0x25: {  	_ =	swait.ge [sflag:s20], $0x800  }
0x26: {  	[sflag:s20] =	ssyncset.done $0x0  }
0x27: {  	s0 =	simm.s32 $0x0;
	[sflag:s20] =	ssyncadd.s32 $0xFFFFF800  }
0x28: {  	[spmem:s2] =	stream.indirect.scatter.add.f32 [tilespmem:s18], [sflag:$0x3], $0x10, s0, s21, $0xb8;
	[tilespmem:$0x8710] =	vst v63  }
0x29: {  	_ =	swait.ge [sflag:s17], $0x800  }
0x2a: {  	s1 =	sshrl.u32 s15, $0x3;
	[sflag:s17] =	ssyncset.done $0x0  }
0x2b: {  	s0 =	sadd.s32 s4, s1;
	[sflag:s17] =	ssyncadd.s32 $0xFFFFF800  }
0x2c: {  	[tilespmem:s18], [sflag:$0x1] =	stream.linear.gather [hbm4b:s0+s3], $0x800, $0x38;
	[tilespmem:$0x8710] =	vst v63  }
0x2d: {  	_ =	swait.ge [sflag:s22], $0x800  }
0x2e: {  	[sflag:s22] =	ssyncset.done $0x0  }
0x2f: {  	[sflag:s22] =	ssyncadd.s32 $0xFFFFF800  }
0x30: {  	[spmem:s2] =	stream.indirect.scatter.add.f32 [tilespmem:s19], [sflag:$0x3], $0x10, s21, s21, $0xb8;
	[tilespmem:$0x8710] =	vst v63  }
0x31: {  	_ =	swait.ge [sflag:s17], $0x800  }
0x32: {  	s29 =	simm.s32 $0x200;
	s30 =	sadd.s32 $0x1000, s15;
	[sflag:s17] =	ssyncset.done $0x0  }
0x33: {  	s31 =	simm.s32 $0x180;
	s0 =	sadd.s32 $0x0, s14;
	[sflag:s17] =	ssyncadd.s32 $0xFFFFF800  }
.LBB2_2:
0x34: {  	[tilespmem:s19], [sflag:$0x2] =	stream.linear.gather [hbm4b:s0+s3], $0x800, $0x38;
	[tilespmem:$0x8710] =	vst v63  }
0x35: {  	s0 =	smov.u32 s29  }
0x36: {  	p1 =	sne.s32 s29, $0x4A00;
	s29 =	sadd.s32 $0x200, s29;
	_ =	swait.ge [sflag:s20], $0x800  }
0x37: {  	[sflag:s20] =	ssyncset.done $0x0  }
0x38: {  	s1 =	sadd.s32 $0xFFFFFF80, s31;
	[sflag:s20] =	ssyncadd.s32 $0xFFFFF800  }
0x39: {  	[spmem:s2] =	stream.indirect.scatter.add.f32 [tilespmem:s18], [sflag:$0x3], $0x10, s1, s21, $0xb8;
	[tilespmem:$0x8710] =	vst v63  }
0x3a: {  	_ =	swait.ge [sflag:s17], $0x800  }
0x3b: {  	s1 =	sshrl.u32 s30, $0x3;
	[sflag:s17] =	ssyncset.done $0x0  }
0x3c: {  	s1 =	sadd.s32 s4, s1;
	[sflag:s17] =	ssyncadd.s32 $0xFFFFF800  }
0x3d: {  	[tilespmem:s18], [sflag:$0x1] =	stream.linear.gather [hbm4b:s1+s3], $0x800, $0x38;
	[tilespmem:$0x8710] =	vst v63  }
0x3e: {  	_ =	swait.ge [sflag:s22], $0x800  }
0x3f: {  	[sflag:s22] =	ssyncset.done $0x0  }
.Ltmp0:
0x40: {  	[sflag:s22] =	ssyncadd.s32 $0xFFFFF800;
	(pc) =	sbr.rel @p1 .LBB2_2-.Ltmp0, $4  }
0x41: {  	[spmem:s2] =	stream.indirect.scatter.add.f32 [tilespmem:s19], [sflag:$0x3], $0x10, s31, s21, $0xb8;
	[tilespmem:$0x8710] =	vst v63  }
0x42: {  	_ =	swait.ge [sflag:s17], $0x800  }
0x43: {  	s30 =	sadd.s32 $0x1000, s30;
	[sflag:s17] =	ssyncset.done $0x0  }
0x44: {  	s0 =	sadd.s32 s0, s14;
	s31 =	sadd.s32 $0x100, s31;
	[sflag:s17] =	ssyncadd.s32 $0xFFFFF800  }
0x45: {  	[tilespmem:s19], [sflag:$0x2] =	stream.linear.gather [hbm4b:s0+s3], $0x800, $0x38;
	[tilespmem:$0x8710] =	vst v63  }
0x46: {  	_ =	swait.ge [sflag:s20], $0x800  }
0x47: {  	[sflag:s20] =	ssyncset.done $0x0  }
0x48: {  	[sflag:s20] =	ssyncadd.s32 $0xFFFFF800  }
0x49: {  	[spmem:s2] =	stream.indirect.scatter.add.f32 [tilespmem:s18], [sflag:$0x3], $0x10, s23, s21, $0xb8;
	[tilespmem:$0x8710] =	vst v63  }
0x4a: {  	_ =	swait.ge [sflag:s17], $0x800  }
0x4b: {  	[sflag:s17] =	ssyncset.done $0x0  }
0x4c: {  	[sflag:s17] =	ssyncadd.s32 $0xFFFFF800  }
0x4d: {  	_ =	swait.ge [sflag:s22], $0x800  }
0x4e: {  	[sflag:s22] =	ssyncset.done $0x0  }
0x4f: {  	[sflag:s22] =	ssyncadd.s32 $0xFFFFF800  }
0x50: {  	[spmem:s2] =	stream.indirect.scatter.add.f32 [tilespmem:s19], [sflag:$0x3], $0x10, s24, s21, $0xb8;
	[tilespmem:$0x8710] =	vst v63  }
0x51: {  	_ =	swait.ge [sflag:s17], $0x800  }
0x52: {  	[sflag:s17] =	ssyncset.done $0x0  }
0x53: {  	[sflag:s17] =	ssyncadd.s32 $0xFFFFF800  }
0x54: {  	[tilespmem:s18], [sflag:$0x3] =	stream.linear.gather [hbm4b:s10+s3], $0x100, $0x38;
	[tilespmem:$0x8710] =	vst v63  }
0x55: {  	_ =	swait.ge [sflag:s17], $0x100  }
0x56: {  	[sflag:s17] =	ssyncset.done $0x0  }
0x57: {  	[sflag:s17] =	ssyncadd.s32 $0xFFFFFF00  }
0x58: {  	[spmem:s2] =	stream.indirect.scatter.add.f32 [tilespmem:s18], [sflag:$0x3], $0x10, s26, s25, $0xb8;
	[tilespmem:$0x8710] =	vst v63  }
0x59: {  	_ =	swait.ge [sflag:s17], $0x100  }
0x5a: {  	[sflag:s17] =	ssyncset.done $0x0  }
0x5b: {  	[sflag:s17] =	ssyncadd.s32 $0xFFFFFF00  }
0x5c: {  	[bflag:$0x0] =	sbarrier.arrive $0xFFFF  }
0x5d: {  	[tilespmem:s16], [sflag:$0x3] =	stream.linear.gather [spmem:s6], $0x2800, $0x38;
	[tilespmem:$0x8710] =	vst v63  }
0x5e: {  	_ =	swait.ge [sflag:s17], $0x2800  }
0x5f: {  	s0 =	simm.s32 @p0 $0x10;
	[sflag:s17] =	ssyncset.done $0x0  }
0x60: {  	s1 =	simm.s32 @p0 $0x20;
	s29 =	simm.s32 @p0 $0x3710;
	[sflag:s17] =	ssyncadd.s32 $0xFFFFD800  }
0x61: {  	[hbm4b:s12+s0] =	stream.strided.scatter @p0 [tilespmem:s29], [sflag:$0x3], $0x1900, s1, s0, $0x38;
	[tilespmem:$0x8710] =	vst v63  }
0x62: {  	s0 =	simm.s32 @p0 $0x3  }
0x63: {  	s28 =	sadd.s32 $0x1, s28;
	_ =	swait.ge @p0 [sflag:s0], $0x1900  }
0x64: {  	p1 =	sne.s32 s28, s13;
	s1 =	simm.s32 @!p0 $0x20;
	[sflag:s0] =	ssyncset.done @p0 $0x0  }
0x65: {  	s29 =	simm.s32 @!p0 $0x3710;
	[sflag:s0] =	ssyncadd.s32 @p0 $0xFFFFE700;
	s0 =	simm.s32 @!p0 $0x10  }
0x66: {  	[hbm4b:s11+s0] =	stream.strided.scatter @!p0 [tilespmem:s29], [sflag:$0x3], $0x2800, s1, s0, $0x38;
	[tilespmem:$0x8710] =	vst v63  }
.Ltmp1:
0x67: {  	_ = 	snop;
	(pc) =	sbr.rel @p1 .LBB2_1-.Ltmp1, $4  }
0x68: {  	s0 =	simm.s32 @!p0 $0x3  }
0x69: {  	_ =	swait.ge @!p0 [sflag:s0], $0x2800  }
0x6a: {  	[sflag:s0] =	ssyncset.done @!p0 $0x0  }
0x6b: {  	[sflag:s0] =	ssyncadd.s32 @!p0 $0xFFFFD800  }
0x6c: {  	_ =	sfence.sel $0x180000  }
0x6d: {  	[bflag:$0x0] =	sbarrier.arrive $0xFFFF  }
0x6e: {  	_ =	strace $0x9000004D  }
0x6f: {  	s0 =	stileid.u32;
	[bflag:$0x2] =	sbarrier.arrive $0xFFFF  }
0x70: {  	p0 =	sne.s32 s0, $0x0;
	s0 =	rddreg [dreg:$0x3]  }
0x71: {  	s0 =	sadd.s32 @!p0 $0x100000, s0  }
0x72: {  	[sflag:s0] =	ssyncadd.tile.s32 @!p0 $0x1;
	_ =	shalt  }
.Lfunc_end2:
_tile_overlayer_lowered:
.L_overlay_start_2:
0x73: {  	(tag) =	ssettag $0x2  }
0x74: {  	s0 =	rddreg [dreg:$0x0];
	s2 =	stileid.u32  }
0x75: {  	s1 =	rddreg [dreg:$0x1];
	p0 =	sne.s32 s2, $0x0  }
0x76: {  	s3 =	rddreg [dreg:$0x2];
	[bflag:$0x3] =	sbarrier.arrive $0xFFFF;
	s2 =	simm.s32 @!p0 $0x1C03  }
0x77: {  	[timem:s3], [sflag:s2] =	dma.local @!p0 [hbm:s0], s1  }
0x78: {  	s0 =	simm.s32 @!p0 $0x3  }
0x79: {  	_ =	swait.ge @!p0 [sflag:s0], s1  }
0x7a: {  	s1 =	ssub.s32 @!p0 $0x0, s1;
	[sflag:s0] =	ssyncset.done @!p0 $0x0  }
0x7b: {  	[sflag:s0] =	ssyncadd.s32 @!p0 s1  }
0x7c: {  	[bflag:$0x3] =	sbarrier.arrive $0xFFFF  }
0x7d: {  	_ =	shalt  }

// kernel: kernel.19.cloned.1.call-start
scs
__scs_entry_jumppad:
0x0: {  	(pc) =	sbr.rel $0x88, $3  }
0x1: {  	(tag) =	ssettag $0x0;
	lr =	simm.s32 $0x1  }
0x2: {  	[smem:$0x3F98] =	sst lr;
	_ =	strace $0xD0000000  }
0x3: {  	_ = 	snop  }
0x4: {  	_ = 	snop  }
0x5: {  	_ = 	snop  }
0x6: {  	_ = 	snop  }
0x7: {  	_ = 	snop  }
__scs_overlays_trampoline_lowered:
0x8: {  	[smem:$0x3FA7] =	sst s0  }
0x9: {  	[smem:$0x3FA8] =	sst s1  }
0xa: {  	[smem:$0x3FA9] =	sst s2  }
0xb: {  	[smem:$0x3FAA] =	sst s3  }
0xc: {  	[smem:$0x3FAB] =	sst s4  }
0xd: {  	[smem:$0x3FAC] =	sst s5  }
0xe: {  	[smem:$0x3FAD] =	sst s6  }
0xf: {  	[smem:$0x3FAE] =	sst s7  }
0x10: {  	[smem:$0x3FAF] =	sst s8  }
0x11: {  	[smem:$0x3FB0] =	sst s9;
	s0 =	simm.s32 @!p0 $0x0  }
0x12: {  	s1 =	sld [smem:$0x3F96];
	s0 =	simm.s32 @p0 $0x1  }
0x13: {  	[smem:$0x3FB1] =	sst s0;
	s0 =	simm.s32 @!p1 $0x0  }
0x14: {  	s2 =	sld [smem:$0x3F95];
	s0 =	simm.s32 @p1 $0x1  }
0x15: {  	[smem:$0x3FB2] =	sst s0;
	s0 =	simm.s32 @!p2 $0x0  }
0x16: {  	s3 =	sld [smem:$0x3FDB];
	s0 =	simm.s32 @p2 $0x1  }
0x17: {  	s4 =	simm.s32 $0x1BF5;
	[smem:$0x3FB4] =	sst s0  }
0x18: {  	s0 =	sld [smem:$0x3F97];
	_ =	swait.ge [sflag:s4], $0x0  }
0x19: {  	s7 =	sld [smem:$0x3F98]  }
0x1a: {  	s8 =	sadd.s32 $0xFFFFE003, lr  }
0x1b: {  	s9 =	sadd.s32 $0xFFFFFEF7, lr;
	s5 =	simm.s32 $0xFFFFFFFF;
	p2 =	slt.u32 s8, $0xFFFFF086  }
0x1c: {  	p1 =	slt.u32 s9, $0xF7A;
	s5 =	simm.s32 @!p2 $0x0  }
0x1d: {  	s5 =	simm.s32 @p1 $0x1;
	p0 =	seq.s32 s7, s2  }
0x1e: {  	s7 =	smul.u32 @!p0 $0xF7A, s2;
	p2 =	seq.s32 @!p0 s5, $0x0  }
0x1f: {  	s9 =	smul.u32 $0xF7A, s1;
	s8 =	simm.s32 @!p0 $0x1BF5;
	p2 =	por !p2, p0  }
0x20: {  	[sflag:s8] =	ssyncset.s32 @!p0 $0xFFFFF086;
	s6 =	sadd.s32 @!p0 s3, s7;
	s7 =	simm.s32 @!p0 $0x108  }
0x21: {  	s3 =	sadd.s32 s3, s9;
	s6 =	sadd.s32 @!p0 $0x88, s6;
	s7 =	simm.s32 @p2 $0x1082  }
0x22: {  	[simem:s7], [sflag:s8] =	dma.local @!p0 [hbm:s6], $0xF7A  }
0x23: {  	s9 =	sor.u32 $0xD0000000, s2;
	s6 =	simm.s32 $0x108;
	_ =	swait.ge @!p0 [sflag:s8], $0x0  }
0x24: {  	s3 =	sadd.s32 $0x88, s3;
	s6 =	simm.s32 @!p1 $0x1082;
	[sflag:s4] =	ssyncset.s32 $0xFFFFF086  }
0x25: {  	[simem:s6], [sflag:s4] =	dma.local [hbm:s3], $0xF7A  }
0x26: {  	[smem:$0x3F98] =	sst s1;
	(tag) =	ssettag s2;
	_ =	strace s9  }
0x27: {  	s1 =	sld [smem:$0x3FA8]  }
0x28: {  	s2 =	sld [smem:$0x3FA9]  }
0x29: {  	s4 =	sld [smem:$0x3FAB]  }
0x2a: {  	p0 =	seq.s32 s5, $0x0;
	s5 =	sld [smem:$0x3FAC]  }
0x2b: {  	s6 =	sld [smem:$0x3FAD]  }
0x2c: {  	s7 =	sld [smem:$0x3FAE]  }
0x2d: {  	s3 =	simm.s32 $0x108;
	s8 =	sld [smem:$0x3FAF]  }
0x2e: {  	s3 =	simm.s32 @!p0 $0x1082;
	s9 =	sld [smem:$0x3FB0]  }
0x2f: {  	lr =	sadd.s32 s0, s3;
	s0 =	sld [smem:$0x3FA7]  }
0x30: {  	s3 =	sld [smem:$0x3FAA]  }
0x31: {  	[smem:$0x3FB3] =	sst s10  }
0x32: {  	s10 =	sld [smem:$0x3FB1];
	_ =	sdelay $0x3  }
0x33: {  	p0 =	seq.s32 s10, $0x1;
	s10 =	sld [smem:$0x3FB3];
	_ =	sdelay $0x3  }
0x34: {  	[smem:$0x3FB3] =	sst s10  }
0x35: {  	s10 =	sld [smem:$0x3FB2];
	_ =	sdelay $0x3  }
0x36: {  	p1 =	seq.s32 s10, $0x1;
	s10 =	sld [smem:$0x3FB3];
	_ =	sdelay $0x3  }
0x37: {  	[smem:$0x3FB3] =	sst s10  }
0x38: {  	s10 =	sld [smem:$0x3FB4]  }
0x39: {  	_ = 	snop;
	(pc) =	sbr.ind lr, $3  }
0x3a: {  	_ = 	snop  }
0x3b: {  	_ = 	snop  }
0x3c: {  	p2 =	seq.s32 s10, $0x1;
	s10 =	sld [smem:$0x3FB3]  }
0x3d: {  	_ =	shalt  }
0x3e: {  	_ =	shalt  }
0x3f: {  	_ =	shalt  }
0x40: {  	_ =	shalt  }
0x41: {  	_ =	shalt  }
0x42: {  	_ =	shalt  }
0x43: {  	_ =	shalt  }
0x44: {  	_ =	shalt  }
0x45: {  	_ =	shalt  }
0x46: {  	_ =	shalt  }
0x47: {  	_ =	shalt  }
0x48: {  	_ =	shalt  }
0x49: {  	_ =	shalt  }
0x4a: {  	_ =	shalt  }
0x4b: {  	_ =	shalt  }
0x4c: {  	_ =	shalt  }
0x4d: {  	_ =	shalt  }
0x4e: {  	_ =	shalt  }
0x4f: {  	_ =	shalt  }
0x50: {  	_ =	shalt  }
0x51: {  	_ =	shalt  }
0x52: {  	_ =	shalt  }
0x53: {  	_ =	shalt  }
0x54: {  	_ =	shalt  }
0x55: {  	_ =	shalt  }
0x56: {  	_ =	shalt  }
0x57: {  	_ =	shalt  }
0x58: {  	_ =	shalt  }
0x59: {  	_ =	shalt  }
0x5a: {  	_ =	shalt  }
0x5b: {  	_ =	shalt  }
0x5c: {  	_ =	shalt  }
0x5d: {  	_ =	shalt  }
0x5e: {  	_ =	shalt  }
0x5f: {  	_ =	shalt  }
0x60: {  	_ =	shalt  }
0x61: {  	_ =	shalt  }
0x62: {  	_ =	shalt  }
0x63: {  	_ =	shalt  }
0x64: {  	_ =	shalt  }
0x65: {  	_ =	shalt  }
0x66: {  	_ =	shalt  }
0x67: {  	_ =	shalt  }
0x68: {  	_ =	shalt  }
0x69: {  	_ =	shalt  }
0x6a: {  	_ =	shalt  }
0x6b: {  	_ =	shalt  }
0x6c: {  	_ =	shalt  }
0x6d: {  	_ =	shalt  }
0x6e: {  	_ =	shalt  }
0x6f: {  	_ =	shalt  }
0x70: {  	_ =	shalt  }
0x71: {  	_ =	shalt  }
0x72: {  	_ =	shalt  }
0x73: {  	_ =	shalt  }
0x74: {  	_ =	shalt  }
0x75: {  	_ =	shalt  }
0x76: {  	_ =	shalt  }
0x77: {  	_ =	shalt  }
0x78: {  	_ =	shalt  }
0x79: {  	_ =	shalt  }
0x7a: {  	_ =	shalt  }
0x7b: {  	_ =	shalt  }
0x7c: {  	_ =	shalt  }
0x7d: {  	_ =	shalt  }
0x7e: {  	_ =	shalt  }
0x7f: {  	_ =	shalt  }
0x80: {  	_ =	shalt  }
0x81: {  	_ =	shalt  }
0x82: {  	_ =	shalt  }
0x83: {  	_ =	shalt  }
0x84: {  	_ =	shalt  }
0x85: {  	_ =	shalt  }
0x86: {  	_ =	shalt  }
0x87: {  	_ =	shalt  }
.Lfunc_end0:
.L_simem_size_0:
called_computation.3_lowered:
.L_overlay_start_0:
0x88: {  	s2 =	sld [smem:$0x3FD9]  }
0x89: {  	s3 =	sld [smem:$0x3FFE];
	_ =	sdelay $0x1  }
0x8a: {  	s1 =	srdreg.scid  }
0x8b: {  	s0 =	sand.u32 $0x1, s1  }
0x8c: {  	s17 =	sshll.u32 s0, $0xA;
	s2 =	sadd.s32 s3, s2  }
0x8d: {  	s2 =	sadd.s32 s2, s17  }
0x8e: {  	[smem:$0x3FBF] =	sst s2  }
0x8f: {  	_ = 	snop  }
0x90: {  	s2 =	sld [smem:$0x3FD0];
	(tm) =	ssettm $0x1  }
0x91: {  	s18 =	sld [smem:$0x3FFB];
	_ =	sdelay $0x3  }
0x92: {  	_ =	strace s18  }
0x93: {  	s3 =	sld [smem:$0x3FFC];
	_ =	sdelay $0x3  }
0x94: {  	_ =	strace s3  }
0x95: {  	s3 =	sld [smem:$0x3FFD];
	_ =	sdelay $0x3  }
0x96: {  	_ =	strace s3  }
0x97: {  	_ =	strace $0x8FFFFFFF  }
0x98: {  	s19 =	sld [smem:$0x3FDB];
	_ =	sdelay $0x1  }
0x99: {  	s4 =	simm.s32 $_scs_section_size  }
0x9a: {  	s5 =	simm.s32 $_size__tile_overlayer_lowered;
	s6 =	simm.s32 $_tile_overlayer_lowered  }
0x9b: {  	s22 =	simm.s32 $0x1BFF;
	s21 =	sshll.u32 s6, $0x1;
	s3 =	sadd.s32 s4, s19  }
0x9c: {  	s7 =	simm.s32 $0x0;
	s20 =	sshll.u32 s5, $0x1;
	s5 =	sadd.s32 s21, s3  }
0x9d: {  	[timem:s7], [sflag:s22] =	dma.local [hbm:s5], s20  }
0x9e: {  	_ =	swait.ge [sflag:s22], s20  }
0x9f: {  	s4 =	ssub.s32 $0x0, s20;
	[sflag:s22] =	ssyncset.done $0x0  }
0xa0: {  	[sflag:s22] =	ssyncadd.s32 s4;
	_ =	sdelay $0x1  }
0xa1: {  	s23 =	simm.s32 $0x1B8B  }
0xa2: {  	_ =	swait.ge [sflag:s23], $0x1  }
0xa3: {  	[sflag:s23] =	ssyncset.done $0x0  }
0xa4: {  	s25 =	simm.s32 $0x1B8E;
	s24 =	sld [smem:$0x3FFE];
	[sflag:s23] =	ssyncadd.s32 $0xFFFFFFFF  }
0xa5: {  	s26 =	simm.s32 $execute0_lowered;
	[smem:$0x3FD2] =	sst s25  }
0xa6: {  	s5 =	sshll.u32 s26, $0x1;
	_ =	strace $0x8000004F;
	[dreg:$0x1] =	wrdreg $0xFFFFFFFF  }
0xa7: {  	s28 =	simm.s32 $_size_execute0_lowered;
	s3 =	sadd.s32 s3, s5;
	[dreg:$0x0] =	wrdreg $0x0  }
0xa8: {  	s5 =	sshll.u32 s28, $0x1;
	[dreg:$0x2] =	wrdreg s3  }
0xa9: {  	[dreg:$0x3] =	wrdreg s5  }
0xaa: {  	[dreg:$0x4] =	wrdreg $0xC0  }
0xab: {  	_ =	task [dreg:s7], $0x5FFFF  }
0xac: {  	[dreg:$0x1] =	wrdreg $0xFFFFFFFF  }
0xad: {  	[dreg:$0x0] =	wrdreg $0x60  }
0xae: {  	[dreg:$0x2] =	wrdreg s2  }
0xaf: {  	[dreg:$0x3] =	wrdreg s24  }
0xb0: {  	[dreg:$0x4] =	wrdreg $0x12C400  }
0xb1: {  	[dreg:$0x5] =	wrdreg $0x9  }
0xb2: {  	_ =	task.clear_ibuf [dreg:s7], $0x6FFFF;
	_ =	strace $0x9000004F  }
0xb3: {  	s29 =	simm.s32 $0x9;
	_ =	strace $0x80000051  }
0xb4: {  	_ =	swait.ge [sflag:s29], $0x1  }
0xb5: {  	[sflag:s29] =	ssyncadd.s32 $0xFFFFFFFF  }
0xb6: {  	_ =	strace $0x90000051  }
0xb7: {  	_ =	sfence  }
0xb8: {  	s30 =	sld [smem:$0x0];
	_ =	sdelay $0x2  }
0xb9: {  	s31 =	sshll.u32 s1, $0xD;
	s1 =	sshrl.u32 s1, $0x2  }
0xba: {  	s3 =	sand.u32 $0x4000, s31;
	s1 =	sadd.s32 s1, s30  }
0xbb: {  	s0 =	sor.u32 s3, s0;
	s1 =	sshll.u32 s1, $0x11  }
0xbc: {  	s0 =	sor.u32 s1, s0  }
0xbd: {  	s0 =	sadd.s32 $0x8F2B, s0  }
0xbe: {  	[sflag:s0] =	ssyncadd.remote.s32 $0x1  }
0xbf: {  	_ =	sfence.sel $0xFFFF  }
0xc0: {  	[dreg:$0x0] =	wrdreg $0xFFFFFFFF;
	(pc) =	sbr.abs _section_cstart, $3  }
0xc1: {  	[dreg:$0x1] =	wrdreg $0xFFFFFFFF  }
0xc2: {  	_ =	task.clear_ibuf [dreg:s7], $0x2FFFF;
	_ =	strace $0x9FFFFFFF  }
0xc3: {  	(tm) =	ssettm $0x7FFFFFFF  }
tec
execute0_lowered:
.L_overlay_start_1:
0x0: {  	(tag) =	ssettag $0x1  }
0x1: {  	s1 =	rddreg [dreg:$0x0]  }
0x2: {  	s2 =	srdreg.scid;
	s6 =	rddreg [dreg:$0x1]  }
0x3: {  	s0 =	stileid.u32;
	s3 =	rddreg [dreg:$0x2]  }
0x4: {  	s4 =	simm.s32 $0x0;
	s16 =	simm.s32 $0x4E20;
	s17 =	simm.s32 $0x80  }
0x5: {  	s18 =	simm.s32 $0x9C40;
	s19 =	simm.s32 $0xBC40;
	s5 =	smul.u32 $0x4E20, s0  }
0x6: {  	s20 =	simm.s32 $0x1;
	s21 =	simm.s32 $0x2;
	s22 =	smul.u32 $0x280, s0  }
0x7: {  	s28 =	simm.s32 $0x40;
	s29 =	simm.s32 $0x0;
	s12 =	smul.u32 $0x28000, s0  }
0x8: {  	s10 =	sand.u32 $0x1, s2;
	[smem:$0x7FF] =	sst s4;
	s25 =	smul.u32 $0x14000, s0  }
0x9: {  	s13 =	sadd.s32 $0x4A400, s6;
	p0 =	seq.s32 s0, $0xF;
	s7 =	smul.u32 $0x4E200, s10  }
0xa: {  	_ =	strace $0x80000050;
	s11 =	ssub.s32 $0x2, s10;
	s26 =	sshll.u32 s10, $0x6  }
0xb: {  	s30 =	sshll.u32 s10, $0x3;
	s23 =	sshrl.u32 s11, $0x1;
	s14 =	sadd.s32 $0x140, s22  }
0xc: {  	s24 =	sshrl.u32 s12, $0x2;
	s31 =	sadd.s32 s30, s13;
	s22 =	simm.s32 $0x9B20  }
0xd: {  	s7 =	sadd.s32 s5, s7;
	s5 =	sshrl.u32 s5, $0x3;
	s15 =	ssub.s32 s11, s23  }
0xe: {  	s11 =	sor.u32 s26, s25;
	s23 =	simm.s32 $0x9BA0;
	s25 =	simm.s32 $0x4E00  }
0xf: {  	s7 =	sshrl.u32 s7, $0x3;
	s9 =	sadd.s32 s5, s6;
	s5 =	sadd.s32 $0x49A00, s6  }
0x10: {  	s11 =	sshrl.u32 s11, $0x3;
	s8 =	sadd.s32 s7, s6;
	s7 =	sshll.u32 s14, $0x6  }
0x11: {  	s6 =	sadd.s32 s24, s3;
	s14 =	sshll.u32 s14, $0x7;
	s9 =	sadd.s32 $0x4A00, s9  }
0x12: {  	s10 =	sadd.s32 s13, s11;
	s24 =	simm.s32 $0x20;
	s12 =	sor.u32 s26, s14  }
0x13: {  	s7 =	sadd.s32 s7, s3;
	s8 =	sadd.s32 $0xEE00, s8;
	s12 =	sshrl.u32 s12, $0x3  }
0x14: {  	s14 =	simm.s32 $0xDC40;
	s26 =	simm.s32 $0x9C20;
	s11 =	sadd.s32 s13, s12  }
0x15: {  	s12 =	sadd.s32 $0x26C00, s31;
	s13 =	smax.u32 s15, $0x1;
	s15 =	simm.s32 $0x3  }
.LBB2_1:
0x16: {  	[tilespmem:s14], [sflag:$0x3] =	stream.linear.gather [hbm4b:s5+s4], $0x5000, $0x38;
	[tilespmem:$0x1CC40] =	vst v63  }
0x17: {  	_ =	swait.ge [sflag:s15], $0x5000  }
0x18: {  	[sflag:s15] =	ssyncset.done $0x0  }
0x19: {  	[sflag:s15] =	ssyncadd.s32 $0xFFFFB000  }
0x1a: {  	[spmem:s6] =	stream.linear.scatter [tilespmem:s14], [sflag:$0x3], $0x5000, $0x38;
	[tilespmem:$0x1CC40] =	vst v63  }
0x1b: {  	_ =	swait.ge [sflag:s15], $0x5000  }
0x1c: {  	[sflag:s15] =	ssyncset.done $0x0  }
0x1d: {  	[sflag:s15] =	ssyncadd.s32 $0xFFFFB000  }
0x1e: {  	[spmem:s7] =	stream.linear.scatter [tilespmem:s14], [sflag:$0x3], $0x5000, $0x38;
	[tilespmem:$0x1CC40] =	vst v63  }
0x1f: {  	_ =	swait.ge [sflag:s15], $0x5000  }
0x20: {  	[sflag:s15] =	ssyncset.done $0x0  }
0x21: {  	[sflag:s15] =	ssyncadd.s32 $0xFFFFB000  }
0x22: {  	[tilespmem:s4], [sflag:$0x3] =	stream.linear.gather [hbm4b:s8+s4], $0x4E20, $0x38;
	[tilespmem:$0x1CC40] =	vst v63  }
0x23: {  	_ =	swait.ge [sflag:s15], $0x4E20  }
0x24: {  	[sflag:s15] =	ssyncset.done $0x0  }
0x25: {  	[sflag:s15] =	ssyncadd.s32 $0xFFFFB1E0  }
0x26: {  	[tilespmem:s16], [sflag:$0x3] =	stream.linear.gather [hbm4b:s9+s4], $0x4E20, $0x38;
	[tilespmem:$0x1CC40] =	vst v63  }
0x27: {  	_ =	swait.ge [sflag:s15], $0x4E20  }
0x28: {  	[sflag:s15] =	ssyncset.done $0x0  }
0x29: {  	[sflag:s15] =	ssyncadd.s32 $0xFFFFB1E0  }
0x2a: {  	[bflag:$0x0] =	sbarrier.arrive $0xFFFF  }
0x2b: {  	[tilespmem:s18], [sflag:$0x1] =	stream.indirect.gather [hbm4b:s1+s17], $0x40, s4, s17, $0xb8;
	[tilespmem:$0x1CC40] =	vst v63  }
0x2c: {  	_ = 	snop  }
0x2d: {  	[tilespmem:s19], [sflag:$0x2] =	stream.indirect.gather [hbm4b:s1+s17], $0x40, s17, s17, $0xb8;
	[tilespmem:$0x1CC40] =	vst v63  }
0x2e: {  	_ =	swait.ge [sflag:s20], $0x2000  }
0x2f: {  	[sflag:s20] =	ssyncset.done $0x0  }
0x30: {  	s30 =	simm.s32 $0x4E20;
	[sflag:s20] =	ssyncadd.s32 $0xFFFFE000  }
0x31: {  	[spmem:s3] =	stream.indirect.scatter.add.f32 [tilespmem:s18], [sflag:$0x3], $0x40, s30, s17, $0xb8;
	[tilespmem:$0x1CC40] =	vst v63  }
0x32: {  	_ =	swait.ge [sflag:s15], $0x2000  }
0x33: {  	[sflag:s15] =	ssyncset.done $0x0  }
0x34: {  	s30 =	simm.s32 $0x100;
	[sflag:s15] =	ssyncadd.s32 $0xFFFFE000  }
0x35: {  	[tilespmem:s18], [sflag:$0x1] =	stream.indirect.gather [hbm4b:s1+s17], $0x40, s30, s17, $0xb8;
	[tilespmem:$0x1CC40] =	vst v63  }
0x36: {  	_ =	swait.ge [sflag:s21], $0x2000  }
0x37: {  	[sflag:s21] =	ssyncset.done $0x0  }
0x38: {  	s30 =	simm.s32 $0x4EA0;
	[sflag:s21] =	ssyncadd.s32 $0xFFFFE000  }
0x39: {  	[spmem:s3] =	stream.indirect.scatter.add.f32 [tilespmem:s19], [sflag:$0x3], $0x40, s30, s17, $0xb8;
	[tilespmem:$0x1CC40] =	vst v63  }
0x3a: {  	_ =	swait.ge [sflag:s15], $0x2000  }
0x3b: {  	[sflag:s15] =	ssyncset.done $0x0  }
0x3c: {  	s31 =	simm.s32 $0x180;
	s30 =	simm.s32 $0x400;
	[sflag:s15] =	ssyncadd.s32 $0xFFFFE000  }
.LBB2_2:
0x3d: {  	[tilespmem:s19], [sflag:$0x2] =	stream.indirect.gather [hbm4b:s1+s17], $0x40, s31, s17, $0xb8;
	[tilespmem:$0x1CC40] =	vst v63  }
0x3e: {  	s31 =	smov.u32 s30  }
0x3f: {  	p1 =	sne.s32 s30, $0x13000;
	s30 =	sadd.s32 $0x400, s30;
	_ =	swait.ge [sflag:s20], $0x2000  }
0x40: {  	s31 =	sshra.s32 s31, $0x2;
	[sflag:s20] =	ssyncset.done $0x0  }
0x41: {  	s2 =	sadd.s32 $0x4E20, s31;
	[sflag:s20] =	ssyncadd.s32 $0xFFFFE000  }
0x42: {  	[spmem:s3] =	stream.indirect.scatter.add.f32 [tilespmem:s18], [sflag:$0x3], $0x40, s2, s17, $0xb8;
	[tilespmem:$0x1CC40] =	vst v63  }
0x43: {  	_ =	swait.ge [sflag:s15], $0x2000  }
0x44: {  	[sflag:s15] =	ssyncset.done $0x0  }
0x45: {  	s2 =	sadd.s32 $0x100, s31;
	[sflag:s15] =	ssyncadd.s32 $0xFFFFE000  }
0x46: {  	[tilespmem:s18], [sflag:$0x1] =	stream.indirect.gather [hbm4b:s1+s17], $0x40, s2, s17, $0xb8;
	[tilespmem:$0x1CC40] =	vst v63  }
0x47: {  	_ =	swait.ge [sflag:s21], $0x2000  }
0x48: {  	[sflag:s21] =	ssyncset.done $0x0  }
.Ltmp0:
0x49: {  	s2 =	sadd.s32 $0x4EA0, s31;
	[sflag:s21] =	ssyncadd.s32 $0xFFFFE000;
	(pc) =	sbr.rel @p1 .LBB2_2-.Ltmp0, $4  }
0x4a: {  	[spmem:s3] =	stream.indirect.scatter.add.f32 [tilespmem:s19], [sflag:$0x3], $0x40, s2, s17, $0xb8;
	[tilespmem:$0x1CC40] =	vst v63  }
0x4b: {  	_ =	swait.ge [sflag:s15], $0x2000  }
0x4c: {  	[sflag:s15] =	ssyncset.done $0x0  }
0x4d: {  	s31 =	sadd.s32 $0x180, s31;
	[sflag:s15] =	ssyncadd.s32 $0xFFFFE000  }
0x4e: {  	[tilespmem:s19], [sflag:$0x2] =	stream.indirect.gather [hbm4b:s1+s17], $0x40, s31, s17, $0xb8;
	[tilespmem:$0x1CC40] =	vst v63  }
0x4f: {  	_ =	swait.ge [sflag:s20], $0x2000  }
0x50: {  	[sflag:s20] =	ssyncset.done $0x0  }
0x51: {  	[sflag:s20] =	ssyncadd.s32 $0xFFFFE000  }
0x52: {  	[spmem:s3] =	stream.indirect.scatter.add.f32 [tilespmem:s18], [sflag:$0x3], $0x40, s22, s17, $0xb8;
	[tilespmem:$0x1CC40] =	vst v63  }
0x53: {  	_ =	swait.ge [sflag:s15], $0x2000  }
0x54: {  	[sflag:s15] =	ssyncset.done $0x0  }
0x55: {  	[sflag:s15] =	ssyncadd.s32 $0xFFFFE000  }
0x56: {  	_ =	swait.ge [sflag:s21], $0x2000  }
0x57: {  	[sflag:s21] =	ssyncset.done $0x0  }
0x58: {  	[sflag:s21] =	ssyncadd.s32 $0xFFFFE000  }
0x59: {  	[spmem:s3] =	stream.indirect.scatter.add.f32 [tilespmem:s19], [sflag:$0x3], $0x40, s23, s17, $0xb8;
	[tilespmem:$0x1CC40] =	vst v63  }
0x5a: {  	_ =	swait.ge [sflag:s15], $0x2000  }
0x5b: {  	[sflag:s15] =	ssyncset.done $0x0  }
0x5c: {  	[sflag:s15] =	ssyncadd.s32 $0xFFFFE000  }
0x5d: {  	[tilespmem:s18], [sflag:$0x1] =	stream.indirect.gather [hbm4b:s1+s24], $0x40, s25, s24, $0xb8;
	[tilespmem:$0x1CC40] =	vst v63  }
0x5e: {  	_ =	swait.ge [sflag:s20], $0x800  }
0x5f: {  	[sflag:s20] =	ssyncset.done $0x0  }
0x60: {  	[sflag:s20] =	ssyncadd.s32 $0xFFFFF800  }
0x61: {  	[spmem:s3] =	stream.indirect.scatter.add.f32 [tilespmem:s18], [sflag:$0x3], $0x40, s26, s24, $0xb8;
	[tilespmem:$0x1CC40] =	vst v63  }
0x62: {  	_ =	swait.ge [sflag:s15], $0x800  }
0x63: {  	[sflag:s15] =	ssyncset.done $0x0  }
0x64: {  	[sflag:s15] =	ssyncadd.s32 $0xFFFFF800  }
0x65: {  	[bflag:$0x0] =	sbarrier.arrive $0xFFFF  }
0x66: {  	[tilespmem:s14], [sflag:$0x3] =	stream.linear.gather [spmem:s6], $0x5000, $0x38;
	[tilespmem:$0x1CC40] =	vst v63  }
0x67: {  	_ =	swait.ge [sflag:s15], $0x5000  }
0x68: {  	[sflag:s15] =	ssyncset.done $0x0  }
0x69: {  	[sflag:s15] =	ssyncadd.s32 $0xFFFFB000  }
0x6a: {  	[hbm4b:s10+s28] =	stream.strided.scatter [tilespmem:s14], [sflag:$0x3], $0x5000, s17, s28, $0x38;
	[tilespmem:$0x1CC40] =	vst v63  }
0x6b: {  	_ =	swait.ge [sflag:s15], $0x5000  }
0x6c: {  	[sflag:s15] =	ssyncset.done $0x0  }
0x6d: {  	[sflag:s15] =	ssyncadd.s32 $0xFFFFB000  }
0x6e: {  	[tilespmem:s14], [sflag:$0x3] =	stream.linear.gather [spmem:s7], $0x5000, $0x38;
	[tilespmem:$0x1CC40] =	vst v63  }
0x6f: {  	_ =	swait.ge [sflag:s15], $0x5000  }
0x70: {  	s2 =	simm.s32 @p0 $0x40;
	[sflag:s15] =	ssyncset.done $0x0  }
0x71: {  	s30 =	simm.s32 @p0 $0x80;
	s31 =	simm.s32 @p0 $0xDC40;
	[sflag:s15] =	ssyncadd.s32 $0xFFFFB000  }
0x72: {  	[hbm4b:s12+s2] =	stream.strided.scatter @p0 [tilespmem:s31], [sflag:$0x3], $0x1400, s30, s2, $0x38;
	[tilespmem:$0x1CC40] =	vst v63  }
0x73: {  	s2 =	simm.s32 @p0 $0x3  }
0x74: {  	s29 =	sadd.s32 $0x1, s29;
	_ =	swait.ge @p0 [sflag:s2], $0x1400  }
0x75: {  	p1 =	sne.s32 s29, s13;
	s30 =	simm.s32 @!p0 $0x80;
	[sflag:s2] =	ssyncset.done @p0 $0x0  }
0x76: {  	s31 =	simm.s32 @!p0 $0xDC40;
	[sflag:s2] =	ssyncadd.s32 @p0 $0xFFFFEC00;
	s2 =	simm.s32 @!p0 $0x40  }
0x77: {  	[hbm4b:s11+s2] =	stream.strided.scatter @!p0 [tilespmem:s31], [sflag:$0x3], $0x5000, s30, s2, $0x38;
	[tilespmem:$0x1CC40] =	vst v63  }
.Ltmp1:
0x78: {  	_ = 	snop;
	(pc) =	sbr.rel @p1 .LBB2_1-.Ltmp1, $4  }
0x79: {  	s2 =	simm.s32 @!p0 $0x3  }
0x7a: {  	_ =	swait.ge @!p0 [sflag:s2], $0x5000  }
0x7b: {  	[sflag:s2] =	ssyncset.done @!p0 $0x0  }
0x7c: {  	[sflag:s2] =	ssyncadd.s32 @!p0 $0xFFFFB000  }
0x7d: {  	_ =	sfence.sel $0x180000  }
0x7e: {  	[bflag:$0x0] =	sbarrier.arrive $0xFFFF  }
0x7f: {  	_ =	strace $0x90000050  }
0x80: {  	[bflag:$0x2] =	sbarrier.arrive $0xFFFF  }
0x81: {  	p0 =	sne.s32 s0, $0x0;
	s0 =	rddreg [dreg:$0x3]  }
0x82: {  	s0 =	sadd.s32 @!p0 $0x100000, s0  }
0x83: {  	[sflag:s0] =	ssyncadd.tile.s32 @!p0 $0x1;
	_ =	shalt  }
.Lfunc_end2:
_tile_overlayer_lowered:
.L_overlay_start_2:
0x84: {  	(tag) =	ssettag $0x2  }
0x85: {  	s0 =	rddreg [dreg:$0x0];
	s2 =	stileid.u32  }
0x86: {  	s1 =	rddreg [dreg:$0x1];
	p0 =	sne.s32 s2, $0x0  }
0x87: {  	s3 =	rddreg [dreg:$0x2];
	[bflag:$0x3] =	sbarrier.arrive $0xFFFF;
	s2 =	simm.s32 @!p0 $0x1C03  }
0x88: {  	[timem:s3], [sflag:s2] =	dma.local @!p0 [hbm:s0], s1  }
0x89: {  	s0 =	simm.s32 @!p0 $0x3  }
0x8a: {  	_ =	swait.ge @!p0 [sflag:s0], s1  }
0x8b: {  	s1 =	ssub.s32 @!p0 $0x0, s1;
	[sflag:s0] =	ssyncset.done @!p0 $0x0  }
0x8c: {  	[sflag:s0] =	ssyncadd.s32 @!p0 s1  }
0x8d: {  	[bflag:$0x3] =	sbarrier.arrive $0xFFFF  }
0x8e: {  	_ =	shalt  }

</sc_bundles>
